<compile_context>
chip_gen: v7x
topology: tpu7x:2x2x1
jax: 0.10.2.dev20260603
libtpu: 0.0.44.dev20260713+nightly
codegen_flags: <defaults>
</compile_context>

<pallas_src>
import functools

import jax
import jax.numpy as jnp
from jax import lax
from jax.experimental import pallas as pl
from jax.experimental.pallas import tpu as pltpu
from jax.experimental.pallas import tpu_sc as plsc

N = 10000
E = 160000
D = 256
DH = 128
NC = 2
NS = 16
ROWS_MAIN = 632
ROWS_LAST = 520
BLK = 400
NBLK = N // BLK

DEG_EDGES_PER_W = E // (NC * NS)
DEG_CHUNK = 40
DEG_NCHUNK = DEG_EDGES_PER_W // DEG_CHUNK
DEG_NBUF = 5
DEG_OUTER = DEG_NCHUNK // DEG_NBUF
DEG_W = 128
DEG_WOUT = 16

PROP_EDGES_PER_SUB = E // NS
PROP_CHUNK = 40
PROP_NCHUNK = PROP_EDGES_PER_SUB // PROP_CHUNK
PROP_NBUF = 5
PROP_OUTER = PROP_NCHUNK // PROP_NBUF
PROP_EPI = PROP_NCHUNK - PROP_OUTER * PROP_NBUF

_MESH = plsc.VectorSubcoreMesh(core_axis_name="c", subcore_axis_name="s")



@functools.partial(
    pl.kernel,
    out_type=jax.ShapeDtypeStruct((NC, N, DEG_W), jnp.float32),
    mesh=_MESH,
    scratch_types=[
        pltpu.VMEM((DEG_EDGES_PER_W,), jnp.int32),
        pltpu.VMEM((DEG_CHUNK, DEG_W), jnp.float32),
        pltpu.VMEM_SHARED((N, DEG_W), jnp.float32),
        pltpu.SemaphoreType.DMA,
        pltpu.SemaphoreType.DMA,
        pltpu.SemaphoreType.DMA,
    ],
)
def _deg_kernel(dst_hbm, zeros_hbm, ones_hbm, degp_hbm, dst_all, ones_v,
                acc_sh, sem, psem0, psem1):
    c = lax.axis_index("c")
    s = lax.axis_index("s")
    w = c * NS + s
    pd = [
        pltpu.async_copy(ones_hbm, ones_v, psem0),
        pltpu.async_copy(
            dst_hbm.at[pl.ds(w * DEG_EDGES_PER_W, DEG_EDGES_PER_W)], dst_all,
            psem1),
    ]

    @pl.when(s < NS - 1)
    def _():
        pltpu.sync_copy(zeros_hbm.at[pl.ds(0, ROWS_MAIN), :],
                        acc_sh.at[pl.ds(s * ROWS_MAIN, ROWS_MAIN), :])

    @pl.when(s == NS - 1)
    def _():
        pltpu.sync_copy(zeros_hbm.at[pl.ds(0, ROWS_LAST), :],
                        acc_sh.at[pl.ds((NS - 1) * ROWS_MAIN, ROWS_LAST), :])

    for d in pd:
        d.wait()
    plsc.subcore_barrier()

    def body(t, carry):
        j0 = t * DEG_NBUF
        for b in range(DEG_NBUF):
            @pl.when(t > 0)
            def _():
                pltpu.make_async_copy(zeros_hbm.at[pl.ds(0, DEG_CHUNK), :],
                                      ones_v, sem).wait()
            idx = dst_all.at[pl.ds((j0 + b) * DEG_CHUNK, DEG_CHUNK)]
            pltpu.async_copy(ones_v, acc_sh.at[idx], sem, add=True)
        return carry

    lax.fori_loop(0, DEG_OUTER, body, 0)
    for b in range(DEG_NBUF):
        pltpu.make_async_copy(zeros_hbm.at[pl.ds(0, DEG_CHUNK), :],
                              ones_v, sem).wait()
    plsc.subcore_barrier()

    @pl.when(s < NS - 1)
    def _():
        pltpu.sync_copy(acc_sh.at[pl.ds(s * ROWS_MAIN, ROWS_MAIN), :],
                        degp_hbm.at[c, pl.ds(s * ROWS_MAIN, ROWS_MAIN), :])

    @pl.when(s == NS - 1)
    def _():
        pltpu.sync_copy(acc_sh.at[pl.ds((NS - 1) * ROWS_MAIN, ROWS_LAST), :],
                        degp_hbm.at[c, pl.ds((NS - 1) * ROWS_MAIN, ROWS_LAST), :])


@functools.partial(
    pl.kernel,
    out_type=jax.ShapeDtypeStruct((NC * N, DH), jnp.float32),
    mesh=_MESH,
    scratch_types=[
        pltpu.VMEM((PROP_EDGES_PER_SUB,), jnp.int32),
        pltpu.VMEM((PROP_EDGES_PER_SUB,), jnp.int32),
        [pltpu.VMEM((PROP_CHUNK, DH), jnp.float32) for _ in range(PROP_NBUF)],
        pltpu.VMEM_SHARED((N, DH), jnp.float32),
        [pltpu.SemaphoreType.DMA for _ in range(PROP_NBUF)],
        [pltpu.SemaphoreType.DMA for _ in range(PROP_NBUF)],
    ],
)
def _prop_kernel(xs_hbm, src2_hbm, dst_hbm, zeros_hbm, raw_hbm,
                 src_all, dst_all, bufs, acc_sh, gsems, ssems):
    c = lax.axis_index("c")
    s = lax.axis_index("s")

    pd = [
        pltpu.async_copy(src2_hbm.at[pl.ds(c * E + s * PROP_EDGES_PER_SUB,
                                           PROP_EDGES_PER_SUB)], src_all,
                         gsems[0]),
        pltpu.async_copy(dst_hbm.at[pl.ds(s * PROP_EDGES_PER_SUB,
                                          PROP_EDGES_PER_SUB)], dst_all,
                         gsems[1]),
    ]

    @pl.when(s < NS - 1)
    def _():
        pltpu.sync_copy(zeros_hbm.at[pl.ds(0, ROWS_MAIN), :],
                        acc_sh.at[pl.ds(s * ROWS_MAIN, ROWS_MAIN), :])

    @pl.when(s == NS - 1)
    def _():
        pltpu.sync_copy(zeros_hbm.at[pl.ds(0, ROWS_LAST), :],
                        acc_sh.at[pl.ds((NS - 1) * ROWS_MAIN, ROWS_LAST), :])

    for d in pd:
        d.wait()
    plsc.subcore_barrier()

    def body(t, carry):
        j0 = t * PROP_NBUF
        gd = []
        for b in range(PROP_NBUF):
            @pl.when(t > 0)
            def _(b=b):
                pltpu.make_async_copy(
                    zeros_hbm.at[pl.ds(0, PROP_CHUNK), :], bufs[b],
                    ssems[b]).wait()
            idx = src_all.at[pl.ds((j0 + b) * PROP_CHUNK, PROP_CHUNK)]
            gd.append(pltpu.async_copy(xs_hbm.at[idx], bufs[b], gsems[b]))
        for b in range(PROP_NBUF):
            gd[b].wait()
            idx = dst_all.at[pl.ds((j0 + b) * PROP_CHUNK, PROP_CHUNK)]
            pltpu.async_copy(bufs[b], acc_sh.at[idx], ssems[b], add=True)
        return carry

    lax.fori_loop(0, PROP_OUTER, body, 0)
    for b in range(PROP_NBUF):
        pltpu.make_async_copy(zeros_hbm.at[pl.ds(0, PROP_CHUNK), :], bufs[b],
                              ssems[b]).wait()
    plsc.subcore_barrier()

    @pl.when(s < NS - 1)
    def _():
        pltpu.sync_copy(acc_sh.at[pl.ds(s * ROWS_MAIN, ROWS_MAIN), :],
                        raw_hbm.at[pl.ds(c * N + s * ROWS_MAIN, ROWS_MAIN), :])

    @pl.when(s == NS - 1)
    def _():
        pltpu.sync_copy(
            acc_sh.at[pl.ds((NS - 1) * ROWS_MAIN, ROWS_LAST), :],
            raw_hbm.at[pl.ds(c * N + (NS - 1) * ROWS_MAIN, ROWS_LAST), :])



def _dis_from_degp(degp_blk):
    dv = degp_blk[0] + degp_blk[1]
    deg = dv[:, 0:1]
    return jnp.where(deg > 0, lax.rsqrt(deg), 0.0)


def _scale_kernel_body(degp_ref, x_ref, xs_ref):
    dis = _dis_from_degp(degp_ref[...])
    xs = x_ref[...] * dis
    xs_ref[0] = xs[:, :DH]
    xs_ref[1] = xs[:, DH:]


def _arma_h(raw0_ref, raw1_ref, xin_ref, degp_ref, w_ref, b_ref):
    dis = _dis_from_degp(degp_ref[...])
    agg = jnp.concatenate([raw0_ref[...], raw1_ref[...]], axis=1) * dis
    cat = jnp.concatenate([agg, xin_ref[...]], axis=1)
    z = jnp.dot(cat.astype(jnp.bfloat16), w_ref[...],
                preferred_element_type=jnp.float32)
    z = z + b_ref[...]
    h = 0.5 * (jnp.maximum(z[:, :D], 0.0) + jnp.maximum(z[:, D:], 0.0))
    return h, dis


def _layer1_body(raw0_ref, raw1_ref, xin_ref, degp_ref, w_ref, b_ref,
                 h_ref, xs_ref):
    h, dis = _arma_h(raw0_ref, raw1_ref, xin_ref, degp_ref, w_ref, b_ref)
    h_ref[...] = h
    xs = h * dis
    xs_ref[0] = xs[:, :DH]
    xs_ref[1] = xs[:, DH:]


def _layer2_body(raw0_ref, raw1_ref, xin_ref, degp_ref, w_ref, b_ref,
                 fcw_ref, fcb_ref, out_ref):
    h, _ = _arma_h(raw0_ref, raw1_ref, xin_ref, degp_ref, w_ref, b_ref)
    out_ref[...] = (jnp.dot(h.astype(jnp.bfloat16), fcw_ref[...],
                            preferred_element_type=jnp.float32) + fcb_ref[...])


_degp_spec = pl.BlockSpec((NC, BLK, DEG_WOUT), lambda i: (0, i, 0))
_row_spec = pl.BlockSpec((BLK, D), lambda i: (i, 0))
_half0_spec = pl.BlockSpec((BLK, DH), lambda i: (i, 0))
_half1_spec = pl.BlockSpec((BLK, DH), lambda i: (i + NBLK, 0))
_split_spec = pl.BlockSpec((NC, BLK, DH), lambda i: (0, i, 0))

_scale_call = pl.pallas_call(
    _scale_kernel_body,
    grid=(NBLK,),
    in_specs=[_degp_spec, _row_spec],
    out_specs=_split_spec,
    out_shape=jax.ShapeDtypeStruct((NC, N, DH), jnp.float32),
)

_layer1_call = pl.pallas_call(
    _layer1_body,
    grid=(NBLK,),
    in_specs=[
        _half0_spec, _half1_spec, _row_spec, _degp_spec,
        pl.BlockSpec((2 * D, 2 * D), lambda i: (0, 0)),
        pl.BlockSpec((1, 2 * D), lambda i: (0, 0)),
    ],
    out_specs=[_row_spec, _split_spec],
    out_shape=[
        jax.ShapeDtypeStruct((N, D), jnp.float32),
        jax.ShapeDtypeStruct((NC, N, DH), jnp.float32),
    ],
)

_layer2_call = pl.pallas_call(
    _layer2_body,
    grid=(NBLK,),
    in_specs=[
        _half0_spec, _half1_spec, _row_spec, _degp_spec,
        pl.BlockSpec((2 * D, 2 * D), lambda i: (0, 0)),
        pl.BlockSpec((1, 2 * D), lambda i: (0, 0)),
        pl.BlockSpec((D, D), lambda i: (0, 0)),
        pl.BlockSpec((1, D), lambda i: (0, 0)),
    ],
    out_specs=_row_spec,
    out_shape=jax.ShapeDtypeStruct((N, D), jnp.float32),
)



def _wcat(iw, rw):
    return jnp.concatenate(
        [jnp.concatenate([iw[0], iw[1]], axis=1),
         jnp.concatenate([rw[0], rw[1]], axis=1)], axis=0)


def kernel(x, edge_index, init_w0, root_w0, bias0, init_w1, root_w1, bias1,
           fc_w, fc_b):
    src = edge_index[0]
    dst = edge_index[1]
    src2 = jnp.concatenate([src, src + N])
    zeros_hbm = jnp.zeros((ROWS_MAIN, DH), jnp.float32)
    ones_hbm = jnp.ones((DEG_CHUNK, DEG_W), jnp.float32)

    w0 = _wcat(init_w0, root_w0).astype(jnp.bfloat16)
    b0 = jnp.concatenate([bias0[0, 0], bias0[1, 0]])[None, :]
    w1 = _wcat(init_w1, root_w1).astype(jnp.bfloat16)
    b1 = jnp.concatenate([bias1[0, 0], bias1[1, 0]])[None, :]
    fcwT = fc_w.T.astype(jnp.bfloat16)
    fcb = fc_b[None, :]

    degp = _deg_kernel(dst, zeros_hbm, ones_hbm)[:, :, :DEG_WOUT]
    xs1 = _scale_call(degp, x)
    raw1 = _prop_kernel(xs1.reshape(NC * N, DH), src2, dst, zeros_hbm)
    h1, xs2 = _layer1_call(raw1, raw1, x, degp, w0, b0)
    raw2 = _prop_kernel(xs2.reshape(NC * N, DH), src2, dst, zeros_hbm)
    return _layer2_call(raw2, raw2, h1, degp, w1, b1, fcwT, fcb)

# --- scband reference (transcript-rebuilt; emitter-appended) ---
"""Pipeline reference for scband-graph-armaconv-21646635172732 (READ-ONLY COPY).

The authoritative reference and input builder live on the scoring server;
editing this copy changes nothing except your own understanding.
"""

import jax, jax.numpy as jnp
import numpy as np

N = 10000
E = 160000
D_IN = 256
D_HID = 256
D_OUT = 256
K = 2  # num_layers arg -> ARMA stacks per conv (PyG ARMAConv 3rd positional arg = num_stacks)


def glorot(key, shape):
    fan_in, fan_out = shape[-2], shape[-1]
    limit = (6.0 / (fan_in + fan_out)) ** 0.5
    return jax.random.uniform(key, shape, minval=-limit, maxval=limit, dtype=jnp.float32)


def setup_inputs(seed: int = 0) -> dict:
    key = jax.random.key(seed)
    ks = jax.random.split(key, 12)
    x = jax.random.normal(ks[0], (N, D_IN), dtype=jnp.float32)
    edge_index = jax.random.randint(ks[1], (2, E), 0, N, dtype=jnp.int32)
    # ARMAConv stack 0: in=256 -> hidden=256, K stacks, T=1 layer
    init_w0 = glorot(ks[2], (K, D_IN, D_HID))
    root_w0 = glorot(ks[3], (K, D_IN, D_HID))
    bias0 = jnp.zeros((K, 1, D_HID), dtype=jnp.float32)
    # ARMAConv stack 1: hidden -> hidden
    init_w1 = glorot(ks[4], (K, D_HID, D_HID))
    root_w1 = glorot(ks[5], (K, D_HID, D_HID))
    bias1 = jnp.zeros((K, 1, D_HID), dtype=jnp.float32)
    # final Linear
    fc_w = glorot(ks[6], (D_OUT, D_HID))
    fc_b = jnp.zeros((D_OUT,), dtype=jnp.float32)
    return {"x": x, "edge_index": edge_index,
            "init_w0": init_w0, "root_w0": root_w0, "bias0": bias0,
            "init_w1": init_w1, "root_w1": root_w1, "bias1": bias1,
            "fc_w": fc_w, "fc_b": fc_b}


def arma_conv(x, edge_index, init_w, root_w, b):
    # PyG ARMAConv with T=1 layer, K stacks, sym gcn_norm WITHOUT self loops:
    # out_k = ReLU( Lhat @ (x W_k) + x V_k + b_k ); return mean_k out_k
    src, dst = edge_index[0], edge_index[1]
    deg = jnp.zeros((N,), x.dtype).at[dst].add(1.0)
    dis = jnp.where(deg > 0, deg ** -0.5, 0.0)
    norm = dis[src] * dis[dst]
    h = jnp.einsum('nf,kfo->kno', x, init_w)            # [K, N, F_out]
    msg = h[:, src, :] * norm[None, :, None]            # gather + edge weight
    agg = jnp.zeros_like(h).at[:, dst, :].add(msg)      # scatter-add to dst
    root = jnp.einsum('nf,kfo->kno', x, root_w)
    out = jax.nn.relu(agg + root + b[:, None, :].reshape(K, 1, -1))
    return out.mean(axis=0)


def reference(x, edge_index, init_w0, root_w0, bias0, init_w1, root_w1, bias1, fc_w, fc_b):
    h = arma_conv(x, edge_index, init_w0, root_w0, bias0)
    h = arma_conv(h, edge_index, init_w1, root_w1, bias1)
    return h @ fc_w.T + fc_b

if __name__ == "__main__":
    import jax
    _d = setup_inputs()
    print(jax.jit(kernel)(*tuple(_d.values())))

</pallas_src>

<mosaic_0001>
#map = affine_map<(d0, d1) -> (0, 0)>
#map1 = affine_map<(d0, d1) -> (0)>
module attributes {stable_mosaic.version = 14 : i64} {
  func.func @_prop_kernel(%arg0: i32, %arg1: i32, %arg2: memref<20000x128xf32, #tpu.memory_space<hbm>>, %arg3: memref<320000xi32, #tpu.memory_space<hbm>>, %arg4: memref<160000xi32, #tpu.memory_space<hbm>>, %arg5: memref<632x128xf32, #tpu.memory_space<hbm>>, %arg6: memref<20000x128xf32, #tpu.memory_space<hbm>>, %arg7: memref<10000xi32, #tpu.memory_space<vmem>>, %arg8: memref<10000xi32, #tpu.memory_space<vmem>>, %arg9: memref<40x128xf32, #tpu.memory_space<vmem>>, %arg10: memref<40x128xf32, #tpu.memory_space<vmem>>, %arg11: memref<40x128xf32, #tpu.memory_space<vmem>>, %arg12: memref<40x128xf32, #tpu.memory_space<vmem>>, %arg13: memref<40x128xf32, #tpu.memory_space<vmem>>, %arg14: memref<10000x128xf32, #tpu.memory_space<vmem_shared>>, %arg15: memref<!tpu.dma_semaphore, #tpu.memory_space<semaphore_mem>>, %arg16: memref<!tpu.dma_semaphore, #tpu.memory_space<semaphore_mem>>, %arg17: memref<!tpu.dma_semaphore, #tpu.memory_space<semaphore_mem>>, %arg18: memref<!tpu.dma_semaphore, #tpu.memory_space<semaphore_mem>>, %arg19: memref<!tpu.dma_semaphore, #tpu.memory_space<semaphore_mem>>, %arg20: memref<!tpu.dma_semaphore, #tpu.memory_space<semaphore_mem>>, %arg21: memref<!tpu.dma_semaphore, #tpu.memory_space<semaphore_mem>>, %arg22: memref<!tpu.dma_semaphore, #tpu.memory_space<semaphore_mem>>, %arg23: memref<!tpu.dma_semaphore, #tpu.memory_space<semaphore_mem>>, %arg24: memref<!tpu.dma_semaphore, #tpu.memory_space<semaphore_mem>>) attributes {dimension_semantics = [#tpu.dimension_semantics<core_parallel>, #tpu.dimension_semantics<subcore_parallel>], iteration_bounds = array<i64: 2, 16>, scalar_prefetch = 0 : i64, scratch_operands = 18 : i64, tpu.core_type = #tpu.core_type<sc_vector_subcore>, window_params = [{transform_indices = #map}, {transform_indices = #map1}, {transform_indices = #map1}, {transform_indices = #map}, {transform_indices = #map}]} {
    %mul3A = arith.constant 160000 : i32
    %mul3A_0 = arith.muli %arg0, %mul3A : i32
    %mul3A_1 = arith.constant 10000 : i32
    %mul3A_2 = arith.muli %arg1, %mul3A_1 : i32
    %add3A = arith.addi %mul3A_0, %mul3A_2 : i32
    %dma_start3A = tpu.memref_slice %arg3[%add3A] : memref<320000xi32, #tpu.memory_space<hbm>> -> memref<10000xi32, #tpu.memory_space<hbm>>
    %dma_start3A_3 = tpu.memref_slice %arg3[%add3A] : memref<320000xi32, #tpu.memory_space<hbm>> -> memref<10000xi32, #tpu.memory_space<hbm>>
    tpu.enqueue_dma source(%dma_start3A_3 : memref<10000xi32, #tpu.memory_space<hbm>>) target(%arg7 : memref<10000xi32, #tpu.memory_space<vmem>>) target_semaphore(%arg15 : memref<!tpu.dma_semaphore, #tpu.memory_space<semaphore_mem>>)
    %mul3A_4 = arith.constant 10000 : i32
    %mul3A_5 = arith.muli %arg1, %mul3A_4 : i32
    %dma_start3A_6 = tpu.memref_slice %arg4[%mul3A_5] : memref<160000xi32, #tpu.memory_space<hbm>> -> memref<10000xi32, #tpu.memory_space<hbm>>
    %dma_start3A_7 = tpu.memref_slice %arg4[%mul3A_5] : memref<160000xi32, #tpu.memory_space<hbm>> -> memref<10000xi32, #tpu.memory_space<hbm>>
    tpu.enqueue_dma source(%dma_start3A_7 : memref<10000xi32, #tpu.memory_space<hbm>>) target(%arg8 : memref<10000xi32, #tpu.memory_space<vmem>>) target_semaphore(%arg16 : memref<!tpu.dma_semaphore, #tpu.memory_space<semaphore_mem>>)
    %lt3A = arith.constant 15 : i32
    %lt3A_8 = arith.cmpi slt, %arg1, %lt3A : i32
    %convert_element_type3A = arith.extui %lt3A_8 : i1 to i32
    %cond3A = arith.constant 0 : i32
    %cond3A_9 = arith.cmpi ne, %convert_element_type3A, %cond3A : i32
    scf.if %cond3A_9 {
      %mul3A_63 = arith.constant 632 : i32
      %mul3A_64 = arith.muli %arg1, %mul3A_63 : i32
      "tpu.region"() ({
        %run_scoped3A = tpu.sem_alloc : memref<!tpu.dma_semaphore, #tpu.memory_space<semaphore_mem>>
        %dma_start3A_65 = arith.constant 0 : i32
        %dma_start3A_66 = tpu.memref_slice %arg14[%mul3A_64, %dma_start3A_65] : memref<10000x128xf32, #tpu.memory_space<vmem_shared>> -> memref<632x128xf32, #tpu.memory_space<vmem_shared>>
        %dma_start3A_67 = arith.constant 0 : i32
        %dma_start3A_68 = arith.constant 0 : i32
        %dma_start3A_69 = tpu.memref_slice %arg5[%dma_start3A_67, %dma_start3A_68] : memref<632x128xf32, #tpu.memory_space<hbm>> -> memref<632x128xf32, #tpu.memory_space<hbm>>
        tpu.enqueue_dma source(%dma_start3A_69 : memref<632x128xf32, #tpu.memory_space<hbm>>) target(%dma_start3A_66 : memref<632x128xf32, #tpu.memory_space<vmem_shared>>) target_semaphore(%run_scoped3A : memref<!tpu.dma_semaphore, #tpu.memory_space<semaphore_mem>>)
        %dma_wait3A_70 = arith.constant 0 : i32
        %dma_wait3A_71 = tpu.memref_slice %arg14[%mul3A_64, %dma_wait3A_70] : memref<10000x128xf32, #tpu.memory_space<vmem_shared>> -> memref<632x128xf32, #tpu.memory_space<vmem_shared>>
        %dma_wait3A_72 = arith.constant 0 : i32
        %dma_wait3A_73 = arith.constant 0 : i32
        %dma_wait3A_74 = tpu.memref_slice %arg5[%dma_wait3A_72, %dma_wait3A_73] : memref<632x128xf32, #tpu.memory_space<hbm>> -> memref<632x128xf32, #tpu.memory_space<hbm>>
        tpu.wait_dma2 semaphore(%run_scoped3A : memref<!tpu.dma_semaphore, #tpu.memory_space<semaphore_mem>>) src(%dma_wait3A_74 : memref<632x128xf32, #tpu.memory_space<hbm>>) dst(%dma_wait3A_71 : memref<632x128xf32, #tpu.memory_space<vmem_shared>>)
        tpu.yield
      }) : () -> ()
    } else {
    }
    %eq3A = arith.constant 15 : i32
    %eq3A_10 = arith.cmpi eq, %arg1, %eq3A : i32
    %convert_element_type3A_11 = arith.extui %eq3A_10 : i1 to i32
    %cond3A_12 = arith.constant 0 : i32
    %cond3A_13 = arith.cmpi ne, %convert_element_type3A_11, %cond3A_12 : i32
    scf.if %cond3A_13 {
      "tpu.region"() ({
        %run_scoped3A = tpu.sem_alloc : memref<!tpu.dma_semaphore, #tpu.memory_space<semaphore_mem>>
        %dma_start3A_63 = arith.constant 9480 : i32
        %dma_start3A_64 = arith.constant 0 : i32
        %dma_start3A_65 = tpu.memref_slice %arg14[%dma_start3A_63, %dma_start3A_64] : memref<10000x128xf32, #tpu.memory_space<vmem_shared>> -> memref<520x128xf32, #tpu.memory_space<vmem_shared>>
        %dma_start3A_66 = arith.constant 0 : i32
        %dma_start3A_67 = arith.constant 0 : i32
        %dma_start3A_68 = tpu.memref_slice %arg5[%dma_start3A_66, %dma_start3A_67] : memref<632x128xf32, #tpu.memory_space<hbm>> -> memref<520x128xf32, #tpu.memory_space<hbm>>
        tpu.enqueue_dma source(%dma_start3A_68 : memref<520x128xf32, #tpu.memory_space<hbm>>) target(%dma_start3A_65 : memref<520x128xf32, #tpu.memory_space<vmem_shared>>) target_semaphore(%run_scoped3A : memref<!tpu.dma_semaphore, #tpu.memory_space<semaphore_mem>>)
        %dma_wait3A_69 = arith.constant 9480 : i32
        %dma_wait3A_70 = arith.constant 0 : i32
        %dma_wait3A_71 = tpu.memref_slice %arg14[%dma_wait3A_69, %dma_wait3A_70] : memref<10000x128xf32, #tpu.memory_space<vmem_shared>> -> memref<520x128xf32, #tpu.memory_space<vmem_shared>>
        %dma_wait3A_72 = arith.constant 0 : i32
        %dma_wait3A_73 = arith.constant 0 : i32
        %dma_wait3A_74 = tpu.memref_slice %arg5[%dma_wait3A_72, %dma_wait3A_73] : memref<632x128xf32, #tpu.memory_space<hbm>> -> memref<520x128xf32, #tpu.memory_space<hbm>>
        tpu.wait_dma2 semaphore(%run_scoped3A : memref<!tpu.dma_semaphore, #tpu.memory_space<semaphore_mem>>) src(%dma_wait3A_74 : memref<520x128xf32, #tpu.memory_space<hbm>>) dst(%dma_wait3A_71 : memref<520x128xf32, #tpu.memory_space<vmem_shared>>)
        tpu.yield
      }) : () -> ()
    } else {
    }
    %dma_wait3A = tpu.memref_slice %arg3[%add3A] : memref<320000xi32, #tpu.memory_space<hbm>> -> memref<10000xi32, #tpu.memory_space<hbm>>
    %dma_wait3A_14 = tpu.memref_slice %arg3[%add3A] : memref<320000xi32, #tpu.memory_space<hbm>> -> memref<10000xi32, #tpu.memory_space<hbm>>
    tpu.wait_dma2 semaphore(%arg15 : memref<!tpu.dma_semaphore, #tpu.memory_space<semaphore_mem>>) src(%dma_wait3A_14 : memref<10000xi32, #tpu.memory_space<hbm>>) dst(%arg7 : memref<10000xi32, #tpu.memory_space<vmem>>)
    %dma_wait3A_15 = tpu.memref_slice %arg4[%mul3A_5] : memref<160000xi32, #tpu.memory_space<hbm>> -> memref<10000xi32, #tpu.memory_space<hbm>>
    %dma_wait3A_16 = tpu.memref_slice %arg4[%mul3A_5] : memref<160000xi32, #tpu.memory_space<hbm>> -> memref<10000xi32, #tpu.memory_space<hbm>>
    tpu.wait_dma2 semaphore(%arg16 : memref<!tpu.dma_semaphore, #tpu.memory_space<semaphore_mem>>) src(%dma_wait3A_16 : memref<10000xi32, #tpu.memory_space<hbm>>) dst(%arg8 : memref<10000xi32, #tpu.memory_space<vmem>>)
    %barrier3A = arith.constant 0 : index
    tpu.barrier barrier_id(%barrier3A)
    %scan3A = arith.constant 0 : i32
    %scan3A_17 = arith.constant 0 : i32
    %scan3A_18 = arith.constant 50 : i32
    %scan3A_19 = arith.addi %scan3A_17, %scan3A_18 : i32
    %scan3A_20 = arith.constant 1 : i32
    scf.for %scan3A_63 = %scan3A_17 to %scan3A_19 step %scan3A_20  : i32 {
      %mul3A_64 = arith.constant 5 : i32
      %mul3A_65 = arith.muli %scan3A_63, %mul3A_64 : i32
      %gt3A = arith.constant 0 : i32
      %gt3A_66 = arith.cmpi sgt, %scan3A_63, %gt3A : i32
      %convert_element_type3A_67 = arith.extui %gt3A_66 : i1 to i32
      %cond3A_68 = arith.constant 0 : i32
      %cond3A_69 = arith.cmpi ne, %convert_element_type3A_67, %cond3A_68 : i32
      scf.if %cond3A_69 {
        %dma_wait3A_190 = arith.constant 0 : i32
        %dma_wait3A_191 = arith.constant 0 : i32
        %dma_wait3A_192 = tpu.memref_slice %arg5[%dma_wait3A_190, %dma_wait3A_191] : memref<632x128xf32, #tpu.memory_space<hbm>> -> memref<40x128xf32, #tpu.memory_space<hbm>>
        %dma_wait3A_193 = arith.constant 0 : i32
        %dma_wait3A_194 = arith.constant 0 : i32
        %dma_wait3A_195 = tpu.memref_slice %arg5[%dma_wait3A_193, %dma_wait3A_194] : memref<632x128xf32, #tpu.memory_space<hbm>> -> memref<40x128xf32, #tpu.memory_space<hbm>>
        tpu.wait_dma2 semaphore(%arg20 : memref<!tpu.dma_semaphore, #tpu.memory_space<semaphore_mem>>) src(%dma_wait3A_195 : memref<40x128xf32, #tpu.memory_space<hbm>>) dst(%arg9 : memref<40x128xf32, #tpu.memory_space<vmem>>)
      } else {
      }
      %add3A_70 = arith.constant 0 : i32
      %add3A_71 = arith.addi %mul3A_65, %add3A_70 : i32
      %mul3A_72 = arith.constant 40 : i32
      %mul3A_73 = arith.muli %add3A_71, %mul3A_72 : i32
      %dma_start3A_74 = tpu.memref_slice %arg7[%mul3A_73] : memref<10000xi32, #tpu.memory_space<vmem>> -> memref<40xi32, #tpu.memory_space<vmem>>
      %dma_start3A_75 = arith.constant 0 : i32
      %dma_start3A_76 = arith.constant 0 : i32
      %dma_start3A_77 = tpu.memref_slice %arg2[%dma_start3A_75, %dma_start3A_76] : memref<20000x128xf32, #tpu.memory_space<hbm>> -> memref<20000x128xf32, #tpu.memory_space<hbm>>
      tpu.enqueue_indirect_dma source(%dma_start3A_77 : memref<20000x128xf32, #tpu.memory_space<hbm>>) target(%arg9 : memref<40x128xf32, #tpu.memory_space<vmem>>) offsets(%dma_start3A_74 : memref<40xi32, #tpu.memory_space<vmem>>) semaphore(%arg15 : memref<!tpu.dma_semaphore, #tpu.memory_space<semaphore_mem>>)
      %gt3A_78 = arith.constant 0 : i32
      %gt3A_79 = arith.cmpi sgt, %scan3A_63, %gt3A_78 : i32
      %convert_element_type3A_80 = arith.extui %gt3A_79 : i1 to i32
      %cond3A_81 = arith.constant 0 : i32
      %cond3A_82 = arith.cmpi ne, %convert_element_type3A_80, %cond3A_81 : i32
      scf.if %cond3A_82 {
        %dma_wait3A_190 = arith.constant 0 : i32
        %dma_wait3A_191 = arith.constant 0 : i32
        %dma_wait3A_192 = tpu.memref_slice %arg5[%dma_wait3A_190, %dma_wait3A_191] : memref<632x128xf32, #tpu.memory_space<hbm>> -> memref<40x128xf32, #tpu.memory_space<hbm>>
        %dma_wait3A_193 = arith.constant 0 : i32
        %dma_wait3A_194 = arith.constant 0 : i32
        %dma_wait3A_195 = tpu.memref_slice %arg5[%dma_wait3A_193, %dma_wait3A_194] : memref<632x128xf32, #tpu.memory_space<hbm>> -> memref<40x128xf32, #tpu.memory_space<hbm>>
        tpu.wait_dma2 semaphore(%arg21 : memref<!tpu.dma_semaphore, #tpu.memory_space<semaphore_mem>>) src(%dma_wait3A_195 : memref<40x128xf32, #tpu.memory_space<hbm>>) dst(%arg10 : memref<40x128xf32, #tpu.memory_space<vmem>>)
      } else {
      }
      %add3A_83 = arith.constant 1 : i32
      %add3A_84 = arith.addi %mul3A_65, %add3A_83 : i32
      %mul3A_85 = arith.constant 40 : i32
      %mul3A_86 = arith.muli %add3A_84, %mul3A_85 : i32
      %dma_start3A_87 = tpu.memref_slice %arg7[%mul3A_86] : memref<10000xi32, #tpu.memory_space<vmem>> -> memref<40xi32, #tpu.memory_space<vmem>>
      %dma_start3A_88 = arith.constant 0 : i32
      %dma_start3A_89 = arith.constant 0 : i32
      %dma_start3A_90 = tpu.memref_slice %arg2[%dma_start3A_88, %dma_start3A_89] : memref<20000x128xf32, #tpu.memory_space<hbm>> -> memref<20000x128xf32, #tpu.memory_space<hbm>>
      tpu.enqueue_indirect_dma source(%dma_start3A_90 : memref<20000x128xf32, #tpu.memory_space<hbm>>) target(%arg10 : memref<40x128xf32, #tpu.memory_space<vmem>>) offsets(%dma_start3A_87 : memref<40xi32, #tpu.memory_space<vmem>>) semaphore(%arg16 : memref<!tpu.dma_semaphore, #tpu.memory_space<semaphore_mem>>)
      %gt3A_91 = arith.constant 0 : i32
      %gt3A_92 = arith.cmpi sgt, %scan3A_63, %gt3A_91 : i32
      %convert_element_type3A_93 = arith.extui %gt3A_92 : i1 to i32
      %cond3A_94 = arith.constant 0 : i32
      %cond3A_95 = arith.cmpi ne, %convert_element_type3A_93, %cond3A_94 : i32
      scf.if %cond3A_95 {
        %dma_wait3A_190 = arith.constant 0 : i32
        %dma_wait3A_191 = arith.constant 0 : i32
        %dma_wait3A_192 = tpu.memref_slice %arg5[%dma_wait3A_190, %dma_wait3A_191] : memref<632x128xf32, #tpu.memory_space<hbm>> -> memref<40x128xf32, #tpu.memory_space<hbm>>
        %dma_wait3A_193 = arith.constant 0 : i32
        %dma_wait3A_194 = arith.constant 0 : i32
        %dma_wait3A_195 = tpu.memref_slice %arg5[%dma_wait3A_193, %dma_wait3A_194] : memref<632x128xf32, #tpu.memory_space<hbm>> -> memref<40x128xf32, #tpu.memory_space<hbm>>
        tpu.wait_dma2 semaphore(%arg22 : memref<!tpu.dma_semaphore, #tpu.memory_space<semaphore_mem>>) src(%dma_wait3A_195 : memref<40x128xf32, #tpu.memory_space<hbm>>) dst(%arg11 : memref<40x128xf32, #tpu.memory_space<vmem>>)
      } else {
      }
      %add3A_96 = arith.constant 2 : i32
      %add3A_97 = arith.addi %mul3A_65, %add3A_96 : i32
      %mul3A_98 = arith.constant 40 : i32
      %mul3A_99 = arith.muli %add3A_97, %mul3A_98 : i32
      %dma_start3A_100 = tpu.memref_slice %arg7[%mul3A_99] : memref<10000xi32, #tpu.memory_space<vmem>> -> memref<40xi32, #tpu.memory_space<vmem>>
      %dma_start3A_101 = arith.constant 0 : i32
      %dma_start3A_102 = arith.constant 0 : i32
      %dma_start3A_103 = tpu.memref_slice %arg2[%dma_start3A_101, %dma_start3A_102] : memref<20000x128xf32, #tpu.memory_space<hbm>> -> memref<20000x128xf32, #tpu.memory_space<hbm>>
      tpu.enqueue_indirect_dma source(%dma_start3A_103 : memref<20000x128xf32, #tpu.memory_space<hbm>>) target(%arg11 : memref<40x128xf32, #tpu.memory_space<vmem>>) offsets(%dma_start3A_100 : memref<40xi32, #tpu.memory_space<vmem>>) semaphore(%arg17 : memref<!tpu.dma_semaphore, #tpu.memory_space<semaphore_mem>>)
      %gt3A_104 = arith.constant 0 : i32
      %gt3A_105 = arith.cmpi sgt, %scan3A_63, %gt3A_104 : i32
      %convert_element_type3A_106 = arith.extui %gt3A_105 : i1 to i32
      %cond3A_107 = arith.constant 0 : i32
      %cond3A_108 = arith.cmpi ne, %convert_element_type3A_106, %cond3A_107 : i32
      scf.if %cond3A_108 {
        %dma_wait3A_190 = arith.constant 0 : i32
        %dma_wait3A_191 = arith.constant 0 : i32
        %dma_wait3A_192 = tpu.memref_slice %arg5[%dma_wait3A_190, %dma_wait3A_191] : memref<632x128xf32, #tpu.memory_space<hbm>> -> memref<40x128xf32, #tpu.memory_space<hbm>>
        %dma_wait3A_193 = arith.constant 0 : i32
        %dma_wait3A_194 = arith.constant 0 : i32
        %dma_wait3A_195 = tpu.memref_slice %arg5[%dma_wait3A_193, %dma_wait3A_194] : memref<632x128xf32, #tpu.memory_space<hbm>> -> memref<40x128xf32, #tpu.memory_space<hbm>>
        tpu.wait_dma2 semaphore(%arg23 : memref<!tpu.dma_semaphore, #tpu.memory_space<semaphore_mem>>) src(%dma_wait3A_195 : memref<40x128xf32, #tpu.memory_space<hbm>>) dst(%arg12 : memref<40x128xf32, #tpu.memory_space<vmem>>)
      } else {
      }
      %add3A_109 = arith.constant 3 : i32
      %add3A_110 = arith.addi %mul3A_65, %add3A_109 : i32
      %mul3A_111 = arith.constant 40 : i32
      %mul3A_112 = arith.muli %add3A_110, %mul3A_111 : i32
      %dma_start3A_113 = tpu.memref_slice %arg7[%mul3A_112] : memref<10000xi32, #tpu.memory_space<vmem>> -> memref<40xi32, #tpu.memory_space<vmem>>
      %dma_start3A_114 = arith.constant 0 : i32
      %dma_start3A_115 = arith.constant 0 : i32
      %dma_start3A_116 = tpu.memref_slice %arg2[%dma_start3A_114, %dma_start3A_115] : memref<20000x128xf32, #tpu.memory_space<hbm>> -> memref<20000x128xf32, #tpu.memory_space<hbm>>
      tpu.enqueue_indirect_dma source(%dma_start3A_116 : memref<20000x128xf32, #tpu.memory_space<hbm>>) target(%arg12 : memref<40x128xf32, #tpu.memory_space<vmem>>) offsets(%dma_start3A_113 : memref<40xi32, #tpu.memory_space<vmem>>) semaphore(%arg18 : memref<!tpu.dma_semaphore, #tpu.memory_space<semaphore_mem>>)
      %gt3A_117 = arith.constant 0 : i32
      %gt3A_118 = arith.cmpi sgt, %scan3A_63, %gt3A_117 : i32
      %convert_element_type3A_119 = arith.extui %gt3A_118 : i1 to i32
      %cond3A_120 = arith.constant 0 : i32
      %cond3A_121 = arith.cmpi ne, %convert_element_type3A_119, %cond3A_120 : i32
      scf.if %cond3A_121 {
        %dma_wait3A_190 = arith.constant 0 : i32
        %dma_wait3A_191 = arith.constant 0 : i32
        %dma_wait3A_192 = tpu.memref_slice %arg5[%dma_wait3A_190, %dma_wait3A_191] : memref<632x128xf32, #tpu.memory_space<hbm>> -> memref<40x128xf32, #tpu.memory_space<hbm>>
        %dma_wait3A_193 = arith.constant 0 : i32
        %dma_wait3A_194 = arith.constant 0 : i32
        %dma_wait3A_195 = tpu.memref_slice %arg5[%dma_wait3A_193, %dma_wait3A_194] : memref<632x128xf32, #tpu.memory_space<hbm>> -> memref<40x128xf32, #tpu.memory_space<hbm>>
        tpu.wait_dma2 semaphore(%arg24 : memref<!tpu.dma_semaphore, #tpu.memory_space<semaphore_mem>>) src(%dma_wait3A_195 : memref<40x128xf32, #tpu.memory_space<hbm>>) dst(%arg13 : memref<40x128xf32, #tpu.memory_space<vmem>>)
      } else {
      }
      %add3A_122 = arith.constant 4 : i32
      %add3A_123 = arith.addi %mul3A_65, %add3A_122 : i32
      %mul3A_124 = arith.constant 40 : i32
      %mul3A_125 = arith.muli %add3A_123, %mul3A_124 : i32
      %dma_start3A_126 = tpu.memref_slice %arg7[%mul3A_125] : memref<10000xi32, #tpu.memory_space<vmem>> -> memref<40xi32, #tpu.memory_space<vmem>>
      %dma_start3A_127 = arith.constant 0 : i32
      %dma_start3A_128 = arith.constant 0 : i32
      %dma_start3A_129 = tpu.memref_slice %arg2[%dma_start3A_127, %dma_start3A_128] : memref<20000x128xf32, #tpu.memory_space<hbm>> -> memref<20000x128xf32, #tpu.memory_space<hbm>>
      tpu.enqueue_indirect_dma source(%dma_start3A_129 : memref<20000x128xf32, #tpu.memory_space<hbm>>) target(%arg13 : memref<40x128xf32, #tpu.memory_space<vmem>>) offsets(%dma_start3A_126 : memref<40xi32, #tpu.memory_space<vmem>>) semaphore(%arg19 : memref<!tpu.dma_semaphore, #tpu.memory_space<semaphore_mem>>)
      %dma_wait3A_130 = tpu.memref_slice %arg7[%mul3A_73] : memref<10000xi32, #tpu.memory_space<vmem>> -> memref<40xi32, #tpu.memory_space<vmem>>
      %dma_wait3A_131 = arith.constant 0 : i32
      %dma_wait3A_132 = arith.constant 0 : i32
      %dma_wait3A_133 = tpu.memref_slice %arg2[%dma_wait3A_131, %dma_wait3A_132] : memref<20000x128xf32, #tpu.memory_space<hbm>> -> memref<20000x128xf32, #tpu.memory_space<hbm>>
      tpu.wait_indirect_dma semaphore(%arg15 : memref<!tpu.dma_semaphore, #tpu.memory_space<semaphore_mem>>) src(%dma_wait3A_133 : memref<20000x128xf32, #tpu.memory_space<hbm>>) dst(%arg9 : memref<40x128xf32, #tpu.memory_space<vmem>>)
      %add3A_134 = arith.constant 0 : i32
      %add3A_135 = arith.addi %mul3A_65, %add3A_134 : i32
      %mul3A_136 = arith.constant 40 : i32
      %mul3A_137 = arith.muli %add3A_135, %mul3A_136 : i32
      %dma_start3A_138 = tpu.memref_slice %arg8[%mul3A_137] : memref<10000xi32, #tpu.memory_space<vmem>> -> memref<40xi32, #tpu.memory_space<vmem>>
      %dma_start3A_139 = arith.constant 0 : i32
      %dma_start3A_140 = arith.constant 0 : i32
      %dma_start3A_141 = tpu.memref_slice %arg14[%dma_start3A_139, %dma_start3A_140] : memref<10000x128xf32, #tpu.memory_space<vmem_shared>> -> memref<10000x128xf32, #tpu.memory_space<vmem_shared>>
      tpu.enqueue_indirect_dma source(%arg9 : memref<40x128xf32, #tpu.memory_space<vmem>>) target(%dma_start3A_141 : memref<10000x128xf32, #tpu.memory_space<vmem_shared>>) offsets(%dma_start3A_138 : memref<40xi32, #tpu.memory_space<vmem>>) semaphore(%arg20 : memref<!tpu.dma_semaphore, #tpu.memory_space<semaphore_mem>>) {add = true}
      %dma_wait3A_142 = tpu.memref_slice %arg7[%mul3A_86] : memref<10000xi32, #tpu.memory_space<vmem>> -> memref<40xi32, #tpu.memory_space<vmem>>
      %dma_wait3A_143 = arith.constant 0 : i32
      %dma_wait3A_144 = arith.constant 0 : i32
      %dma_wait3A_145 = tpu.memref_slice %arg2[%dma_wait3A_143, %dma_wait3A_144] : memref<20000x128xf32, #tpu.memory_space<hbm>> -> memref<20000x128xf32, #tpu.memory_space<hbm>>
      tpu.wait_indirect_dma semaphore(%arg16 : memref<!tpu.dma_semaphore, #tpu.memory_space<semaphore_mem>>) src(%dma_wait3A_145 : memref<20000x128xf32, #tpu.memory_space<hbm>>) dst(%arg10 : memref<40x128xf32, #tpu.memory_space<vmem>>)
      %add3A_146 = arith.constant 1 : i32
      %add3A_147 = arith.addi %mul3A_65, %add3A_146 : i32
      %mul3A_148 = arith.constant 40 : i32
      %mul3A_149 = arith.muli %add3A_147, %mul3A_148 : i32
      %dma_start3A_150 = tpu.memref_slice %arg8[%mul3A_149] : memref<10000xi32, #tpu.memory_space<vmem>> -> memref<40xi32, #tpu.memory_space<vmem>>
      %dma_start3A_151 = arith.constant 0 : i32
      %dma_start3A_152 = arith.constant 0 : i32
      %dma_start3A_153 = tpu.memref_slice %arg14[%dma_start3A_151, %dma_start3A_152] : memref<10000x128xf32, #tpu.memory_space<vmem_shared>> -> memref<10000x128xf32, #tpu.memory_space<vmem_shared>>
      tpu.enqueue_indirect_dma source(%arg10 : memref<40x128xf32, #tpu.memory_space<vmem>>) target(%dma_start3A_153 : memref<10000x128xf32, #tpu.memory_space<vmem_shared>>) offsets(%dma_start3A_150 : memref<40xi32, #tpu.memory_space<vmem>>) semaphore(%arg21 : memref<!tpu.dma_semaphore, #tpu.memory_space<semaphore_mem>>) {add = true}
      %dma_wait3A_154 = tpu.memref_slice %arg7[%mul3A_99] : memref<10000xi32, #tpu.memory_space<vmem>> -> memref<40xi32, #tpu.memory_space<vmem>>
      %dma_wait3A_155 = arith.constant 0 : i32
      %dma_wait3A_156 = arith.constant 0 : i32
      %dma_wait3A_157 = tpu.memref_slice %arg2[%dma_wait3A_155, %dma_wait3A_156] : memref<20000x128xf32, #tpu.memory_space<hbm>> -> memref<20000x128xf32, #tpu.memory_space<hbm>>
      tpu.wait_indirect_dma semaphore(%arg17 : memref<!tpu.dma_semaphore, #tpu.memory_space<semaphore_mem>>) src(%dma_wait3A_157 : memref<20000x128xf32, #tpu.memory_space<hbm>>) dst(%arg11 : memref<40x128xf32, #tpu.memory_space<vmem>>)
      %add3A_158 = arith.constant 2 : i32
      %add3A_159 = arith.addi %mul3A_65, %add3A_158 : i32
      %mul3A_160 = arith.constant 40 : i32
      %mul3A_161 = arith.muli %add3A_159, %mul3A_160 : i32
      %dma_start3A_162 = tpu.memref_slice %arg8[%mul3A_161] : memref<10000xi32, #tpu.memory_space<vmem>> -> memref<40xi32, #tpu.memory_space<vmem>>
      %dma_start3A_163 = arith.constant 0 : i32
      %dma_start3A_164 = arith.constant 0 : i32
      %dma_start3A_165 = tpu.memref_slice %arg14[%dma_start3A_163, %dma_start3A_164] : memref<10000x128xf32, #tpu.memory_space<vmem_shared>> -> memref<10000x128xf32, #tpu.memory_space<vmem_shared>>
      tpu.enqueue_indirect_dma source(%arg11 : memref<40x128xf32, #tpu.memory_space<vmem>>) target(%dma_start3A_165 : memref<10000x128xf32, #tpu.memory_space<vmem_shared>>) offsets(%dma_start3A_162 : memref<40xi32, #tpu.memory_space<vmem>>) semaphore(%arg22 : memref<!tpu.dma_semaphore, #tpu.memory_space<semaphore_mem>>) {add = true}
      %dma_wait3A_166 = tpu.memref_slice %arg7[%mul3A_112] : memref<10000xi32, #tpu.memory_space<vmem>> -> memref<40xi32, #tpu.memory_space<vmem>>
      %dma_wait3A_167 = arith.constant 0 : i32
      %dma_wait3A_168 = arith.constant 0 : i32
      %dma_wait3A_169 = tpu.memref_slice %arg2[%dma_wait3A_167, %dma_wait3A_168] : memref<20000x128xf32, #tpu.memory_space<hbm>> -> memref<20000x128xf32, #tpu.memory_space<hbm>>
      tpu.wait_indirect_dma semaphore(%arg18 : memref<!tpu.dma_semaphore, #tpu.memory_space<semaphore_mem>>) src(%dma_wait3A_169 : memref<20000x128xf32, #tpu.memory_space<hbm>>) dst(%arg12 : memref<40x128xf32, #tpu.memory_space<vmem>>)
      %add3A_170 = arith.constant 3 : i32
      %add3A_171 = arith.addi %mul3A_65, %add3A_170 : i32
      %mul3A_172 = arith.constant 40 : i32
      %mul3A_173 = arith.muli %add3A_171, %mul3A_172 : i32
      %dma_start3A_174 = tpu.memref_slice %arg8[%mul3A_173] : memref<10000xi32, #tpu.memory_space<vmem>> -> memref<40xi32, #tpu.memory_space<vmem>>
      %dma_start3A_175 = arith.constant 0 : i32
      %dma_start3A_176 = arith.constant 0 : i32
      %dma_start3A_177 = tpu.memref_slice %arg14[%dma_start3A_175, %dma_start3A_176] : memref<10000x128xf32, #tpu.memory_space<vmem_shared>> -> memref<10000x128xf32, #tpu.memory_space<vmem_shared>>
      tpu.enqueue_indirect_dma source(%arg12 : memref<40x128xf32, #tpu.memory_space<vmem>>) target(%dma_start3A_177 : memref<10000x128xf32, #tpu.memory_space<vmem_shared>>) offsets(%dma_start3A_174 : memref<40xi32, #tpu.memory_space<vmem>>) semaphore(%arg23 : memref<!tpu.dma_semaphore, #tpu.memory_space<semaphore_mem>>) {add = true}
      %dma_wait3A_178 = tpu.memref_slice %arg7[%mul3A_125] : memref<10000xi32, #tpu.memory_space<vmem>> -> memref<40xi32, #tpu.memory_space<vmem>>
      %dma_wait3A_179 = arith.constant 0 : i32
      %dma_wait3A_180 = arith.constant 0 : i32
      %dma_wait3A_181 = tpu.memref_slice %arg2[%dma_wait3A_179, %dma_wait3A_180] : memref<20000x128xf32, #tpu.memory_space<hbm>> -> memref<20000x128xf32, #tpu.memory_space<hbm>>
      tpu.wait_indirect_dma semaphore(%arg19 : memref<!tpu.dma_semaphore, #tpu.memory_space<semaphore_mem>>) src(%dma_wait3A_181 : memref<20000x128xf32, #tpu.memory_space<hbm>>) dst(%arg13 : memref<40x128xf32, #tpu.memory_space<vmem>>)
      %add3A_182 = arith.constant 4 : i32
      %add3A_183 = arith.addi %mul3A_65, %add3A_182 : i32
      %mul3A_184 = arith.constant 40 : i32
      %mul3A_185 = arith.muli %add3A_183, %mul3A_184 : i32
      %dma_start3A_186 = tpu.memref_slice %arg8[%mul3A_185] : memref<10000xi32, #tpu.memory_space<vmem>> -> memref<40xi32, #tpu.memory_space<vmem>>
      %dma_start3A_187 = arith.constant 0 : i32
      %dma_start3A_188 = arith.constant 0 : i32
      %dma_start3A_189 = tpu.memref_slice %arg14[%dma_start3A_187, %dma_start3A_188] : memref<10000x128xf32, #tpu.memory_space<vmem_shared>> -> memref<10000x128xf32, #tpu.memory_space<vmem_shared>>
      tpu.enqueue_indirect_dma source(%arg13 : memref<40x128xf32, #tpu.memory_space<vmem>>) target(%dma_start3A_189 : memref<10000x128xf32, #tpu.memory_space<vmem_shared>>) offsets(%dma_start3A_186 : memref<40xi32, #tpu.memory_space<vmem>>) semaphore(%arg24 : memref<!tpu.dma_semaphore, #tpu.memory_space<semaphore_mem>>) {add = true}
    }
    %scan3A_21 = arith.constant 50 : i32
    %dma_wait3A_22 = arith.constant 0 : i32
    %dma_wait3A_23 = arith.constant 0 : i32
    %dma_wait3A_24 = tpu.memref_slice %arg5[%dma_wait3A_22, %dma_wait3A_23] : memref<632x128xf32, #tpu.memory_space<hbm>> -> memref<40x128xf32, #tpu.memory_space<hbm>>
    %dma_wait3A_25 = arith.constant 0 : i32
    %dma_wait3A_26 = arith.constant 0 : i32
    %dma_wait3A_27 = tpu.memref_slice %arg5[%dma_wait3A_25, %dma_wait3A_26] : memref<632x128xf32, #tpu.memory_space<hbm>> -> memref<40x128xf32, #tpu.memory_space<hbm>>
    tpu.wait_dma2 semaphore(%arg20 : memref<!tpu.dma_semaphore, #tpu.memory_space<semaphore_mem>>) src(%dma_wait3A_27 : memref<40x128xf32, #tpu.memory_space<hbm>>) dst(%arg9 : memref<40x128xf32, #tpu.memory_space<vmem>>)
    %dma_wait3A_28 = arith.constant 0 : i32
    %dma_wait3A_29 = arith.constant 0 : i32
    %dma_wait3A_30 = tpu.memref_slice %arg5[%dma_wait3A_28, %dma_wait3A_29] : memref<632x128xf32, #tpu.memory_space<hbm>> -> memref<40x128xf32, #tpu.memory_space<hbm>>
    %dma_wait3A_31 = arith.constant 0 : i32
    %dma_wait3A_32 = arith.constant 0 : i32
    %dma_wait3A_33 = tpu.memref_slice %arg5[%dma_wait3A_31, %dma_wait3A_32] : memref<632x128xf32, #tpu.memory_space<hbm>> -> memref<40x128xf32, #tpu.memory_space<hbm>>
    tpu.wait_dma2 semaphore(%arg21 : memref<!tpu.dma_semaphore, #tpu.memory_space<semaphore_mem>>) src(%dma_wait3A_33 : memref<40x128xf32, #tpu.memory_space<hbm>>) dst(%arg10 : memref<40x128xf32, #tpu.memory_space<vmem>>)
    %dma_wait3A_34 = arith.constant 0 : i32
    %dma_wait3A_35 = arith.constant 0 : i32
    %dma_wait3A_36 = tpu.memref_slice %arg5[%dma_wait3A_34, %dma_wait3A_35] : memref<632x128xf32, #tpu.memory_space<hbm>> -> memref<40x128xf32, #tpu.memory_space<hbm>>
    %dma_wait3A_37 = arith.constant 0 : i32
    %dma_wait3A_38 = arith.constant 0 : i32
    %dma_wait3A_39 = tpu.memref_slice %arg5[%dma_wait3A_37, %dma_wait3A_38] : memref<632x128xf32, #tpu.memory_space<hbm>> -> memref<40x128xf32, #tpu.memory_space<hbm>>
    tpu.wait_dma2 semaphore(%arg22 : memref<!tpu.dma_semaphore, #tpu.memory_space<semaphore_mem>>) src(%dma_wait3A_39 : memref<40x128xf32, #tpu.memory_space<hbm>>) dst(%arg11 : memref<40x128xf32, #tpu.memory_space<vmem>>)
    %dma_wait3A_40 = arith.constant 0 : i32
    %dma_wait3A_41 = arith.constant 0 : i32
    %dma_wait3A_42 = tpu.memref_slice %arg5[%dma_wait3A_40, %dma_wait3A_41] : memref<632x128xf32, #tpu.memory_space<hbm>> -> memref<40x128xf32, #tpu.memory_space<hbm>>
    %dma_wait3A_43 = arith.constant 0 : i32
    %dma_wait3A_44 = arith.constant 0 : i32
    %dma_wait3A_45 = tpu.memref_slice %arg5[%dma_wait3A_43, %dma_wait3A_44] : memref<632x128xf32, #tpu.memory_space<hbm>> -> memref<40x128xf32, #tpu.memory_space<hbm>>
    tpu.wait_dma2 semaphore(%arg23 : memref<!tpu.dma_semaphore, #tpu.memory_space<semaphore_mem>>) src(%dma_wait3A_45 : memref<40x128xf32, #tpu.memory_space<hbm>>) dst(%arg12 : memref<40x128xf32, #tpu.memory_space<vmem>>)
    %dma_wait3A_46 = arith.constant 0 : i32
    %dma_wait3A_47 = arith.constant 0 : i32
    %dma_wait3A_48 = tpu.memref_slice %arg5[%dma_wait3A_46, %dma_wait3A_47] : memref<632x128xf32, #tpu.memory_space<hbm>> -> memref<40x128xf32, #tpu.memory_space<hbm>>
    %dma_wait3A_49 = arith.constant 0 : i32
    %dma_wait3A_50 = arith.constant 0 : i32
    %dma_wait3A_51 = tpu.memref_slice %arg5[%dma_wait3A_49, %dma_wait3A_50] : memref<632x128xf32, #tpu.memory_space<hbm>> -> memref<40x128xf32, #tpu.memory_space<hbm>>
    tpu.wait_dma2 semaphore(%arg24 : memref<!tpu.dma_semaphore, #tpu.memory_space<semaphore_mem>>) src(%dma_wait3A_51 : memref<40x128xf32, #tpu.memory_space<hbm>>) dst(%arg13 : memref<40x128xf32, #tpu.memory_space<vmem>>)
    %barrier3A_52 = arith.constant 0 : index
    tpu.barrier barrier_id(%barrier3A_52)
    %lt3A_53 = arith.constant 15 : i32
    %lt3A_54 = arith.cmpi slt, %arg1, %lt3A_53 : i32
    %convert_element_type3A_55 = arith.extui %lt3A_54 : i1 to i32
    %cond3A_56 = arith.constant 0 : i32
    %cond3A_57 = arith.cmpi ne, %convert_element_type3A_55, %cond3A_56 : i32
    scf.if %cond3A_57 {
      %mul3A_63 = arith.constant 632 : i32
      %mul3A_64 = arith.muli %arg1, %mul3A_63 : i32
      %mul3A_65 = arith.constant 10000 : i32
      %mul3A_66 = arith.muli %arg0, %mul3A_65 : i32
      %mul3A_67 = arith.constant 632 : i32
      %mul3A_68 = arith.muli %arg1, %mul3A_67 : i32
      %add3A_69 = arith.addi %mul3A_66, %mul3A_68 : i32
      "tpu.region"() ({
        %run_scoped3A = tpu.sem_alloc : memref<!tpu.dma_semaphore, #tpu.memory_space<semaphore_mem>>
        %dma_start3A_70 = arith.constant 0 : i32
        %dma_start3A_71 = tpu.memref_slice %arg6[%add3A_69, %dma_start3A_70] : memref<20000x128xf32, #tpu.memory_space<hbm>> -> memref<632x128xf32, #tpu.memory_space<hbm>>
        %dma_start3A_72 = arith.constant 0 : i32
        %dma_start3A_73 = tpu.memref_slice %arg14[%mul3A_64, %dma_start3A_72] : memref<10000x128xf32, #tpu.memory_space<vmem_shared>> -> memref<632x128xf32, #tpu.memory_space<vmem_shared>>
        tpu.enqueue_dma source(%dma_start3A_73 : memref<632x128xf32, #tpu.memory_space<vmem_shared>>) target(%dma_start3A_71 : memref<632x128xf32, #tpu.memory_space<hbm>>) target_semaphore(%run_scoped3A : memref<!tpu.dma_semaphore, #tpu.memory_space<semaphore_mem>>)
        %dma_wait3A_74 = arith.constant 0 : i32
        %dma_wait3A_75 = tpu.memref_slice %arg6[%add3A_69, %dma_wait3A_74] : memref<20000x128xf32, #tpu.memory_space<hbm>> -> memref<632x128xf32, #tpu.memory_space<hbm>>
        %dma_wait3A_76 = arith.constant 0 : i32
        %dma_wait3A_77 = tpu.memref_slice %arg14[%mul3A_64, %dma_wait3A_76] : memref<10000x128xf32, #tpu.memory_space<vmem_shared>> -> memref<632x128xf32, #tpu.memory_space<vmem_shared>>
        tpu.wait_dma2 semaphore(%run_scoped3A : memref<!tpu.dma_semaphore, #tpu.memory_space<semaphore_mem>>) src(%dma_wait3A_77 : memref<632x128xf32, #tpu.memory_space<vmem_shared>>) dst(%dma_wait3A_75 : memref<632x128xf32, #tpu.memory_space<hbm>>)
        tpu.yield
      }) : () -> ()
    } else {
    }
    %eq3A_58 = arith.constant 15 : i32
    %eq3A_59 = arith.cmpi eq, %arg1, %eq3A_58 : i32
    %convert_element_type3A_60 = arith.extui %eq3A_59 : i1 to i32
    %cond3A_61 = arith.constant 0 : i32
    %cond3A_62 = arith.cmpi ne, %convert_element_type3A_60, %cond3A_61 : i32
    scf.if %cond3A_62 {
      %mul3A_63 = arith.constant 10000 : i32
      %mul3A_64 = arith.muli %arg0, %mul3A_63 : i32
      %add3A_65 = arith.constant 9480 : i32
      %add3A_66 = arith.addi %mul3A_64, %add3A_65 : i32
      "tpu.region"() ({
        %run_scoped3A = tpu.sem_alloc : memref<!tpu.dma_semaphore, #tpu.memory_space<semaphore_mem>>
        %dma_start3A_67 = arith.constant 0 : i32
        %dma_start3A_68 = tpu.memref_slice %arg6[%add3A_66, %dma_start3A_67] : memref<20000x128xf32, #tpu.memory_space<hbm>> -> memref<520x128xf32, #tpu.memory_space<hbm>>
        %dma_start3A_69 = arith.constant 9480 : i32
        %dma_start3A_70 = arith.constant 0 : i32
        %dma_start3A_71 = tpu.memref_slice %arg14[%dma_start3A_69, %dma_start3A_70] : memref<10000x128xf32, #tpu.memory_space<vmem_shared>> -> memref<520x128xf32, #tpu.memory_space<vmem_shared>>
        tpu.enqueue_dma source(%dma_start3A_71 : memref<520x128xf32, #tpu.memory_space<vmem_shared>>) target(%dma_start3A_68 : memref<520x128xf32, #tpu.memory_space<hbm>>) target_semaphore(%run_scoped3A : memref<!tpu.dma_semaphore, #tpu.memory_space<semaphore_mem>>)
        %dma_wait3A_72 = arith.constant 0 : i32
        %dma_wait3A_73 = tpu.memref_slice %arg6[%add3A_66, %dma_wait3A_72] : memref<20000x128xf32, #tpu.memory_space<hbm>> -> memref<520x128xf32, #tpu.memory_space<hbm>>
        %dma_wait3A_74 = arith.constant 9480 : i32
        %dma_wait3A_75 = arith.constant 0 : i32
        %dma_wait3A_76 = tpu.memref_slice %arg14[%dma_wait3A_74, %dma_wait3A_75] : memref<10000x128xf32, #tpu.memory_space<vmem_shared>> -> memref<520x128xf32, #tpu.memory_space<vmem_shared>>
        tpu.wait_dma2 semaphore(%run_scoped3A : memref<!tpu.dma_semaphore, #tpu.memory_space<semaphore_mem>>) src(%dma_wait3A_76 : memref<520x128xf32, #tpu.memory_space<vmem_shared>>) dst(%dma_wait3A_73 : memref<520x128xf32, #tpu.memory_space<hbm>>)
        tpu.yield
      }) : () -> ()
    } else {
    }
    return
  }
}

#map = affine_map<(d0, d1) -> (0)>
#map1 = affine_map<(d0, d1) -> (0, 0)>
#map2 = affine_map<(d0, d1) -> (0, 0, 0)>
module attributes {stable_mosaic.version = 14 : i64} {
  func.func @_deg_kernel(%arg0: i32, %arg1: i32, %arg2: memref<160000xi32, #tpu.memory_space<hbm>>, %arg3: memref<632x128xf32, #tpu.memory_space<hbm>>, %arg4: memref<40x128xf32, #tpu.memory_space<hbm>>, %arg5: memref<2x10000x128xf32, #tpu.memory_space<hbm>>, %arg6: memref<5000xi32, #tpu.memory_space<vmem>>, %arg7: memref<40x128xf32, #tpu.memory_space<vmem>>, %arg8: memref<10000x128xf32, #tpu.memory_space<vmem_shared>>, %arg9: memref<!tpu.dma_semaphore, #tpu.memory_space<semaphore_mem>>, %arg10: memref<!tpu.dma_semaphore, #tpu.memory_space<semaphore_mem>>, %arg11: memref<!tpu.dma_semaphore, #tpu.memory_space<semaphore_mem>>) attributes {dimension_semantics = [#tpu.dimension_semantics<core_parallel>, #tpu.dimension_semantics<subcore_parallel>], iteration_bounds = array<i64: 2, 16>, scalar_prefetch = 0 : i64, scratch_operands = 6 : i64, tpu.core_type = #tpu.core_type<sc_vector_subcore>, window_params = [{transform_indices = #map}, {transform_indices = #map1}, {transform_indices = #map1}, {transform_indices = #map2}]} {
    %mul3A = arith.constant 16 : i32
    %mul3A_0 = arith.muli %arg0, %mul3A : i32
    %add3A = arith.addi %mul3A_0, %arg1 : i32
    tpu.enqueue_dma source(%arg4 : memref<40x128xf32, #tpu.memory_space<hbm>>) target(%arg7 : memref<40x128xf32, #tpu.memory_space<vmem>>) target_semaphore(%arg10 : memref<!tpu.dma_semaphore, #tpu.memory_space<semaphore_mem>>)
    %mul3A_1 = arith.constant 5000 : i32
    %mul3A_2 = arith.muli %add3A, %mul3A_1 : i32
    %dma_start3A = tpu.memref_slice %arg2[%mul3A_2] : memref<160000xi32, #tpu.memory_space<hbm>> -> memref<5000xi32, #tpu.memory_space<hbm>>
    %dma_start3A_3 = tpu.memref_slice %arg2[%mul3A_2] : memref<160000xi32, #tpu.memory_space<hbm>> -> memref<5000xi32, #tpu.memory_space<hbm>>
    tpu.enqueue_dma source(%dma_start3A_3 : memref<5000xi32, #tpu.memory_space<hbm>>) target(%arg6 : memref<5000xi32, #tpu.memory_space<vmem>>) target_semaphore(%arg11 : memref<!tpu.dma_semaphore, #tpu.memory_space<semaphore_mem>>)
    %lt3A = arith.constant 15 : i32
    %lt3A_4 = arith.cmpi slt, %arg1, %lt3A : i32
    %convert_element_type3A = arith.extui %lt3A_4 : i1 to i32
    %cond3A = arith.constant 0 : i32
    %cond3A_5 = arith.cmpi ne, %convert_element_type3A, %cond3A : i32
    scf.if %cond3A_5 {
      %mul3A_57 = arith.constant 632 : i32
      %mul3A_58 = arith.muli %arg1, %mul3A_57 : i32
      "tpu.region"() ({
        %run_scoped3A = tpu.sem_alloc : memref<!tpu.dma_semaphore, #tpu.memory_space<semaphore_mem>>
        %dma_start3A_59 = arith.constant 0 : i32
        %dma_start3A_60 = tpu.memref_slice %arg8[%mul3A_58, %dma_start3A_59] : memref<10000x128xf32, #tpu.memory_space<vmem_shared>> -> memref<632x128xf32, #tpu.memory_space<vmem_shared>>
        %dma_start3A_61 = arith.constant 0 : i32
        %dma_start3A_62 = arith.constant 0 : i32
        %dma_start3A_63 = tpu.memref_slice %arg3[%dma_start3A_61, %dma_start3A_62] : memref<632x128xf32, #tpu.memory_space<hbm>> -> memref<632x128xf32, #tpu.memory_space<hbm>>
        tpu.enqueue_dma source(%dma_start3A_63 : memref<632x128xf32, #tpu.memory_space<hbm>>) target(%dma_start3A_60 : memref<632x128xf32, #tpu.memory_space<vmem_shared>>) target_semaphore(%run_scoped3A : memref<!tpu.dma_semaphore, #tpu.memory_space<semaphore_mem>>)
        %dma_wait3A_64 = arith.constant 0 : i32
        %dma_wait3A_65 = tpu.memref_slice %arg8[%mul3A_58, %dma_wait3A_64] : memref<10000x128xf32, #tpu.memory_space<vmem_shared>> -> memref<632x128xf32, #tpu.memory_space<vmem_shared>>
        %dma_wait3A_66 = arith.constant 0 : i32
        %dma_wait3A_67 = arith.constant 0 : i32
        %dma_wait3A_68 = tpu.memref_slice %arg3[%dma_wait3A_66, %dma_wait3A_67] : memref<632x128xf32, #tpu.memory_space<hbm>> -> memref<632x128xf32, #tpu.memory_space<hbm>>
        tpu.wait_dma2 semaphore(%run_scoped3A : memref<!tpu.dma_semaphore, #tpu.memory_space<semaphore_mem>>) src(%dma_wait3A_68 : memref<632x128xf32, #tpu.memory_space<hbm>>) dst(%dma_wait3A_65 : memref<632x128xf32, #tpu.memory_space<vmem_shared>>)
        tpu.yield
      }) : () -> ()
    } else {
    }
    %eq3A = arith.constant 15 : i32
    %eq3A_6 = arith.cmpi eq, %arg1, %eq3A : i32
    %convert_element_type3A_7 = arith.extui %eq3A_6 : i1 to i32
    %cond3A_8 = arith.constant 0 : i32
    %cond3A_9 = arith.cmpi ne, %convert_element_type3A_7, %cond3A_8 : i32
    scf.if %cond3A_9 {
      "tpu.region"() ({
        %run_scoped3A = tpu.sem_alloc : memref<!tpu.dma_semaphore, #tpu.memory_space<semaphore_mem>>
        %dma_start3A_57 = arith.constant 9480 : i32
        %dma_start3A_58 = arith.constant 0 : i32
        %dma_start3A_59 = tpu.memref_slice %arg8[%dma_start3A_57, %dma_start3A_58] : memref<10000x128xf32, #tpu.memory_space<vmem_shared>> -> memref<520x128xf32, #tpu.memory_space<vmem_shared>>
        %dma_start3A_60 = arith.constant 0 : i32
        %dma_start3A_61 = arith.constant 0 : i32
        %dma_start3A_62 = tpu.memref_slice %arg3[%dma_start3A_60, %dma_start3A_61] : memref<632x128xf32, #tpu.memory_space<hbm>> -> memref<520x128xf32, #tpu.memory_space<hbm>>
        tpu.enqueue_dma source(%dma_start3A_62 : memref<520x128xf32, #tpu.memory_space<hbm>>) target(%dma_start3A_59 : memref<520x128xf32, #tpu.memory_space<vmem_shared>>) target_semaphore(%run_scoped3A : memref<!tpu.dma_semaphore, #tpu.memory_space<semaphore_mem>>)
        %dma_wait3A_63 = arith.constant 9480 : i32
        %dma_wait3A_64 = arith.constant 0 : i32
        %dma_wait3A_65 = tpu.memref_slice %arg8[%dma_wait3A_63, %dma_wait3A_64] : memref<10000x128xf32, #tpu.memory_space<vmem_shared>> -> memref<520x128xf32, #tpu.memory_space<vmem_shared>>
        %dma_wait3A_66 = arith.constant 0 : i32
        %dma_wait3A_67 = arith.constant 0 : i32
        %dma_wait3A_68 = tpu.memref_slice %arg3[%dma_wait3A_66, %dma_wait3A_67] : memref<632x128xf32, #tpu.memory_space<hbm>> -> memref<520x128xf32, #tpu.memory_space<hbm>>
        tpu.wait_dma2 semaphore(%run_scoped3A : memref<!tpu.dma_semaphore, #tpu.memory_space<semaphore_mem>>) src(%dma_wait3A_68 : memref<520x128xf32, #tpu.memory_space<hbm>>) dst(%dma_wait3A_65 : memref<520x128xf32, #tpu.memory_space<vmem_shared>>)
        tpu.yield
      }) : () -> ()
    } else {
    }
    tpu.wait_dma2 semaphore(%arg10 : memref<!tpu.dma_semaphore, #tpu.memory_space<semaphore_mem>>) src(%arg4 : memref<40x128xf32, #tpu.memory_space<hbm>>) dst(%arg7 : memref<40x128xf32, #tpu.memory_space<vmem>>)
    %dma_wait3A = tpu.memref_slice %arg2[%mul3A_2] : memref<160000xi32, #tpu.memory_space<hbm>> -> memref<5000xi32, #tpu.memory_space<hbm>>
    %dma_wait3A_10 = tpu.memref_slice %arg2[%mul3A_2] : memref<160000xi32, #tpu.memory_space<hbm>> -> memref<5000xi32, #tpu.memory_space<hbm>>
    tpu.wait_dma2 semaphore(%arg11 : memref<!tpu.dma_semaphore, #tpu.memory_space<semaphore_mem>>) src(%dma_wait3A_10 : memref<5000xi32, #tpu.memory_space<hbm>>) dst(%arg6 : memref<5000xi32, #tpu.memory_space<vmem>>)
    %barrier3A = arith.constant 0 : index
    tpu.barrier barrier_id(%barrier3A)
    %scan3A = arith.constant 0 : i32
    %scan3A_11 = arith.constant 0 : i32
    %scan3A_12 = arith.constant 25 : i32
    %scan3A_13 = arith.addi %scan3A_11, %scan3A_12 : i32
    %scan3A_14 = arith.constant 1 : i32
    scf.for %scan3A_57 = %scan3A_11 to %scan3A_13 step %scan3A_14  : i32 {
      %mul3A_58 = arith.constant 5 : i32
      %mul3A_59 = arith.muli %scan3A_57, %mul3A_58 : i32
      %gt3A = arith.constant 0 : i32
      %gt3A_60 = arith.cmpi sgt, %scan3A_57, %gt3A : i32
      %convert_element_type3A_61 = arith.extui %gt3A_60 : i1 to i32
      %cond3A_62 = arith.constant 0 : i32
      %cond3A_63 = arith.cmpi ne, %convert_element_type3A_61, %cond3A_62 : i32
      scf.if %cond3A_63 {
        %dma_wait3A_124 = arith.constant 0 : i32
        %dma_wait3A_125 = arith.constant 0 : i32
        %dma_wait3A_126 = tpu.memref_slice %arg3[%dma_wait3A_124, %dma_wait3A_125] : memref<632x128xf32, #tpu.memory_space<hbm>> -> memref<40x128xf32, #tpu.memory_space<hbm>>
        %dma_wait3A_127 = arith.constant 0 : i32
        %dma_wait3A_128 = arith.constant 0 : i32
        %dma_wait3A_129 = tpu.memref_slice %arg3[%dma_wait3A_127, %dma_wait3A_128] : memref<632x128xf32, #tpu.memory_space<hbm>> -> memref<40x128xf32, #tpu.memory_space<hbm>>
        tpu.wait_dma2 semaphore(%arg9 : memref<!tpu.dma_semaphore, #tpu.memory_space<semaphore_mem>>) src(%dma_wait3A_129 : memref<40x128xf32, #tpu.memory_space<hbm>>) dst(%arg7 : memref<40x128xf32, #tpu.memory_space<vmem>>)
      } else {
      }
      %add3A_64 = arith.constant 0 : i32
      %add3A_65 = arith.addi %mul3A_59, %add3A_64 : i32
      %mul3A_66 = arith.constant 40 : i32
      %mul3A_67 = arith.muli %add3A_65, %mul3A_66 : i32
      %dma_start3A_68 = tpu.memref_slice %arg6[%mul3A_67] : memref<5000xi32, #tpu.memory_space<vmem>> -> memref<40xi32, #tpu.memory_space<vmem>>
      %dma_start3A_69 = arith.constant 0 : i32
      %dma_start3A_70 = arith.constant 0 : i32
      %dma_start3A_71 = tpu.memref_slice %arg8[%dma_start3A_69, %dma_start3A_70] : memref<10000x128xf32, #tpu.memory_space<vmem_shared>> -> memref<10000x128xf32, #tpu.memory_space<vmem_shared>>
      tpu.enqueue_indirect_dma source(%arg7 : memref<40x128xf32, #tpu.memory_space<vmem>>) target(%dma_start3A_71 : memref<10000x128xf32, #tpu.memory_space<vmem_shared>>) offsets(%dma_start3A_68 : memref<40xi32, #tpu.memory_space<vmem>>) semaphore(%arg9 : memref<!tpu.dma_semaphore, #tpu.memory_space<semaphore_mem>>) {add = true}
      %gt3A_72 = arith.constant 0 : i32
      %gt3A_73 = arith.cmpi sgt, %scan3A_57, %gt3A_72 : i32
      %convert_element_type3A_74 = arith.extui %gt3A_73 : i1 to i32
      %cond3A_75 = arith.constant 0 : i32
      %cond3A_76 = arith.cmpi ne, %convert_element_type3A_74, %cond3A_75 : i32
      scf.if %cond3A_76 {
        %dma_wait3A_124 = arith.constant 0 : i32
        %dma_wait3A_125 = arith.constant 0 : i32
        %dma_wait3A_126 = tpu.memref_slice %arg3[%dma_wait3A_124, %dma_wait3A_125] : memref<632x128xf32, #tpu.memory_space<hbm>> -> memref<40x128xf32, #tpu.memory_space<hbm>>
        %dma_wait3A_127 = arith.constant 0 : i32
        %dma_wait3A_128 = arith.constant 0 : i32
        %dma_wait3A_129 = tpu.memref_slice %arg3[%dma_wait3A_127, %dma_wait3A_128] : memref<632x128xf32, #tpu.memory_space<hbm>> -> memref<40x128xf32, #tpu.memory_space<hbm>>
        tpu.wait_dma2 semaphore(%arg9 : memref<!tpu.dma_semaphore, #tpu.memory_space<semaphore_mem>>) src(%dma_wait3A_129 : memref<40x128xf32, #tpu.memory_space<hbm>>) dst(%arg7 : memref<40x128xf32, #tpu.memory_space<vmem>>)
      } else {
      }
      %add3A_77 = arith.constant 1 : i32
      %add3A_78 = arith.addi %mul3A_59, %add3A_77 : i32
      %mul3A_79 = arith.constant 40 : i32
      %mul3A_80 = arith.muli %add3A_78, %mul3A_79 : i32
      %dma_start3A_81 = tpu.memref_slice %arg6[%mul3A_80] : memref<5000xi32, #tpu.memory_space<vmem>> -> memref<40xi32, #tpu.memory_space<vmem>>
      %dma_start3A_82 = arith.constant 0 : i32
      %dma_start3A_83 = arith.constant 0 : i32
      %dma_start3A_84 = tpu.memref_slice %arg8[%dma_start3A_82, %dma_start3A_83] : memref<10000x128xf32, #tpu.memory_space<vmem_shared>> -> memref<10000x128xf32, #tpu.memory_space<vmem_shared>>
      tpu.enqueue_indirect_dma source(%arg7 : memref<40x128xf32, #tpu.memory_space<vmem>>) target(%dma_start3A_84 : memref<10000x128xf32, #tpu.memory_space<vmem_shared>>) offsets(%dma_start3A_81 : memref<40xi32, #tpu.memory_space<vmem>>) semaphore(%arg9 : memref<!tpu.dma_semaphore, #tpu.memory_space<semaphore_mem>>) {add = true}
      %gt3A_85 = arith.constant 0 : i32
      %gt3A_86 = arith.cmpi sgt, %scan3A_57, %gt3A_85 : i32
      %convert_element_type3A_87 = arith.extui %gt3A_86 : i1 to i32
      %cond3A_88 = arith.constant 0 : i32
      %cond3A_89 = arith.cmpi ne, %convert_element_type3A_87, %cond3A_88 : i32
      scf.if %cond3A_89 {
        %dma_wait3A_124 = arith.constant 0 : i32
        %dma_wait3A_125 = arith.constant 0 : i32
        %dma_wait3A_126 = tpu.memref_slice %arg3[%dma_wait3A_124, %dma_wait3A_125] : memref<632x128xf32, #tpu.memory_space<hbm>> -> memref<40x128xf32, #tpu.memory_space<hbm>>
        %dma_wait3A_127 = arith.constant 0 : i32
        %dma_wait3A_128 = arith.constant 0 : i32
        %dma_wait3A_129 = tpu.memref_slice %arg3[%dma_wait3A_127, %dma_wait3A_128] : memref<632x128xf32, #tpu.memory_space<hbm>> -> memref<40x128xf32, #tpu.memory_space<hbm>>
        tpu.wait_dma2 semaphore(%arg9 : memref<!tpu.dma_semaphore, #tpu.memory_space<semaphore_mem>>) src(%dma_wait3A_129 : memref<40x128xf32, #tpu.memory_space<hbm>>) dst(%arg7 : memref<40x128xf32, #tpu.memory_space<vmem>>)
      } else {
      }
      %add3A_90 = arith.constant 2 : i32
      %add3A_91 = arith.addi %mul3A_59, %add3A_90 : i32
      %mul3A_92 = arith.constant 40 : i32
      %mul3A_93 = arith.muli %add3A_91, %mul3A_92 : i32
      %dma_start3A_94 = tpu.memref_slice %arg6[%mul3A_93] : memref<5000xi32, #tpu.memory_space<vmem>> -> memref<40xi32, #tpu.memory_space<vmem>>
      %dma_start3A_95 = arith.constant 0 : i32
      %dma_start3A_96 = arith.constant 0 : i32
      %dma_start3A_97 = tpu.memref_slice %arg8[%dma_start3A_95, %dma_start3A_96] : memref<10000x128xf32, #tpu.memory_space<vmem_shared>> -> memref<10000x128xf32, #tpu.memory_space<vmem_shared>>
      tpu.enqueue_indirect_dma source(%arg7 : memref<40x128xf32, #tpu.memory_space<vmem>>) target(%dma_start3A_97 : memref<10000x128xf32, #tpu.memory_space<vmem_shared>>) offsets(%dma_start3A_94 : memref<40xi32, #tpu.memory_space<vmem>>) semaphore(%arg9 : memref<!tpu.dma_semaphore, #tpu.memory_space<semaphore_mem>>) {add = true}
      %gt3A_98 = arith.constant 0 : i32
      %gt3A_99 = arith.cmpi sgt, %scan3A_57, %gt3A_98 : i32
      %convert_element_type3A_100 = arith.extui %gt3A_99 : i1 to i32
      %cond3A_101 = arith.constant 0 : i32
      %cond3A_102 = arith.cmpi ne, %convert_element_type3A_100, %cond3A_101 : i32
      scf.if %cond3A_102 {
        %dma_wait3A_124 = arith.constant 0 : i32
        %dma_wait3A_125 = arith.constant 0 : i32
        %dma_wait3A_126 = tpu.memref_slice %arg3[%dma_wait3A_124, %dma_wait3A_125] : memref<632x128xf32, #tpu.memory_space<hbm>> -> memref<40x128xf32, #tpu.memory_space<hbm>>
        %dma_wait3A_127 = arith.constant 0 : i32
        %dma_wait3A_128 = arith.constant 0 : i32
        %dma_wait3A_129 = tpu.memref_slice %arg3[%dma_wait3A_127, %dma_wait3A_128] : memref<632x128xf32, #tpu.memory_space<hbm>> -> memref<40x128xf32, #tpu.memory_space<hbm>>
        tpu.wait_dma2 semaphore(%arg9 : memref<!tpu.dma_semaphore, #tpu.memory_space<semaphore_mem>>) src(%dma_wait3A_129 : memref<40x128xf32, #tpu.memory_space<hbm>>) dst(%arg7 : memref<40x128xf32, #tpu.memory_space<vmem>>)
      } else {
      }
      %add3A_103 = arith.constant 3 : i32
      %add3A_104 = arith.addi %mul3A_59, %add3A_103 : i32
      %mul3A_105 = arith.constant 40 : i32
      %mul3A_106 = arith.muli %add3A_104, %mul3A_105 : i32
      %dma_start3A_107 = tpu.memref_slice %arg6[%mul3A_106] : memref<5000xi32, #tpu.memory_space<vmem>> -> memref<40xi32, #tpu.memory_space<vmem>>
      %dma_start3A_108 = arith.constant 0 : i32
      %dma_start3A_109 = arith.constant 0 : i32
      %dma_start3A_110 = tpu.memref_slice %arg8[%dma_start3A_108, %dma_start3A_109] : memref<10000x128xf32, #tpu.memory_space<vmem_shared>> -> memref<10000x128xf32, #tpu.memory_space<vmem_shared>>
      tpu.enqueue_indirect_dma source(%arg7 : memref<40x128xf32, #tpu.memory_space<vmem>>) target(%dma_start3A_110 : memref<10000x128xf32, #tpu.memory_space<vmem_shared>>) offsets(%dma_start3A_107 : memref<40xi32, #tpu.memory_space<vmem>>) semaphore(%arg9 : memref<!tpu.dma_semaphore, #tpu.memory_space<semaphore_mem>>) {add = true}
      %gt3A_111 = arith.constant 0 : i32
      %gt3A_112 = arith.cmpi sgt, %scan3A_57, %gt3A_111 : i32
      %convert_element_type3A_113 = arith.extui %gt3A_112 : i1 to i32
      %cond3A_114 = arith.constant 0 : i32
      %cond3A_115 = arith.cmpi ne, %convert_element_type3A_113, %cond3A_114 : i32
      scf.if %cond3A_115 {
        %dma_wait3A_124 = arith.constant 0 : i32
        %dma_wait3A_125 = arith.constant 0 : i32
        %dma_wait3A_126 = tpu.memref_slice %arg3[%dma_wait3A_124, %dma_wait3A_125] : memref<632x128xf32, #tpu.memory_space<hbm>> -> memref<40x128xf32, #tpu.memory_space<hbm>>
        %dma_wait3A_127 = arith.constant 0 : i32
        %dma_wait3A_128 = arith.constant 0 : i32
        %dma_wait3A_129 = tpu.memref_slice %arg3[%dma_wait3A_127, %dma_wait3A_128] : memref<632x128xf32, #tpu.memory_space<hbm>> -> memref<40x128xf32, #tpu.memory_space<hbm>>
        tpu.wait_dma2 semaphore(%arg9 : memref<!tpu.dma_semaphore, #tpu.memory_space<semaphore_mem>>) src(%dma_wait3A_129 : memref<40x128xf32, #tpu.memory_space<hbm>>) dst(%arg7 : memref<40x128xf32, #tpu.memory_space<vmem>>)
      } else {
      }
      %add3A_116 = arith.constant 4 : i32
      %add3A_117 = arith.addi %mul3A_59, %add3A_116 : i32
      %mul3A_118 = arith.constant 40 : i32
      %mul3A_119 = arith.muli %add3A_117, %mul3A_118 : i32
      %dma_start3A_120 = tpu.memref_slice %arg6[%mul3A_119] : memref<5000xi32, #tpu.memory_space<vmem>> -> memref<40xi32, #tpu.memory_space<vmem>>
      %dma_start3A_121 = arith.constant 0 : i32
      %dma_start3A_122 = arith.constant 0 : i32
      %dma_start3A_123 = tpu.memref_slice %arg8[%dma_start3A_121, %dma_start3A_122] : memref<10000x128xf32, #tpu.memory_space<vmem_shared>> -> memref<10000x128xf32, #tpu.memory_space<vmem_shared>>
      tpu.enqueue_indirect_dma source(%arg7 : memref<40x128xf32, #tpu.memory_space<vmem>>) target(%dma_start3A_123 : memref<10000x128xf32, #tpu.memory_space<vmem_shared>>) offsets(%dma_start3A_120 : memref<40xi32, #tpu.memory_space<vmem>>) semaphore(%arg9 : memref<!tpu.dma_semaphore, #tpu.memory_space<semaphore_mem>>) {add = true}
    }
    %scan3A_15 = arith.constant 25 : i32
    %dma_wait3A_16 = arith.constant 0 : i32
    %dma_wait3A_17 = arith.constant 0 : i32
    %dma_wait3A_18 = tpu.memref_slice %arg3[%dma_wait3A_16, %dma_wait3A_17] : memref<632x128xf32, #tpu.memory_space<hbm>> -> memref<40x128xf32, #tpu.memory_space<hbm>>
    %dma_wait3A_19 = arith.constant 0 : i32
    %dma_wait3A_20 = arith.constant 0 : i32
    %dma_wait3A_21 = tpu.memref_slice %arg3[%dma_wait3A_19, %dma_wait3A_20] : memref<632x128xf32, #tpu.memory_space<hbm>> -> memref<40x128xf32, #tpu.memory_space<hbm>>
    tpu.wait_dma2 semaphore(%arg9 : memref<!tpu.dma_semaphore, #tpu.memory_space<semaphore_mem>>) src(%dma_wait3A_21 : memref<40x128xf32, #tpu.memory_space<hbm>>) dst(%arg7 : memref<40x128xf32, #tpu.memory_space<vmem>>)
    %dma_wait3A_22 = arith.constant 0 : i32
    %dma_wait3A_23 = arith.constant 0 : i32
    %dma_wait3A_24 = tpu.memref_slice %arg3[%dma_wait3A_22, %dma_wait3A_23] : memref<632x128xf32, #tpu.memory_space<hbm>> -> memref<40x128xf32, #tpu.memory_space<hbm>>
    %dma_wait3A_25 = arith.constant 0 : i32
    %dma_wait3A_26 = arith.constant 0 : i32
    %dma_wait3A_27 = tpu.memref_slice %arg3[%dma_wait3A_25, %dma_wait3A_26] : memref<632x128xf32, #tpu.memory_space<hbm>> -> memref<40x128xf32, #tpu.memory_space<hbm>>
    tpu.wait_dma2 semaphore(%arg9 : memref<!tpu.dma_semaphore, #tpu.memory_space<semaphore_mem>>) src(%dma_wait3A_27 : memref<40x128xf32, #tpu.memory_space<hbm>>) dst(%arg7 : memref<40x128xf32, #tpu.memory_space<vmem>>)
    %dma_wait3A_28 = arith.constant 0 : i32
    %dma_wait3A_29 = arith.constant 0 : i32
    %dma_wait3A_30 = tpu.memref_slice %arg3[%dma_wait3A_28, %dma_wait3A_29] : memref<632x128xf32, #tpu.memory_space<hbm>> -> memref<40x128xf32, #tpu.memory_space<hbm>>
    %dma_wait3A_31 = arith.constant 0 : i32
    %dma_wait3A_32 = arith.constant 0 : i32
    %dma_wait3A_33 = tpu.memref_slice %arg3[%dma_wait3A_31, %dma_wait3A_32] : memref<632x128xf32, #tpu.memory_space<hbm>> -> memref<40x128xf32, #tpu.memory_space<hbm>>
    tpu.wait_dma2 semaphore(%arg9 : memref<!tpu.dma_semaphore, #tpu.memory_space<semaphore_mem>>) src(%dma_wait3A_33 : memref<40x128xf32, #tpu.memory_space<hbm>>) dst(%arg7 : memref<40x128xf32, #tpu.memory_space<vmem>>)
    %dma_wait3A_34 = arith.constant 0 : i32
    %dma_wait3A_35 = arith.constant 0 : i32
    %dma_wait3A_36 = tpu.memref_slice %arg3[%dma_wait3A_34, %dma_wait3A_35] : memref<632x128xf32, #tpu.memory_space<hbm>> -> memref<40x128xf32, #tpu.memory_space<hbm>>
    %dma_wait3A_37 = arith.constant 0 : i32
    %dma_wait3A_38 = arith.constant 0 : i32
    %dma_wait3A_39 = tpu.memref_slice %arg3[%dma_wait3A_37, %dma_wait3A_38] : memref<632x128xf32, #tpu.memory_space<hbm>> -> memref<40x128xf32, #tpu.memory_space<hbm>>
    tpu.wait_dma2 semaphore(%arg9 : memref<!tpu.dma_semaphore, #tpu.memory_space<semaphore_mem>>) src(%dma_wait3A_39 : memref<40x128xf32, #tpu.memory_space<hbm>>) dst(%arg7 : memref<40x128xf32, #tpu.memory_space<vmem>>)
    %dma_wait3A_40 = arith.constant 0 : i32
    %dma_wait3A_41 = arith.constant 0 : i32
    %dma_wait3A_42 = tpu.memref_slice %arg3[%dma_wait3A_40, %dma_wait3A_41] : memref<632x128xf32, #tpu.memory_space<hbm>> -> memref<40x128xf32, #tpu.memory_space<hbm>>
    %dma_wait3A_43 = arith.constant 0 : i32
    %dma_wait3A_44 = arith.constant 0 : i32
    %dma_wait3A_45 = tpu.memref_slice %arg3[%dma_wait3A_43, %dma_wait3A_44] : memref<632x128xf32, #tpu.memory_space<hbm>> -> memref<40x128xf32, #tpu.memory_space<hbm>>
    tpu.wait_dma2 semaphore(%arg9 : memref<!tpu.dma_semaphore, #tpu.memory_space<semaphore_mem>>) src(%dma_wait3A_45 : memref<40x128xf32, #tpu.memory_space<hbm>>) dst(%arg7 : memref<40x128xf32, #tpu.memory_space<vmem>>)
    %barrier3A_46 = arith.constant 0 : index
    tpu.barrier barrier_id(%barrier3A_46)
    %lt3A_47 = arith.constant 15 : i32
    %lt3A_48 = arith.cmpi slt, %arg1, %lt3A_47 : i32
    %convert_element_type3A_49 = arith.extui %lt3A_48 : i1 to i32
    %cond3A_50 = arith.constant 0 : i32
    %cond3A_51 = arith.cmpi ne, %convert_element_type3A_49, %cond3A_50 : i32
    scf.if %cond3A_51 {
      %mul3A_57 = arith.constant 632 : i32
      %mul3A_58 = arith.muli %arg1, %mul3A_57 : i32
      %mul3A_59 = arith.constant 632 : i32
      %mul3A_60 = arith.muli %arg1, %mul3A_59 : i32
      "tpu.region"() ({
        %run_scoped3A = tpu.sem_alloc : memref<!tpu.dma_semaphore, #tpu.memory_space<semaphore_mem>>
        %dma_start3A_61 = arith.constant 0 : i32
        %dma_start3A_62 = tpu.memref_slice %arg5[%arg0, %mul3A_60, %dma_start3A_61] : memref<2x10000x128xf32, #tpu.memory_space<hbm>> -> memref<1x632x128xf32, #tpu.memory_space<hbm>>
        %dma_start3A_63 = tpu.memref_squeeze %dma_start3A_62 : memref<1x632x128xf32, #tpu.memory_space<hbm>> -> memref<632x128xf32, #tpu.memory_space<hbm>>
        %dma_start3A_64 = arith.constant 0 : i32
        %dma_start3A_65 = tpu.memref_slice %arg8[%mul3A_58, %dma_start3A_64] : memref<10000x128xf32, #tpu.memory_space<vmem_shared>> -> memref<632x128xf32, #tpu.memory_space<vmem_shared>>
        tpu.enqueue_dma source(%dma_start3A_65 : memref<632x128xf32, #tpu.memory_space<vmem_shared>>) target(%dma_start3A_63 : memref<632x128xf32, #tpu.memory_space<hbm>>) target_semaphore(%run_scoped3A : memref<!tpu.dma_semaphore, #tpu.memory_space<semaphore_mem>>)
        %dma_wait3A_66 = arith.constant 0 : i32
        %dma_wait3A_67 = tpu.memref_slice %arg5[%arg0, %mul3A_60, %dma_wait3A_66] : memref<2x10000x128xf32, #tpu.memory_space<hbm>> -> memref<1x632x128xf32, #tpu.memory_space<hbm>>
        %dma_wait3A_68 = tpu.memref_squeeze %dma_wait3A_67 : memref<1x632x128xf32, #tpu.memory_space<hbm>> -> memref<632x128xf32, #tpu.memory_space<hbm>>
        %dma_wait3A_69 = arith.constant 0 : i32
        %dma_wait3A_70 = tpu.memref_slice %arg8[%mul3A_58, %dma_wait3A_69] : memref<10000x128xf32, #tpu.memory_space<vmem_shared>> -> memref<632x128xf32, #tpu.memory_space<vmem_shared>>
        tpu.wait_dma2 semaphore(%run_scoped3A : memref<!tpu.dma_semaphore, #tpu.memory_space<semaphore_mem>>) src(%dma_wait3A_70 : memref<632x128xf32, #tpu.memory_space<vmem_shared>>) dst(%dma_wait3A_68 : memref<632x128xf32, #tpu.memory_space<hbm>>)
        tpu.yield
      }) : () -> ()
    } else {
    }
    %eq3A_52 = arith.constant 15 : i32
    %eq3A_53 = arith.cmpi eq, %arg1, %eq3A_52 : i32
    %convert_element_type3A_54 = arith.extui %eq3A_53 : i1 to i32
    %cond3A_55 = arith.constant 0 : i32
    %cond3A_56 = arith.cmpi ne, %convert_element_type3A_54, %cond3A_55 : i32
    scf.if %cond3A_56 {
      "tpu.region"() ({
        %run_scoped3A = tpu.sem_alloc : memref<!tpu.dma_semaphore, #tpu.memory_space<semaphore_mem>>
        %dma_start3A_57 = arith.constant 9480 : i32
        %dma_start3A_58 = arith.constant 0 : i32
        %dma_start3A_59 = tpu.memref_slice %arg5[%arg0, %dma_start3A_57, %dma_start3A_58] : memref<2x10000x128xf32, #tpu.memory_space<hbm>> -> memref<1x520x128xf32, #tpu.memory_space<hbm>>
        %dma_start3A_60 = tpu.memref_squeeze %dma_start3A_59 : memref<1x520x128xf32, #tpu.memory_space<hbm>> -> memref<520x128xf32, #tpu.memory_space<hbm>>
        %dma_start3A_61 = arith.constant 9480 : i32
        %dma_start3A_62 = arith.constant 0 : i32
        %dma_start3A_63 = tpu.memref_slice %arg8[%dma_start3A_61, %dma_start3A_62] : memref<10000x128xf32, #tpu.memory_space<vmem_shared>> -> memref<520x128xf32, #tpu.memory_space<vmem_shared>>
        tpu.enqueue_dma source(%dma_start3A_63 : memref<520x128xf32, #tpu.memory_space<vmem_shared>>) target(%dma_start3A_60 : memref<520x128xf32, #tpu.memory_space<hbm>>) target_semaphore(%run_scoped3A : memref<!tpu.dma_semaphore, #tpu.memory_space<semaphore_mem>>)
        %dma_wait3A_64 = arith.constant 9480 : i32
        %dma_wait3A_65 = arith.constant 0 : i32
        %dma_wait3A_66 = tpu.memref_slice %arg5[%arg0, %dma_wait3A_64, %dma_wait3A_65] : memref<2x10000x128xf32, #tpu.memory_space<hbm>> -> memref<1x520x128xf32, #tpu.memory_space<hbm>>
        %dma_wait3A_67 = tpu.memref_squeeze %dma_wait3A_66 : memref<1x520x128xf32, #tpu.memory_space<hbm>> -> memref<520x128xf32, #tpu.memory_space<hbm>>
        %dma_wait3A_68 = arith.constant 9480 : i32
        %dma_wait3A_69 = arith.constant 0 : i32
        %dma_wait3A_70 = tpu.memref_slice %arg8[%dma_wait3A_68, %dma_wait3A_69] : memref<10000x128xf32, #tpu.memory_space<vmem_shared>> -> memref<520x128xf32, #tpu.memory_space<vmem_shared>>
        tpu.wait_dma2 semaphore(%run_scoped3A : memref<!tpu.dma_semaphore, #tpu.memory_space<semaphore_mem>>) src(%dma_wait3A_70 : memref<520x128xf32, #tpu.memory_space<vmem_shared>>) dst(%dma_wait3A_67 : memref<520x128xf32, #tpu.memory_space<hbm>>)
        tpu.yield
      }) : () -> ()
    } else {
    }
    return
  }
}

#map = affine_map<(d0, d1) -> (0, 0)>
#map1 = affine_map<(d0, d1) -> (0)>
module attributes {stable_mosaic.version = 14 : i64} {
  func.func @_prop_kernel(%arg0: i32, %arg1: i32, %arg2: memref<20000x128xf32, #tpu.memory_space<hbm>>, %arg3: memref<320000xi32, #tpu.memory_space<hbm>>, %arg4: memref<160000xi32, #tpu.memory_space<hbm>>, %arg5: memref<632x128xf32, #tpu.memory_space<hbm>>, %arg6: memref<20000x128xf32, #tpu.memory_space<hbm>>, %arg7: memref<10000xi32, #tpu.memory_space<vmem>>, %arg8: memref<10000xi32, #tpu.memory_space<vmem>>, %arg9: memref<40x128xf32, #tpu.memory_space<vmem>>, %arg10: memref<40x128xf32, #tpu.memory_space<vmem>>, %arg11: memref<40x128xf32, #tpu.memory_space<vmem>>, %arg12: memref<40x128xf32, #tpu.memory_space<vmem>>, %arg13: memref<40x128xf32, #tpu.memory_space<vmem>>, %arg14: memref<10000x128xf32, #tpu.memory_space<vmem_shared>>, %arg15: memref<!tpu.dma_semaphore, #tpu.memory_space<semaphore_mem>>, %arg16: memref<!tpu.dma_semaphore, #tpu.memory_space<semaphore_mem>>, %arg17: memref<!tpu.dma_semaphore, #tpu.memory_space<semaphore_mem>>, %arg18: memref<!tpu.dma_semaphore, #tpu.memory_space<semaphore_mem>>, %arg19: memref<!tpu.dma_semaphore, #tpu.memory_space<semaphore_mem>>, %arg20: memref<!tpu.dma_semaphore, #tpu.memory_space<semaphore_mem>>, %arg21: memref<!tpu.dma_semaphore, #tpu.memory_space<semaphore_mem>>, %arg22: memref<!tpu.dma_semaphore, #tpu.memory_space<semaphore_mem>>, %arg23: memref<!tpu.dma_semaphore, #tpu.memory_space<semaphore_mem>>, %arg24: memref<!tpu.dma_semaphore, #tpu.memory_space<semaphore_mem>>) attributes {dimension_semantics = [#tpu.dimension_semantics<core_parallel>, #tpu.dimension_semantics<subcore_parallel>], iteration_bounds = array<i64: 2, 16>, scalar_prefetch = 0 : i64, scratch_operands = 18 : i64, tpu.core_type = #tpu.core_type<sc_vector_subcore>, window_params = [{transform_indices = #map}, {transform_indices = #map1}, {transform_indices = #map1}, {transform_indices = #map}, {transform_indices = #map}]} {
    %mul3A = arith.constant 160000 : i32
    %mul3A_0 = arith.muli %arg0, %mul3A : i32
    %mul3A_1 = arith.constant 10000 : i32
    %mul3A_2 = arith.muli %arg1, %mul3A_1 : i32
    %add3A = arith.addi %mul3A_0, %mul3A_2 : i32
    %dma_start3A = tpu.memref_slice %arg3[%add3A] : memref<320000xi32, #tpu.memory_space<hbm>> -> memref<10000xi32, #tpu.memory_space<hbm>>
    %dma_start3A_3 = tpu.memref_slice %arg3[%add3A] : memref<320000xi32, #tpu.memory_space<hbm>> -> memref<10000xi32, #tpu.memory_space<hbm>>
    tpu.enqueue_dma source(%dma_start3A_3 : memref<10000xi32, #tpu.memory_space<hbm>>) target(%arg7 : memref<10000xi32, #tpu.memory_space<vmem>>) target_semaphore(%arg15 : memref<!tpu.dma_semaphore, #tpu.memory_space<semaphore_mem>>)
    %mul3A_4 = arith.constant 10000 : i32
    %mul3A_5 = arith.muli %arg1, %mul3A_4 : i32
    %dma_start3A_6 = tpu.memref_slice %arg4[%mul3A_5] : memref<160000xi32, #tpu.memory_space<hbm>> -> memref<10000xi32, #tpu.memory_space<hbm>>
    %dma_start3A_7 = tpu.memref_slice %arg4[%mul3A_5] : memref<160000xi32, #tpu.memory_space<hbm>> -> memref<10000xi32, #tpu.memory_space<hbm>>
    tpu.enqueue_dma source(%dma_start3A_7 : memref<10000xi32, #tpu.memory_space<hbm>>) target(%arg8 : memref<10000xi32, #tpu.memory_space<vmem>>) target_semaphore(%arg16 : memref<!tpu.dma_semaphore, #tpu.memory_space<semaphore_mem>>)
    %lt3A = arith.constant 15 : i32
    %lt3A_8 = arith.cmpi slt, %arg1, %lt3A : i32
    %convert_element_type3A = arith.extui %lt3A_8 : i1 to i32
    %cond3A = arith.constant 0 : i32
    %cond3A_9 = arith.cmpi ne, %convert_element_type3A, %cond3A : i32
    scf.if %cond3A_9 {
      %mul3A_63 = arith.constant 632 : i32
      %mul3A_64 = arith.muli %arg1, %mul3A_63 : i32
      "tpu.region"() ({
        %run_scoped3A = tpu.sem_alloc : memref<!tpu.dma_semaphore, #tpu.memory_space<semaphore_mem>>
        %dma_start3A_65 = arith.constant 0 : i32
        %dma_start3A_66 = tpu.memref_slice %arg14[%mul3A_64, %dma_start3A_65] : memref<10000x128xf32, #tpu.memory_space<vmem_shared>> -> memref<632x128xf32, #tpu.memory_space<vmem_shared>>
        %dma_start3A_67 = arith.constant 0 : i32
        %dma_start3A_68 = arith.constant 0 : i32
        %dma_start3A_69 = tpu.memref_slice %arg5[%dma_start3A_67, %dma_start3A_68] : memref<632x128xf32, #tpu.memory_space<hbm>> -> memref<632x128xf32, #tpu.memory_space<hbm>>
        tpu.enqueue_dma source(%dma_start3A_69 : memref<632x128xf32, #tpu.memory_space<hbm>>) target(%dma_start3A_66 : memref<632x128xf32, #tpu.memory_space<vmem_shared>>) target_semaphore(%run_scoped3A : memref<!tpu.dma_semaphore, #tpu.memory_space<semaphore_mem>>)
        %dma_wait3A_70 = arith.constant 0 : i32
        %dma_wait3A_71 = tpu.memref_slice %arg14[%mul3A_64, %dma_wait3A_70] : memref<10000x128xf32, #tpu.memory_space<vmem_shared>> -> memref<632x128xf32, #tpu.memory_space<vmem_shared>>
        %dma_wait3A_72 = arith.constant 0 : i32
        %dma_wait3A_73 = arith.constant 0 : i32
        %dma_wait3A_74 = tpu.memref_slice %arg5[%dma_wait3A_72, %dma_wait3A_73] : memref<632x128xf32, #tpu.memory_space<hbm>> -> memref<632x128xf32, #tpu.memory_space<hbm>>
        tpu.wait_dma2 semaphore(%run_scoped3A : memref<!tpu.dma_semaphore, #tpu.memory_space<semaphore_mem>>) src(%dma_wait3A_74 : memref<632x128xf32, #tpu.memory_space<hbm>>) dst(%dma_wait3A_71 : memref<632x128xf32, #tpu.memory_space<vmem_shared>>)
        tpu.yield
      }) : () -> ()
    } else {
    }
    %eq3A = arith.constant 15 : i32
    %eq3A_10 = arith.cmpi eq, %arg1, %eq3A : i32
    %convert_element_type3A_11 = arith.extui %eq3A_10 : i1 to i32
    %cond3A_12 = arith.constant 0 : i32
    %cond3A_13 = arith.cmpi ne, %convert_element_type3A_11, %cond3A_12 : i32
    scf.if %cond3A_13 {
      "tpu.region"() ({
        %run_scoped3A = tpu.sem_alloc : memref<!tpu.dma_semaphore, #tpu.memory_space<semaphore_mem>>
        %dma_start3A_63 = arith.constant 9480 : i32
        %dma_start3A_64 = arith.constant 0 : i32
        %dma_start3A_65 = tpu.memref_slice %arg14[%dma_start3A_63, %dma_start3A_64] : memref<10000x128xf32, #tpu.memory_space<vmem_shared>> -> memref<520x128xf32, #tpu.memory_space<vmem_shared>>
        %dma_start3A_66 = arith.constant 0 : i32
        %dma_start3A_67 = arith.constant 0 : i32
        %dma_start3A_68 = tpu.memref_slice %arg5[%dma_start3A_66, %dma_start3A_67] : memref<632x128xf32, #tpu.memory_space<hbm>> -> memref<520x128xf32, #tpu.memory_space<hbm>>
        tpu.enqueue_dma source(%dma_start3A_68 : memref<520x128xf32, #tpu.memory_space<hbm>>) target(%dma_start3A_65 : memref<520x128xf32, #tpu.memory_space<vmem_shared>>) target_semaphore(%run_scoped3A : memref<!tpu.dma_semaphore, #tpu.memory_space<semaphore_mem>>)
        %dma_wait3A_69 = arith.constant 9480 : i32
        %dma_wait3A_70 = arith.constant 0 : i32
        %dma_wait3A_71 = tpu.memref_slice %arg14[%dma_wait3A_69, %dma_wait3A_70] : memref<10000x128xf32, #tpu.memory_space<vmem_shared>> -> memref<520x128xf32, #tpu.memory_space<vmem_shared>>
        %dma_wait3A_72 = arith.constant 0 : i32
        %dma_wait3A_73 = arith.constant 0 : i32
        %dma_wait3A_74 = tpu.memref_slice %arg5[%dma_wait3A_72, %dma_wait3A_73] : memref<632x128xf32, #tpu.memory_space<hbm>> -> memref<520x128xf32, #tpu.memory_space<hbm>>
        tpu.wait_dma2 semaphore(%run_scoped3A : memref<!tpu.dma_semaphore, #tpu.memory_space<semaphore_mem>>) src(%dma_wait3A_74 : memref<520x128xf32, #tpu.memory_space<hbm>>) dst(%dma_wait3A_71 : memref<520x128xf32, #tpu.memory_space<vmem_shared>>)
        tpu.yield
      }) : () -> ()
    } else {
    }
    %dma_wait3A = tpu.memref_slice %arg3[%add3A] : memref<320000xi32, #tpu.memory_space<hbm>> -> memref<10000xi32, #tpu.memory_space<hbm>>
    %dma_wait3A_14 = tpu.memref_slice %arg3[%add3A] : memref<320000xi32, #tpu.memory_space<hbm>> -> memref<10000xi32, #tpu.memory_space<hbm>>
    tpu.wait_dma2 semaphore(%arg15 : memref<!tpu.dma_semaphore, #tpu.memory_space<semaphore_mem>>) src(%dma_wait3A_14 : memref<10000xi32, #tpu.memory_space<hbm>>) dst(%arg7 : memref<10000xi32, #tpu.memory_space<vmem>>)
    %dma_wait3A_15 = tpu.memref_slice %arg4[%mul3A_5] : memref<160000xi32, #tpu.memory_space<hbm>> -> memref<10000xi32, #tpu.memory_space<hbm>>
    %dma_wait3A_16 = tpu.memref_slice %arg4[%mul3A_5] : memref<160000xi32, #tpu.memory_space<hbm>> -> memref<10000xi32, #tpu.memory_space<hbm>>
    tpu.wait_dma2 semaphore(%arg16 : memref<!tpu.dma_semaphore, #tpu.memory_space<semaphore_mem>>) src(%dma_wait3A_16 : memref<10000xi32, #tpu.memory_space<hbm>>) dst(%arg8 : memref<10000xi32, #tpu.memory_space<vmem>>)
    %barrier3A = arith.constant 0 : index
    tpu.barrier barrier_id(%barrier3A)
    %scan3A = arith.constant 0 : i32
    %scan3A_17 = arith.constant 0 : i32
    %scan3A_18 = arith.constant 50 : i32
    %scan3A_19 = arith.addi %scan3A_17, %scan3A_18 : i32
    %scan3A_20 = arith.constant 1 : i32
    scf.for %scan3A_63 = %scan3A_17 to %scan3A_19 step %scan3A_20  : i32 {
      %mul3A_64 = arith.constant 5 : i32
      %mul3A_65 = arith.muli %scan3A_63, %mul3A_64 : i32
      %gt3A = arith.constant 0 : i32
      %gt3A_66 = arith.cmpi sgt, %scan3A_63, %gt3A : i32
      %convert_element_type3A_67 = arith.extui %gt3A_66 : i1 to i32
      %cond3A_68 = arith.constant 0 : i32
      %cond3A_69 = arith.cmpi ne, %convert_element_type3A_67, %cond3A_68 : i32
      scf.if %cond3A_69 {
        %dma_wait3A_190 = arith.constant 0 : i32
        %dma_wait3A_191 = arith.constant 0 : i32
        %dma_wait3A_192 = tpu.memref_slice %arg5[%dma_wait3A_190, %dma_wait3A_191] : memref<632x128xf32, #tpu.memory_space<hbm>> -> memref<40x128xf32, #tpu.memory_space<hbm>>
        %dma_wait3A_193 = arith.constant 0 : i32
        %dma_wait3A_194 = arith.constant 0 : i32
        %dma_wait3A_195 = tpu.memref_slice %arg5[%dma_wait3A_193, %dma_wait3A_194] : memref<632x128xf32, #tpu.memory_space<hbm>> -> memref<40x128xf32, #tpu.memory_space<hbm>>
        tpu.wait_dma2 semaphore(%arg20 : memref<!tpu.dma_semaphore, #tpu.memory_space<semaphore_mem>>) src(%dma_wait3A_195 : memref<40x128xf32, #tpu.memory_space<hbm>>) dst(%arg9 : memref<40x128xf32, #tpu.memory_space<vmem>>)
      } else {
      }
      %add3A_70 = arith.constant 0 : i32
      %add3A_71 = arith.addi %mul3A_65, %add3A_70 : i32
      %mul3A_72 = arith.constant 40 : i32
      %mul3A_73 = arith.muli %add3A_71, %mul3A_72 : i32
      %dma_start3A_74 = tpu.memref_slice %arg7[%mul3A_73] : memref<10000xi32, #tpu.memory_space<vmem>> -> memref<40xi32, #tpu.memory_space<vmem>>
      %dma_start3A_75 = arith.constant 0 : i32
      %dma_start3A_76 = arith.constant 0 : i32
      %dma_start3A_77 = tpu.memref_slice %arg2[%dma_start3A_75, %dma_start3A_76] : memref<20000x128xf32, #tpu.memory_space<hbm>> -> memref<20000x128xf32, #tpu.memory_space<hbm>>
      tpu.enqueue_indirect_dma source(%dma_start3A_77 : memref<20000x128xf32, #tpu.memory_space<hbm>>) target(%arg9 : memref<40x128xf32, #tpu.memory_space<vmem>>) offsets(%dma_start3A_74 : memref<40xi32, #tpu.memory_space<vmem>>) semaphore(%arg15 : memref<!tpu.dma_semaphore, #tpu.memory_space<semaphore_mem>>)
      %gt3A_78 = arith.constant 0 : i32
      %gt3A_79 = arith.cmpi sgt, %scan3A_63, %gt3A_78 : i32
      %convert_element_type3A_80 = arith.extui %gt3A_79 : i1 to i32
      %cond3A_81 = arith.constant 0 : i32
      %cond3A_82 = arith.cmpi ne, %convert_element_type3A_80, %cond3A_81 : i32
      scf.if %cond3A_82 {
        %dma_wait3A_190 = arith.constant 0 : i32
        %dma_wait3A_191 = arith.constant 0 : i32
        %dma_wait3A_192 = tpu.memref_slice %arg5[%dma_wait3A_190, %dma_wait3A_191] : memref<632x128xf32, #tpu.memory_space<hbm>> -> memref<40x128xf32, #tpu.memory_space<hbm>>
        %dma_wait3A_193 = arith.constant 0 : i32
        %dma_wait3A_194 = arith.constant 0 : i32
        %dma_wait3A_195 = tpu.memref_slice %arg5[%dma_wait3A_193, %dma_wait3A_194] : memref<632x128xf32, #tpu.memory_space<hbm>> -> memref<40x128xf32, #tpu.memory_space<hbm>>
        tpu.wait_dma2 semaphore(%arg21 : memref<!tpu.dma_semaphore, #tpu.memory_space<semaphore_mem>>) src(%dma_wait3A_195 : memref<40x128xf32, #tpu.memory_space<hbm>>) dst(%arg10 : memref<40x128xf32, #tpu.memory_space<vmem>>)
      } else {
      }
      %add3A_83 = arith.constant 1 : i32
      %add3A_84 = arith.addi %mul3A_65, %add3A_83 : i32
      %mul3A_85 = arith.constant 40 : i32
      %mul3A_86 = arith.muli %add3A_84, %mul3A_85 : i32
      %dma_start3A_87 = tpu.memref_slice %arg7[%mul3A_86] : memref<10000xi32, #tpu.memory_space<vmem>> -> memref<40xi32, #tpu.memory_space<vmem>>
      %dma_start3A_88 = arith.constant 0 : i32
      %dma_start3A_89 = arith.constant 0 : i32
      %dma_start3A_90 = tpu.memref_slice %arg2[%dma_start3A_88, %dma_start3A_89] : memref<20000x128xf32, #tpu.memory_space<hbm>> -> memref<20000x128xf32, #tpu.memory_space<hbm>>
      tpu.enqueue_indirect_dma source(%dma_start3A_90 : memref<20000x128xf32, #tpu.memory_space<hbm>>) target(%arg10 : memref<40x128xf32, #tpu.memory_space<vmem>>) offsets(%dma_start3A_87 : memref<40xi32, #tpu.memory_space<vmem>>) semaphore(%arg16 : memref<!tpu.dma_semaphore, #tpu.memory_space<semaphore_mem>>)
      %gt3A_91 = arith.constant 0 : i32
      %gt3A_92 = arith.cmpi sgt, %scan3A_63, %gt3A_91 : i32
      %convert_element_type3A_93 = arith.extui %gt3A_92 : i1 to i32
      %cond3A_94 = arith.constant 0 : i32
      %cond3A_95 = arith.cmpi ne, %convert_element_type3A_93, %cond3A_94 : i32
      scf.if %cond3A_95 {
        %dma_wait3A_190 = arith.constant 0 : i32
        %dma_wait3A_191 = arith.constant 0 : i32
        %dma_wait3A_192 = tpu.memref_slice %arg5[%dma_wait3A_190, %dma_wait3A_191] : memref<632x128xf32, #tpu.memory_space<hbm>> -> memref<40x128xf32, #tpu.memory_space<hbm>>
        %dma_wait3A_193 = arith.constant 0 : i32
        %dma_wait3A_194 = arith.constant 0 : i32
        %dma_wait3A_195 = tpu.memref_slice %arg5[%dma_wait3A_193, %dma_wait3A_194] : memref<632x128xf32, #tpu.memory_space<hbm>> -> memref<40x128xf32, #tpu.memory_space<hbm>>
        tpu.wait_dma2 semaphore(%arg22 : memref<!tpu.dma_semaphore, #tpu.memory_space<semaphore_mem>>) src(%dma_wait3A_195 : memref<40x128xf32, #tpu.memory_space<hbm>>) dst(%arg11 : memref<40x128xf32, #tpu.memory_space<vmem>>)
      } else {
      }
      %add3A_96 = arith.constant 2 : i32
      %add3A_97 = arith.addi %mul3A_65, %add3A_96 : i32
      %mul3A_98 = arith.constant 40 : i32
      %mul3A_99 = arith.muli %add3A_97, %mul3A_98 : i32
      %dma_start3A_100 = tpu.memref_slice %arg7[%mul3A_99] : memref<10000xi32, #tpu.memory_space<vmem>> -> memref<40xi32, #tpu.memory_space<vmem>>
      %dma_start3A_101 = arith.constant 0 : i32
      %dma_start3A_102 = arith.constant 0 : i32
      %dma_start3A_103 = tpu.memref_slice %arg2[%dma_start3A_101, %dma_start3A_102] : memref<20000x128xf32, #tpu.memory_space<hbm>> -> memref<20000x128xf32, #tpu.memory_space<hbm>>
      tpu.enqueue_indirect_dma source(%dma_start3A_103 : memref<20000x128xf32, #tpu.memory_space<hbm>>) target(%arg11 : memref<40x128xf32, #tpu.memory_space<vmem>>) offsets(%dma_start3A_100 : memref<40xi32, #tpu.memory_space<vmem>>) semaphore(%arg17 : memref<!tpu.dma_semaphore, #tpu.memory_space<semaphore_mem>>)
      %gt3A_104 = arith.constant 0 : i32
      %gt3A_105 = arith.cmpi sgt, %scan3A_63, %gt3A_104 : i32
      %convert_element_type3A_106 = arith.extui %gt3A_105 : i1 to i32
      %cond3A_107 = arith.constant 0 : i32
      %cond3A_108 = arith.cmpi ne, %convert_element_type3A_106, %cond3A_107 : i32
      scf.if %cond3A_108 {
        %dma_wait3A_190 = arith.constant 0 : i32
        %dma_wait3A_191 = arith.constant 0 : i32
        %dma_wait3A_192 = tpu.memref_slice %arg5[%dma_wait3A_190, %dma_wait3A_191] : memref<632x128xf32, #tpu.memory_space<hbm>> -> memref<40x128xf32, #tpu.memory_space<hbm>>
        %dma_wait3A_193 = arith.constant 0 : i32
        %dma_wait3A_194 = arith.constant 0 : i32
        %dma_wait3A_195 = tpu.memref_slice %arg5[%dma_wait3A_193, %dma_wait3A_194] : memref<632x128xf32, #tpu.memory_space<hbm>> -> memref<40x128xf32, #tpu.memory_space<hbm>>
        tpu.wait_dma2 semaphore(%arg23 : memref<!tpu.dma_semaphore, #tpu.memory_space<semaphore_mem>>) src(%dma_wait3A_195 : memref<40x128xf32, #tpu.memory_space<hbm>>) dst(%arg12 : memref<40x128xf32, #tpu.memory_space<vmem>>)
      } else {
      }
      %add3A_109 = arith.constant 3 : i32
      %add3A_110 = arith.addi %mul3A_65, %add3A_109 : i32
      %mul3A_111 = arith.constant 40 : i32
      %mul3A_112 = arith.muli %add3A_110, %mul3A_111 : i32
      %dma_start3A_113 = tpu.memref_slice %arg7[%mul3A_112] : memref<10000xi32, #tpu.memory_space<vmem>> -> memref<40xi32, #tpu.memory_space<vmem>>
      %dma_start3A_114 = arith.constant 0 : i32
      %dma_start3A_115 = arith.constant 0 : i32
      %dma_start3A_116 = tpu.memref_slice %arg2[%dma_start3A_114, %dma_start3A_115] : memref<20000x128xf32, #tpu.memory_space<hbm>> -> memref<20000x128xf32, #tpu.memory_space<hbm>>
      tpu.enqueue_indirect_dma source(%dma_start3A_116 : memref<20000x128xf32, #tpu.memory_space<hbm>>) target(%arg12 : memref<40x128xf32, #tpu.memory_space<vmem>>) offsets(%dma_start3A_113 : memref<40xi32, #tpu.memory_space<vmem>>) semaphore(%arg18 : memref<!tpu.dma_semaphore, #tpu.memory_space<semaphore_mem>>)
      %gt3A_117 = arith.constant 0 : i32
      %gt3A_118 = arith.cmpi sgt, %scan3A_63, %gt3A_117 : i32
      %convert_element_type3A_119 = arith.extui %gt3A_118 : i1 to i32
      %cond3A_120 = arith.constant 0 : i32
      %cond3A_121 = arith.cmpi ne, %convert_element_type3A_119, %cond3A_120 : i32
      scf.if %cond3A_121 {
        %dma_wait3A_190 = arith.constant 0 : i32
        %dma_wait3A_191 = arith.constant 0 : i32
        %dma_wait3A_192 = tpu.memref_slice %arg5[%dma_wait3A_190, %dma_wait3A_191] : memref<632x128xf32, #tpu.memory_space<hbm>> -> memref<40x128xf32, #tpu.memory_space<hbm>>
        %dma_wait3A_193 = arith.constant 0 : i32
        %dma_wait3A_194 = arith.constant 0 : i32
        %dma_wait3A_195 = tpu.memref_slice %arg5[%dma_wait3A_193, %dma_wait3A_194] : memref<632x128xf32, #tpu.memory_space<hbm>> -> memref<40x128xf32, #tpu.memory_space<hbm>>
        tpu.wait_dma2 semaphore(%arg24 : memref<!tpu.dma_semaphore, #tpu.memory_space<semaphore_mem>>) src(%dma_wait3A_195 : memref<40x128xf32, #tpu.memory_space<hbm>>) dst(%arg13 : memref<40x128xf32, #tpu.memory_space<vmem>>)
      } else {
      }
      %add3A_122 = arith.constant 4 : i32
      %add3A_123 = arith.addi %mul3A_65, %add3A_122 : i32
      %mul3A_124 = arith.constant 40 : i32
      %mul3A_125 = arith.muli %add3A_123, %mul3A_124 : i32
      %dma_start3A_126 = tpu.memref_slice %arg7[%mul3A_125] : memref<10000xi32, #tpu.memory_space<vmem>> -> memref<40xi32, #tpu.memory_space<vmem>>
      %dma_start3A_127 = arith.constant 0 : i32
      %dma_start3A_128 = arith.constant 0 : i32
      %dma_start3A_129 = tpu.memref_slice %arg2[%dma_start3A_127, %dma_start3A_128] : memref<20000x128xf32, #tpu.memory_space<hbm>> -> memref<20000x128xf32, #tpu.memory_space<hbm>>
      tpu.enqueue_indirect_dma source(%dma_start3A_129 : memref<20000x128xf32, #tpu.memory_space<hbm>>) target(%arg13 : memref<40x128xf32, #tpu.memory_space<vmem>>) offsets(%dma_start3A_126 : memref<40xi32, #tpu.memory_space<vmem>>) semaphore(%arg19 : memref<!tpu.dma_semaphore, #tpu.memory_space<semaphore_mem>>)
      %dma_wait3A_130 = tpu.memref_slice %arg7[%mul3A_73] : memref<10000xi32, #tpu.memory_space<vmem>> -> memref<40xi32, #tpu.memory_space<vmem>>
      %dma_wait3A_131 = arith.constant 0 : i32
      %dma_wait3A_132 = arith.constant 0 : i32
      %dma_wait3A_133 = tpu.memref_slice %arg2[%dma_wait3A_131, %dma_wait3A_132] : memref<20000x128xf32, #tpu.memory_space<hbm>> -> memref<20000x128xf32, #tpu.memory_space<hbm>>
      tpu.wait_indirect_dma semaphore(%arg15 : memref<!tpu.dma_semaphore, #tpu.memory_space<semaphore_mem>>) src(%dma_wait3A_133 : memref<20000x128xf32, #tpu.memory_space<hbm>>) dst(%arg9 : memref<40x128xf32, #tpu.memory_space<vmem>>)
      %add3A_134 = arith.constant 0 : i32
      %add3A_135 = arith.addi %mul3A_65, %add3A_134 : i32
      %mul3A_136 = arith.constant 40 : i32
      %mul3A_137 = arith.muli %add3A_135, %mul3A_136 : i32
      %dma_start3A_138 = tpu.memref_slice %arg8[%mul3A_137] : memref<10000xi32, #tpu.memory_space<vmem>> -> memref<40xi32, #tpu.memory_space<vmem>>
      %dma_start3A_139 = arith.constant 0 : i32
      %dma_start3A_140 = arith.constant 0 : i32
      %dma_start3A_141 = tpu.memref_slice %arg14[%dma_start3A_139, %dma_start3A_140] : memref<10000x128xf32, #tpu.memory_space<vmem_shared>> -> memref<10000x128xf32, #tpu.memory_space<vmem_shared>>
      tpu.enqueue_indirect_dma source(%arg9 : memref<40x128xf32, #tpu.memory_space<vmem>>) target(%dma_start3A_141 : memref<10000x128xf32, #tpu.memory_space<vmem_shared>>) offsets(%dma_start3A_138 : memref<40xi32, #tpu.memory_space<vmem>>) semaphore(%arg20 : memref<!tpu.dma_semaphore, #tpu.memory_space<semaphore_mem>>) {add = true}
      %dma_wait3A_142 = tpu.memref_slice %arg7[%mul3A_86] : memref<10000xi32, #tpu.memory_space<vmem>> -> memref<40xi32, #tpu.memory_space<vmem>>
      %dma_wait3A_143 = arith.constant 0 : i32
      %dma_wait3A_144 = arith.constant 0 : i32
      %dma_wait3A_145 = tpu.memref_slice %arg2[%dma_wait3A_143, %dma_wait3A_144] : memref<20000x128xf32, #tpu.memory_space<hbm>> -> memref<20000x128xf32, #tpu.memory_space<hbm>>
      tpu.wait_indirect_dma semaphore(%arg16 : memref<!tpu.dma_semaphore, #tpu.memory_space<semaphore_mem>>) src(%dma_wait3A_145 : memref<20000x128xf32, #tpu.memory_space<hbm>>) dst(%arg10 : memref<40x128xf32, #tpu.memory_space<vmem>>)
      %add3A_146 = arith.constant 1 : i32
      %add3A_147 = arith.addi %mul3A_65, %add3A_146 : i32
      %mul3A_148 = arith.constant 40 : i32
      %mul3A_149 = arith.muli %add3A_147, %mul3A_148 : i32
      %dma_start3A_150 = tpu.memref_slice %arg8[%mul3A_149] : memref<10000xi32, #tpu.memory_space<vmem>> -> memref<40xi32, #tpu.memory_space<vmem>>
      %dma_start3A_151 = arith.constant 0 : i32
      %dma_start3A_152 = arith.constant 0 : i32
      %dma_start3A_153 = tpu.memref_slice %arg14[%dma_start3A_151, %dma_start3A_152] : memref<10000x128xf32, #tpu.memory_space<vmem_shared>> -> memref<10000x128xf32, #tpu.memory_space<vmem_shared>>
      tpu.enqueue_indirect_dma source(%arg10 : memref<40x128xf32, #tpu.memory_space<vmem>>) target(%dma_start3A_153 : memref<10000x128xf32, #tpu.memory_space<vmem_shared>>) offsets(%dma_start3A_150 : memref<40xi32, #tpu.memory_space<vmem>>) semaphore(%arg21 : memref<!tpu.dma_semaphore, #tpu.memory_space<semaphore_mem>>) {add = true}
      %dma_wait3A_154 = tpu.memref_slice %arg7[%mul3A_99] : memref<10000xi32, #tpu.memory_space<vmem>> -> memref<40xi32, #tpu.memory_space<vmem>>
      %dma_wait3A_155 = arith.constant 0 : i32
      %dma_wait3A_156 = arith.constant 0 : i32
      %dma_wait3A_157 = tpu.memref_slice %arg2[%dma_wait3A_155, %dma_wait3A_156] : memref<20000x128xf32, #tpu.memory_space<hbm>> -> memref<20000x128xf32, #tpu.memory_space<hbm>>
      tpu.wait_indirect_dma semaphore(%arg17 : memref<!tpu.dma_semaphore, #tpu.memory_space<semaphore_mem>>) src(%dma_wait3A_157 : memref<20000x128xf32, #tpu.memory_space<hbm>>) dst(%arg11 : memref<40x128xf32, #tpu.memory_space<vmem>>)
      %add3A_158 = arith.constant 2 : i32
      %add3A_159 = arith.addi %mul3A_65, %add3A_158 : i32
      %mul3A_160 = arith.constant 40 : i32
      %mul3A_161 = arith.muli %add3A_159, %mul3A_160 : i32
      %dma_start3A_162 = tpu.memref_slice %arg8[%mul3A_161] : memref<10000xi32, #tpu.memory_space<vmem>> -> memref<40xi32, #tpu.memory_space<vmem>>
      %dma_start3A_163 = arith.constant 0 : i32
      %dma_start3A_164 = arith.constant 0 : i32
      %dma_start3A_165 = tpu.memref_slice %arg14[%dma_start3A_163, %dma_start3A_164] : memref<10000x128xf32, #tpu.memory_space<vmem_shared>> -> memref<10000x128xf32, #tpu.memory_space<vmem_shared>>
      tpu.enqueue_indirect_dma source(%arg11 : memref<40x128xf32, #tpu.memory_space<vmem>>) target(%dma_start3A_165 : memref<10000x128xf32, #tpu.memory_space<vmem_shared>>) offsets(%dma_start3A_162 : memref<40xi32, #tpu.memory_space<vmem>>) semaphore(%arg22 : memref<!tpu.dma_semaphore, #tpu.memory_space<semaphore_mem>>) {add = true}
      %dma_wait3A_166 = tpu.memref_slice %arg7[%mul3A_112] : memref<10000xi32, #tpu.memory_space<vmem>> -> memref<40xi32, #tpu.memory_space<vmem>>
      %dma_wait3A_167 = arith.constant 0 : i32
      %dma_wait3A_168 = arith.constant 0 : i32
      %dma_wait3A_169 = tpu.memref_slice %arg2[%dma_wait3A_167, %dma_wait3A_168] : memref<20000x128xf32, #tpu.memory_space<hbm>> -> memref<20000x128xf32, #tpu.memory_space<hbm>>
      tpu.wait_indirect_dma semaphore(%arg18 : memref<!tpu.dma_semaphore, #tpu.memory_space<semaphore_mem>>) src(%dma_wait3A_169 : memref<20000x128xf32, #tpu.memory_space<hbm>>) dst(%arg12 : memref<40x128xf32, #tpu.memory_space<vmem>>)
      %add3A_170 = arith.constant 3 : i32
      %add3A_171 = arith.addi %mul3A_65, %add3A_170 : i32
      %mul3A_172 = arith.constant 40 : i32
      %mul3A_173 = arith.muli %add3A_171, %mul3A_172 : i32
      %dma_start3A_174 = tpu.memref_slice %arg8[%mul3A_173] : memref<10000xi32, #tpu.memory_space<vmem>> -> memref<40xi32, #tpu.memory_space<vmem>>
      %dma_start3A_175 = arith.constant 0 : i32
      %dma_start3A_176 = arith.constant 0 : i32
      %dma_start3A_177 = tpu.memref_slice %arg14[%dma_start3A_175, %dma_start3A_176] : memref<10000x128xf32, #tpu.memory_space<vmem_shared>> -> memref<10000x128xf32, #tpu.memory_space<vmem_shared>>
      tpu.enqueue_indirect_dma source(%arg12 : memref<40x128xf32, #tpu.memory_space<vmem>>) target(%dma_start3A_177 : memref<10000x128xf32, #tpu.memory_space<vmem_shared>>) offsets(%dma_start3A_174 : memref<40xi32, #tpu.memory_space<vmem>>) semaphore(%arg23 : memref<!tpu.dma_semaphore, #tpu.memory_space<semaphore_mem>>) {add = true}
      %dma_wait3A_178 = tpu.memref_slice %arg7[%mul3A_125] : memref<10000xi32, #tpu.memory_space<vmem>> -> memref<40xi32, #tpu.memory_space<vmem>>
      %dma_wait3A_179 = arith.constant 0 : i32
      %dma_wait3A_180 = arith.constant 0 : i32
      %dma_wait3A_181 = tpu.memref_slice %arg2[%dma_wait3A_179, %dma_wait3A_180] : memref<20000x128xf32, #tpu.memory_space<hbm>> -> memref<20000x128xf32, #tpu.memory_space<hbm>>
      tpu.wait_indirect_dma semaphore(%arg19 : memref<!tpu.dma_semaphore, #tpu.memory_space<semaphore_mem>>) src(%dma_wait3A_181 : memref<20000x128xf32, #tpu.memory_space<hbm>>) dst(%arg13 : memref<40x128xf32, #tpu.memory_space<vmem>>)
      %add3A_182 = arith.constant 4 : i32
      %add3A_183 = arith.addi %mul3A_65, %add3A_182 : i32
      %mul3A_184 = arith.constant 40 : i32
      %mul3A_185 = arith.muli %add3A_183, %mul3A_184 : i32
      %dma_start3A_186 = tpu.memref_slice %arg8[%mul3A_185] : memref<10000xi32, #tpu.memory_space<vmem>> -> memref<40xi32, #tpu.memory_space<vmem>>
      %dma_start3A_187 = arith.constant 0 : i32
      %dma_start3A_188 = arith.constant 0 : i32
      %dma_start3A_189 = tpu.memref_slice %arg14[%dma_start3A_187, %dma_start3A_188] : memref<10000x128xf32, #tpu.memory_space<vmem_shared>> -> memref<10000x128xf32, #tpu.memory_space<vmem_shared>>
      tpu.enqueue_indirect_dma source(%arg13 : memref<40x128xf32, #tpu.memory_space<vmem>>) target(%dma_start3A_189 : memref<10000x128xf32, #tpu.memory_space<vmem_shared>>) offsets(%dma_start3A_186 : memref<40xi32, #tpu.memory_space<vmem>>) semaphore(%arg24 : memref<!tpu.dma_semaphore, #tpu.memory_space<semaphore_mem>>) {add = true}
    }
    %scan3A_21 = arith.constant 50 : i32
    %dma_wait3A_22 = arith.constant 0 : i32
    %dma_wait3A_23 = arith.constant 0 : i32
    %dma_wait3A_24 = tpu.memref_slice %arg5[%dma_wait3A_22, %dma_wait3A_23] : memref<632x128xf32, #tpu.memory_space<hbm>> -> memref<40x128xf32, #tpu.memory_space<hbm>>
    %dma_wait3A_25 = arith.constant 0 : i32
    %dma_wait3A_26 = arith.constant 0 : i32
    %dma_wait3A_27 = tpu.memref_slice %arg5[%dma_wait3A_25, %dma_wait3A_26] : memref<632x128xf32, #tpu.memory_space<hbm>> -> memref<40x128xf32, #tpu.memory_space<hbm>>
    tpu.wait_dma2 semaphore(%arg20 : memref<!tpu.dma_semaphore, #tpu.memory_space<semaphore_mem>>) src(%dma_wait3A_27 : memref<40x128xf32, #tpu.memory_space<hbm>>) dst(%arg9 : memref<40x128xf32, #tpu.memory_space<vmem>>)
    %dma_wait3A_28 = arith.constant 0 : i32
    %dma_wait3A_29 = arith.constant 0 : i32
    %dma_wait3A_30 = tpu.memref_slice %arg5[%dma_wait3A_28, %dma_wait3A_29] : memref<632x128xf32, #tpu.memory_space<hbm>> -> memref<40x128xf32, #tpu.memory_space<hbm>>
    %dma_wait3A_31 = arith.constant 0 : i32
    %dma_wait3A_32 = arith.constant 0 : i32
    %dma_wait3A_33 = tpu.memref_slice %arg5[%dma_wait3A_31, %dma_wait3A_32] : memref<632x128xf32, #tpu.memory_space<hbm>> -> memref<40x128xf32, #tpu.memory_space<hbm>>
    tpu.wait_dma2 semaphore(%arg21 : memref<!tpu.dma_semaphore, #tpu.memory_space<semaphore_mem>>) src(%dma_wait3A_33 : memref<40x128xf32, #tpu.memory_space<hbm>>) dst(%arg10 : memref<40x128xf32, #tpu.memory_space<vmem>>)
    %dma_wait3A_34 = arith.constant 0 : i32
    %dma_wait3A_35 = arith.constant 0 : i32
    %dma_wait3A_36 = tpu.memref_slice %arg5[%dma_wait3A_34, %dma_wait3A_35] : memref<632x128xf32, #tpu.memory_space<hbm>> -> memref<40x128xf32, #tpu.memory_space<hbm>>
    %dma_wait3A_37 = arith.constant 0 : i32
    %dma_wait3A_38 = arith.constant 0 : i32
    %dma_wait3A_39 = tpu.memref_slice %arg5[%dma_wait3A_37, %dma_wait3A_38] : memref<632x128xf32, #tpu.memory_space<hbm>> -> memref<40x128xf32, #tpu.memory_space<hbm>>
    tpu.wait_dma2 semaphore(%arg22 : memref<!tpu.dma_semaphore, #tpu.memory_space<semaphore_mem>>) src(%dma_wait3A_39 : memref<40x128xf32, #tpu.memory_space<hbm>>) dst(%arg11 : memref<40x128xf32, #tpu.memory_space<vmem>>)
    %dma_wait3A_40 = arith.constant 0 : i32
    %dma_wait3A_41 = arith.constant 0 : i32
    %dma_wait3A_42 = tpu.memref_slice %arg5[%dma_wait3A_40, %dma_wait3A_41] : memref<632x128xf32, #tpu.memory_space<hbm>> -> memref<40x128xf32, #tpu.memory_space<hbm>>
    %dma_wait3A_43 = arith.constant 0 : i32
    %dma_wait3A_44 = arith.constant 0 : i32
    %dma_wait3A_45 = tpu.memref_slice %arg5[%dma_wait3A_43, %dma_wait3A_44] : memref<632x128xf32, #tpu.memory_space<hbm>> -> memref<40x128xf32, #tpu.memory_space<hbm>>
    tpu.wait_dma2 semaphore(%arg23 : memref<!tpu.dma_semaphore, #tpu.memory_space<semaphore_mem>>) src(%dma_wait3A_45 : memref<40x128xf32, #tpu.memory_space<hbm>>) dst(%arg12 : memref<40x128xf32, #tpu.memory_space<vmem>>)
    %dma_wait3A_46 = arith.constant 0 : i32
    %dma_wait3A_47 = arith.constant 0 : i32
    %dma_wait3A_48 = tpu.memref_slice %arg5[%dma_wait3A_46, %dma_wait3A_47] : memref<632x128xf32, #tpu.memory_space<hbm>> -> memref<40x128xf32, #tpu.memory_space<hbm>>
    %dma_wait3A_49 = arith.constant 0 : i32
    %dma_wait3A_50 = arith.constant 0 : i32
    %dma_wait3A_51 = tpu.memref_slice %arg5[%dma_wait3A_49, %dma_wait3A_50] : memref<632x128xf32, #tpu.memory_space<hbm>> -> memref<40x128xf32, #tpu.memory_space<hbm>>
    tpu.wait_dma2 semaphore(%arg24 : memref<!tpu.dma_semaphore, #tpu.memory_space<semaphore_mem>>) src(%dma_wait3A_51 : memref<40x128xf32, #tpu.memory_space<hbm>>) dst(%arg13 : memref<40x128xf32, #tpu.memory_space<vmem>>)
    %barrier3A_52 = arith.constant 0 : index
    tpu.barrier barrier_id(%barrier3A_52)
    %lt3A_53 = arith.constant 15 : i32
    %lt3A_54 = arith.cmpi slt, %arg1, %lt3A_53 : i32
    %convert_element_type3A_55 = arith.extui %lt3A_54 : i1 to i32
    %cond3A_56 = arith.constant 0 : i32
    %cond3A_57 = arith.cmpi ne, %convert_element_type3A_55, %cond3A_56 : i32
    scf.if %cond3A_57 {
      %mul3A_63 = arith.constant 632 : i32
      %mul3A_64 = arith.muli %arg1, %mul3A_63 : i32
      %mul3A_65 = arith.constant 10000 : i32
      %mul3A_66 = arith.muli %arg0, %mul3A_65 : i32
      %mul3A_67 = arith.constant 632 : i32
      %mul3A_68 = arith.muli %arg1, %mul3A_67 : i32
      %add3A_69 = arith.addi %mul3A_66, %mul3A_68 : i32
      "tpu.region"() ({
        %run_scoped3A = tpu.sem_alloc : memref<!tpu.dma_semaphore, #tpu.memory_space<semaphore_mem>>
        %dma_start3A_70 = arith.constant 0 : i32
        %dma_start3A_71 = tpu.memref_slice %arg6[%add3A_69, %dma_start3A_70] : memref<20000x128xf32, #tpu.memory_space<hbm>> -> memref<632x128xf32, #tpu.memory_space<hbm>>
        %dma_start3A_72 = arith.constant 0 : i32
        %dma_start3A_73 = tpu.memref_slice %arg14[%mul3A_64, %dma_start3A_72] : memref<10000x128xf32, #tpu.memory_space<vmem_shared>> -> memref<632x128xf32, #tpu.memory_space<vmem_shared>>
        tpu.enqueue_dma source(%dma_start3A_73 : memref<632x128xf32, #tpu.memory_space<vmem_shared>>) target(%dma_start3A_71 : memref<632x128xf32, #tpu.memory_space<hbm>>) target_semaphore(%run_scoped3A : memref<!tpu.dma_semaphore, #tpu.memory_space<semaphore_mem>>)
        %dma_wait3A_74 = arith.constant 0 : i32
        %dma_wait3A_75 = tpu.memref_slice %arg6[%add3A_69, %dma_wait3A_74] : memref<20000x128xf32, #tpu.memory_space<hbm>> -> memref<632x128xf32, #tpu.memory_space<hbm>>
        %dma_wait3A_76 = arith.constant 0 : i32
        %dma_wait3A_77 = tpu.memref_slice %arg14[%mul3A_64, %dma_wait3A_76] : memref<10000x128xf32, #tpu.memory_space<vmem_shared>> -> memref<632x128xf32, #tpu.memory_space<vmem_shared>>
        tpu.wait_dma2 semaphore(%run_scoped3A : memref<!tpu.dma_semaphore, #tpu.memory_space<semaphore_mem>>) src(%dma_wait3A_77 : memref<632x128xf32, #tpu.memory_space<vmem_shared>>) dst(%dma_wait3A_75 : memref<632x128xf32, #tpu.memory_space<hbm>>)
        tpu.yield
      }) : () -> ()
    } else {
    }
    %eq3A_58 = arith.constant 15 : i32
    %eq3A_59 = arith.cmpi eq, %arg1, %eq3A_58 : i32
    %convert_element_type3A_60 = arith.extui %eq3A_59 : i1 to i32
    %cond3A_61 = arith.constant 0 : i32
    %cond3A_62 = arith.cmpi ne, %convert_element_type3A_60, %cond3A_61 : i32
    scf.if %cond3A_62 {
      %mul3A_63 = arith.constant 10000 : i32
      %mul3A_64 = arith.muli %arg0, %mul3A_63 : i32
      %add3A_65 = arith.constant 9480 : i32
      %add3A_66 = arith.addi %mul3A_64, %add3A_65 : i32
      "tpu.region"() ({
        %run_scoped3A = tpu.sem_alloc : memref<!tpu.dma_semaphore, #tpu.memory_space<semaphore_mem>>
        %dma_start3A_67 = arith.constant 0 : i32
        %dma_start3A_68 = tpu.memref_slice %arg6[%add3A_66, %dma_start3A_67] : memref<20000x128xf32, #tpu.memory_space<hbm>> -> memref<520x128xf32, #tpu.memory_space<hbm>>
        %dma_start3A_69 = arith.constant 9480 : i32
        %dma_start3A_70 = arith.constant 0 : i32
        %dma_start3A_71 = tpu.memref_slice %arg14[%dma_start3A_69, %dma_start3A_70] : memref<10000x128xf32, #tpu.memory_space<vmem_shared>> -> memref<520x128xf32, #tpu.memory_space<vmem_shared>>
        tpu.enqueue_dma source(%dma_start3A_71 : memref<520x128xf32, #tpu.memory_space<vmem_shared>>) target(%dma_start3A_68 : memref<520x128xf32, #tpu.memory_space<hbm>>) target_semaphore(%run_scoped3A : memref<!tpu.dma_semaphore, #tpu.memory_space<semaphore_mem>>)
        %dma_wait3A_72 = arith.constant 0 : i32
        %dma_wait3A_73 = tpu.memref_slice %arg6[%add3A_66, %dma_wait3A_72] : memref<20000x128xf32, #tpu.memory_space<hbm>> -> memref<520x128xf32, #tpu.memory_space<hbm>>
        %dma_wait3A_74 = arith.constant 9480 : i32
        %dma_wait3A_75 = arith.constant 0 : i32
        %dma_wait3A_76 = tpu.memref_slice %arg14[%dma_wait3A_74, %dma_wait3A_75] : memref<10000x128xf32, #tpu.memory_space<vmem_shared>> -> memref<520x128xf32, #tpu.memory_space<vmem_shared>>
        tpu.wait_dma2 semaphore(%run_scoped3A : memref<!tpu.dma_semaphore, #tpu.memory_space<semaphore_mem>>) src(%dma_wait3A_76 : memref<520x128xf32, #tpu.memory_space<vmem_shared>>) dst(%dma_wait3A_73 : memref<520x128xf32, #tpu.memory_space<hbm>>)
        tpu.yield
      }) : () -> ()
    } else {
    }
    return
  }
}

module attributes {stable_mosaic.version = 14 : i64} {
  func.func @_scale_kernel_body(%arg0: i32, %arg1: memref<2x400x16xf32, #tpu.memory_space<vmem>>, %arg2: memref<400x256xf32, #tpu.memory_space<vmem>>, %arg3: memref<2x400x128xf32, #tpu.memory_space<vmem>>) attributes {dimension_semantics = [#tpu.dimension_semantics<arbitrary>], iteration_bounds = array<i64: 25>, scalar_prefetch = 0 : i64, scratch_operands = 0 : i64, tpu.core_type = #tpu.core_type<tc>, window_params = [{transform_indices = @transform_0, window_bounds = array<i64: 2, 400, 16>}, {transform_indices = @transform_1, window_bounds = array<i64: 400, 256>}, {transform_indices = @transform_2, window_bounds = array<i64: 2, 400, 128>}]} {
    %get3A = arith.constant 0 : index
    %get3A_0 = arith.constant 0 : index
    %get3A_1 = arith.constant 0 : index
    %get3A_2 = vector.load %arg1[%get3A, %get3A_0, %get3A_1] : memref<2x400x16xf32, #tpu.memory_space<vmem>>, vector<2x400x16xf32>
    %slice3A = vector.extract_strided_slice %get3A_2 {offsets = [0, 0, 0], sizes = [1, 400, 16], strides = [1, 1, 1]} : vector<2x400x16xf32> to vector<1x400x16xf32>
    %squeeze3A = vector.shape_cast %slice3A : vector<1x400x16xf32> to vector<400x16xf32>
    %slice3A_3 = vector.extract_strided_slice %get3A_2 {offsets = [1, 0, 0], sizes = [1, 400, 16], strides = [1, 1, 1]} : vector<2x400x16xf32> to vector<1x400x16xf32>
    %squeeze3A_4 = vector.shape_cast %slice3A_3 : vector<1x400x16xf32> to vector<400x16xf32>
    %add3A = arith.addf %squeeze3A, %squeeze3A_4 : vector<400x16xf32>
    %slice3A_5 = vector.extract_strided_slice %add3A {offsets = [0, 0], sizes = [400, 1], strides = [1, 1]} : vector<400x16xf32> to vector<400x1xf32>
    %gt3A = arith.constant 0.000000e+00 : f32
    %gt3A_6 = vector.broadcast %gt3A : f32 to vector<400x1xf32>
    %gt3A_7 = arith.cmpf ogt, %slice3A_5, %gt3A_6 : vector<400x1xf32>
    %rsqrt3A = math.rsqrt %slice3A_5 : vector<400x1xf32>
    %jit3A = arith.constant 0.000000e+00 : f32
    %broadcast_in_dim3A = vector.broadcast %jit3A : f32 to vector<400x1xf32>
    %select_n3A = arith.select %gt3A_7, %rsqrt3A, %broadcast_in_dim3A : vector<400x1xi1>, vector<400x1xf32>
    %get3A_8 = arith.constant 0 : index
    %get3A_9 = arith.constant 0 : index
    %get3A_10 = vector.load %arg2[%get3A_8, %get3A_9] : memref<400x256xf32, #tpu.memory_space<vmem>>, vector<400x256xf32>
    %mul3A = vector.broadcast %select_n3A : vector<400x1xf32> to vector<400x256xf32>
    %mul3A_11 = arith.mulf %get3A_10, %mul3A : vector<400x256xf32>
    %slice3A_12 = vector.extract_strided_slice %mul3A_11 {offsets = [0, 0], sizes = [400, 128], strides = [1, 1]} : vector<400x256xf32> to vector<400x128xf32>
    %swap3A = arith.constant 0 : index
    %swap3A_13 = arith.constant 0 : index
    %swap3A_14 = arith.constant 0 : index
    %swap3A_15 = vector.load %arg3[%swap3A, %swap3A_13, %swap3A_14] : memref<2x400x128xf32, #tpu.memory_space<vmem>>, vector<1x400x128xf32>
    %swap3A_16 = vector.shape_cast %swap3A_15 : vector<1x400x128xf32> to vector<400x128xf32>
    %swap3A_17 = vector.shape_cast %slice3A_12 : vector<400x128xf32> to vector<1x400x128xf32>
    tpu.vector_store %arg3[%swap3A, %swap3A_13, %swap3A_14], %swap3A_17 {strides = array<i32>} : memref<2x400x128xf32, #tpu.memory_space<vmem>>, vector<1x400x128xf32>,
    %slice3A_18 = vector.extract_strided_slice %mul3A_11 {offsets = [0, 128], sizes = [400, 128], strides = [1, 1]} : vector<400x256xf32> to vector<400x128xf32>
    %swap3A_19 = arith.constant 1 : index
    %swap3A_20 = arith.constant 0 : index
    %swap3A_21 = arith.constant 0 : index
    %swap3A_22 = vector.load %arg3[%swap3A_19, %swap3A_20, %swap3A_21] : memref<2x400x128xf32, #tpu.memory_space<vmem>>, vector<1x400x128xf32>
    %swap3A_23 = vector.shape_cast %swap3A_22 : vector<1x400x128xf32> to vector<400x128xf32>
    %swap3A_24 = vector.shape_cast %slice3A_18 : vector<400x128xf32> to vector<1x400x128xf32>
    tpu.vector_store %arg3[%swap3A_19, %swap3A_20, %swap3A_21], %swap3A_24 {strides = array<i32>} : memref<2x400x128xf32, #tpu.memory_space<vmem>>, vector<1x400x128xf32>,
    return
  }
  func.func @transform_0(%arg0: i32) -> (i32, i32, i32) {
    %c0_i32 = arith.constant 0 : i32
    %c0_i32_0 = arith.constant 0 : i32
    %c0_i32_1 = arith.constant 0 : i32
    return %c0_i32, %arg0, %c0_i32_0 : i32, i32, i32
  }
  func.func @transform_1(%arg0: i32) -> (i32, i32) {
    %c0_i32 = arith.constant 0 : i32
    %c0_i32_0 = arith.constant 0 : i32
    return %arg0, %c0_i32 : i32, i32
  }
  func.func @transform_2(%arg0: i32) -> (i32, i32, i32) {
    %c0_i32 = arith.constant 0 : i32
    %c0_i32_0 = arith.constant 0 : i32
    %c0_i32_1 = arith.constant 0 : i32
    return %c0_i32, %arg0, %c0_i32_0 : i32, i32, i32
  }
}

module attributes {stable_mosaic.version = 14 : i64} {
  func.func @_layer1_body(%arg0: i32, %arg1: memref<400x128xf32, #tpu.memory_space<vmem>>, %arg2: memref<400x128xf32, #tpu.memory_space<vmem>>, %arg3: memref<400x256xf32, #tpu.memory_space<vmem>>, %arg4: memref<2x400x16xf32, #tpu.memory_space<vmem>>, %arg5: memref<512x512xbf16, #tpu.memory_space<vmem>>, %arg6: memref<1x512xf32, #tpu.memory_space<vmem>>, %arg7: memref<400x256xf32, #tpu.memory_space<vmem>>, %arg8: memref<2x400x128xf32, #tpu.memory_space<vmem>>) attributes {dimension_semantics = [#tpu.dimension_semantics<arbitrary>], iteration_bounds = array<i64: 25>, scalar_prefetch = 0 : i64, scratch_operands = 0 : i64, tpu.core_type = #tpu.core_type<tc>, window_params = [{transform_indices = @transform_0, window_bounds = array<i64: 400, 128>}, {transform_indices = @transform_1, window_bounds = array<i64: 400, 128>}, {transform_indices = @transform_2, window_bounds = array<i64: 400, 256>}, {transform_indices = @transform_3, window_bounds = array<i64: 2, 400, 16>}, {pipeline_mode = #tpu.pipeline_mode<synchronous>, transform_indices = @transform_4, window_bounds = array<i64: 512, 512>}, {pipeline_mode = #tpu.pipeline_mode<synchronous>, transform_indices = @transform_5, window_bounds = array<i64: 1, 512>}, {transform_indices = @transform_6, window_bounds = array<i64: 400, 256>}, {transform_indices = @transform_7, window_bounds = array<i64: 2, 400, 128>}]} {
    %get3A = arith.constant 0 : index
    %get3A_0 = arith.constant 0 : index
    %get3A_1 = arith.constant 0 : index
    %get3A_2 = vector.load %arg4[%get3A, %get3A_0, %get3A_1] : memref<2x400x16xf32, #tpu.memory_space<vmem>>, vector<2x400x16xf32>
    %slice3A = vector.extract_strided_slice %get3A_2 {offsets = [0, 0, 0], sizes = [1, 400, 16], strides = [1, 1, 1]} : vector<2x400x16xf32> to vector<1x400x16xf32>
    %squeeze3A = vector.shape_cast %slice3A : vector<1x400x16xf32> to vector<400x16xf32>
    %slice3A_3 = vector.extract_strided_slice %get3A_2 {offsets = [1, 0, 0], sizes = [1, 400, 16], strides = [1, 1, 1]} : vector<2x400x16xf32> to vector<1x400x16xf32>
    %squeeze3A_4 = vector.shape_cast %slice3A_3 : vector<1x400x16xf32> to vector<400x16xf32>
    %add3A = arith.addf %squeeze3A, %squeeze3A_4 : vector<400x16xf32>
    %slice3A_5 = vector.extract_strided_slice %add3A {offsets = [0, 0], sizes = [400, 1], strides = [1, 1]} : vector<400x16xf32> to vector<400x1xf32>
    %gt3A = arith.constant 0.000000e+00 : f32
    %gt3A_6 = vector.broadcast %gt3A : f32 to vector<400x1xf32>
    %gt3A_7 = arith.cmpf ogt, %slice3A_5, %gt3A_6 : vector<400x1xf32>
    %rsqrt3A = math.rsqrt %slice3A_5 : vector<400x1xf32>
    %jit3A = arith.constant 0.000000e+00 : f32
    %broadcast_in_dim3A = vector.broadcast %jit3A : f32 to vector<400x1xf32>
    %select_n3A = arith.select %gt3A_7, %rsqrt3A, %broadcast_in_dim3A : vector<400x1xi1>, vector<400x1xf32>
    %get3A_8 = arith.constant 0 : index
    %get3A_9 = arith.constant 0 : index
    %get3A_10 = vector.load %arg1[%get3A_8, %get3A_9] : memref<400x128xf32, #tpu.memory_space<vmem>>, vector<400x128xf32>
    %get3A_11 = arith.constant 0 : index
    %get3A_12 = arith.constant 0 : index
    %get3A_13 = vector.load %arg2[%get3A_11, %get3A_12] : memref<400x128xf32, #tpu.memory_space<vmem>>, vector<400x128xf32>
    %concatenate3A = tpu.concatenate %get3A_10, %get3A_13 in 1 : vector<400x128xf32>, vector<400x128xf32> -> vector<400x256xf32>
    %mul3A = vector.broadcast %select_n3A : vector<400x1xf32> to vector<400x256xf32>
    %mul3A_14 = arith.mulf %concatenate3A, %mul3A : vector<400x256xf32>
    %get3A_15 = arith.constant 0 : index
    %get3A_16 = arith.constant 0 : index
    %get3A_17 = vector.load %arg3[%get3A_15, %get3A_16] : memref<400x256xf32, #tpu.memory_space<vmem>>, vector<400x256xf32>
    %concatenate3A_18 = tpu.concatenate %mul3A_14, %get3A_17 in 1 : vector<400x256xf32>, vector<400x256xf32> -> vector<400x512xf32>
    %convert_element_type3A = arith.truncf %concatenate3A_18 : vector<400x512xf32> to vector<400x512xbf16>
    %get3A_19 = arith.constant 0 : index
    %get3A_20 = arith.constant 0 : index
    %get3A_21 = vector.load %arg5[%get3A_19, %get3A_20] : memref<512x512xbf16, #tpu.memory_space<vmem>>, vector<512x512xbf16>
    %dot_general3A = arith.constant dense<0.000000e+00> : vector<400x512xf32>
    %dot_general3A_22 = tpu.matmul %convert_element_type3A, %get3A_21, %dot_general3A {dimension_numbers = #tpu.dot_dimension_numbers<[1], [0], [0], [1], [0, 0, 1, 1], [], []>, transpose_lhs_hint = false} : vector<400x512xbf16>, vector<512x512xbf16>, vector<400x512xf32> -> vector<400x512xf32>
    %get3A_23 = arith.constant 0 : index
    %get3A_24 = arith.constant 0 : index
    %get3A_25 = vector.load %arg6[%get3A_23, %get3A_24] : memref<1x512xf32, #tpu.memory_space<vmem>>, vector<1x512xf32>
    %add3A_26 = vector.broadcast %get3A_25 : vector<1x512xf32> to vector<400x512xf32>
    %add3A_27 = arith.addf %dot_general3A_22, %add3A_26 : vector<400x512xf32>
    %slice3A_28 = vector.extract_strided_slice %add3A_27 {offsets = [0, 0], sizes = [400, 256], strides = [1, 1]} : vector<400x512xf32> to vector<400x256xf32>
    %max3A = arith.constant 0.000000e+00 : f32
    %max3A_29 = vector.broadcast %max3A : f32 to vector<400x256xf32>
    %max3A_30 = arith.maximumf %slice3A_28, %max3A_29 : vector<400x256xf32>
    %slice3A_31 = vector.extract_strided_slice %add3A_27 {offsets = [0, 256], sizes = [400, 256], strides = [1, 1]} : vector<400x512xf32> to vector<400x256xf32>
    %max3A_32 = arith.constant 0.000000e+00 : f32
    %max3A_33 = vector.broadcast %max3A_32 : f32 to vector<400x256xf32>
    %max3A_34 = arith.maximumf %slice3A_31, %max3A_33 : vector<400x256xf32>
    %add3A_35 = arith.addf %max3A_30, %max3A_34 : vector<400x256xf32>
    %mul3A_36 = arith.constant 5.000000e-01 : f32
    %mul3A_37 = vector.broadcast %mul3A_36 : f32 to vector<400x256xf32>
    %mul3A_38 = arith.mulf %mul3A_37, %add3A_35 : vector<400x256xf32>
    %swap3A = arith.constant 0 : index
    %swap3A_39 = arith.constant 0 : index
    %swap3A_40 = vector.load %arg7[%swap3A, %swap3A_39] : memref<400x256xf32, #tpu.memory_space<vmem>>, vector<400x256xf32>
    tpu.vector_store %arg7[%swap3A, %swap3A_39], %mul3A_38 {strides = array<i32>} : memref<400x256xf32, #tpu.memory_space<vmem>>, vector<400x256xf32>,
    %mul3A_41 = vector.broadcast %select_n3A : vector<400x1xf32> to vector<400x256xf32>
    %mul3A_42 = arith.mulf %mul3A_38, %mul3A_41 : vector<400x256xf32>
    %slice3A_43 = vector.extract_strided_slice %mul3A_42 {offsets = [0, 0], sizes = [400, 128], strides = [1, 1]} : vector<400x256xf32> to vector<400x128xf32>
    %swap3A_44 = arith.constant 0 : index
    %swap3A_45 = arith.constant 0 : index
    %swap3A_46 = arith.constant 0 : index
    %swap3A_47 = vector.load %arg8[%swap3A_44, %swap3A_45, %swap3A_46] : memref<2x400x128xf32, #tpu.memory_space<vmem>>, vector<1x400x128xf32>
    %swap3A_48 = vector.shape_cast %swap3A_47 : vector<1x400x128xf32> to vector<400x128xf32>
    %swap3A_49 = vector.shape_cast %slice3A_43 : vector<400x128xf32> to vector<1x400x128xf32>
    tpu.vector_store %arg8[%swap3A_44, %swap3A_45, %swap3A_46], %swap3A_49 {strides = array<i32>} : memref<2x400x128xf32, #tpu.memory_space<vmem>>, vector<1x400x128xf32>,
    %slice3A_50 = vector.extract_strided_slice %mul3A_42 {offsets = [0, 128], sizes = [400, 128], strides = [1, 1]} : vector<400x256xf32> to vector<400x128xf32>
    %swap3A_51 = arith.constant 1 : index
    %swap3A_52 = arith.constant 0 : index
    %swap3A_53 = arith.constant 0 : index
    %swap3A_54 = vector.load %arg8[%swap3A_51, %swap3A_52, %swap3A_53] : memref<2x400x128xf32, #tpu.memory_space<vmem>>, vector<1x400x128xf32>
    %swap3A_55 = vector.shape_cast %swap3A_54 : vector<1x400x128xf32> to vector<400x128xf32>
    %swap3A_56 = vector.shape_cast %slice3A_50 : vector<400x128xf32> to vector<1x400x128xf32>
    tpu.vector_store %arg8[%swap3A_51, %swap3A_52, %swap3A_53], %swap3A_56 {strides = array<i32>} : memref<2x400x128xf32, #tpu.memory_space<vmem>>, vector<1x400x128xf32>,
    return
  }
  func.func @transform_0(%arg0: i32) -> (i32, i32) {
    %c0_i32 = arith.constant 0 : i32
    %c0_i32_0 = arith.constant 0 : i32
    return %arg0, %c0_i32 : i32, i32
  }
  func.func @transform_1(%arg0: i32) -> (i32, i32) {
    %add3A = arith.constant 25 : i32
    %add3A_0 = arith.addi %arg0, %add3A : i32
    %c0_i32 = arith.constant 0 : i32
    %c0_i32_1 = arith.constant 0 : i32
    return %add3A_0, %c0_i32 : i32, i32
  }
  func.func @transform_2(%arg0: i32) -> (i32, i32) {
    %c0_i32 = arith.constant 0 : i32
    %c0_i32_0 = arith.constant 0 : i32
    return %arg0, %c0_i32 : i32, i32
  }
  func.func @transform_3(%arg0: i32) -> (i32, i32, i32) {
    %c0_i32 = arith.constant 0 : i32
    %c0_i32_0 = arith.constant 0 : i32
    %c0_i32_1 = arith.constant 0 : i32
    return %c0_i32, %arg0, %c0_i32_0 : i32, i32, i32
  }
  func.func @transform_4(%arg0: i32) -> (i32, i32) {
    %c0_i32 = arith.constant 0 : i32
    %c0_i32_0 = arith.constant 0 : i32
    %c0_i32_1 = arith.constant 0 : i32
    return %c0_i32, %c0_i32_0 : i32, i32
  }
  func.func @transform_5(%arg0: i32) -> (i32, i32) {
    %c0_i32 = arith.constant 0 : i32
    %c0_i32_0 = arith.constant 0 : i32
    %c0_i32_1 = arith.constant 0 : i32
    return %c0_i32, %c0_i32_0 : i32, i32
  }
  func.func @transform_6(%arg0: i32) -> (i32, i32) {
    %c0_i32 = arith.constant 0 : i32
    %c0_i32_0 = arith.constant 0 : i32
    return %arg0, %c0_i32 : i32, i32
  }
  func.func @transform_7(%arg0: i32) -> (i32, i32, i32) {
    %c0_i32 = arith.constant 0 : i32
    %c0_i32_0 = arith.constant 0 : i32
    %c0_i32_1 = arith.constant 0 : i32
    return %c0_i32, %arg0, %c0_i32_0 : i32, i32, i32
  }
}

module attributes {stable_mosaic.version = 14 : i64} {
  func.func @_layer2_body(%arg0: i32, %arg1: memref<400x128xf32, #tpu.memory_space<vmem>>, %arg2: memref<400x128xf32, #tpu.memory_space<vmem>>, %arg3: memref<400x256xf32, #tpu.memory_space<vmem>>, %arg4: memref<2x400x16xf32, #tpu.memory_space<vmem>>, %arg5: memref<512x512xbf16, #tpu.memory_space<vmem>>, %arg6: memref<1x512xf32, #tpu.memory_space<vmem>>, %arg7: memref<256x256xbf16, #tpu.memory_space<vmem>>, %arg8: memref<1x256xf32, #tpu.memory_space<vmem>>, %arg9: memref<400x256xf32, #tpu.memory_space<vmem>>) attributes {dimension_semantics = [#tpu.dimension_semantics<arbitrary>], iteration_bounds = array<i64: 25>, scalar_prefetch = 0 : i64, scratch_operands = 0 : i64, tpu.core_type = #tpu.core_type<tc>, window_params = [{transform_indices = @transform_0, window_bounds = array<i64: 400, 128>}, {transform_indices = @transform_1, window_bounds = array<i64: 400, 128>}, {transform_indices = @transform_2, window_bounds = array<i64: 400, 256>}, {transform_indices = @transform_3, window_bounds = array<i64: 2, 400, 16>}, {pipeline_mode = #tpu.pipeline_mode<synchronous>, transform_indices = @transform_4, window_bounds = array<i64: 512, 512>}, {pipeline_mode = #tpu.pipeline_mode<synchronous>, transform_indices = @transform_5, window_bounds = array<i64: 1, 512>}, {pipeline_mode = #tpu.pipeline_mode<synchronous>, transform_indices = @transform_6, window_bounds = array<i64: 256, 256>}, {pipeline_mode = #tpu.pipeline_mode<synchronous>, transform_indices = @transform_7, window_bounds = array<i64: 1, 256>}, {transform_indices = @transform_8, window_bounds = array<i64: 400, 256>}]} {
    %get3A = arith.constant 0 : index
    %get3A_0 = arith.constant 0 : index
    %get3A_1 = arith.constant 0 : index
    %get3A_2 = vector.load %arg4[%get3A, %get3A_0, %get3A_1] : memref<2x400x16xf32, #tpu.memory_space<vmem>>, vector<2x400x16xf32>
    %slice3A = vector.extract_strided_slice %get3A_2 {offsets = [0, 0, 0], sizes = [1, 400, 16], strides = [1, 1, 1]} : vector<2x400x16xf32> to vector<1x400x16xf32>
    %squeeze3A = vector.shape_cast %slice3A : vector<1x400x16xf32> to vector<400x16xf32>
    %slice3A_3 = vector.extract_strided_slice %get3A_2 {offsets = [1, 0, 0], sizes = [1, 400, 16], strides = [1, 1, 1]} : vector<2x400x16xf32> to vector<1x400x16xf32>
    %squeeze3A_4 = vector.shape_cast %slice3A_3 : vector<1x400x16xf32> to vector<400x16xf32>
    %add3A = arith.addf %squeeze3A, %squeeze3A_4 : vector<400x16xf32>
    %slice3A_5 = vector.extract_strided_slice %add3A {offsets = [0, 0], sizes = [400, 1], strides = [1, 1]} : vector<400x16xf32> to vector<400x1xf32>
    %gt3A = arith.constant 0.000000e+00 : f32
    %gt3A_6 = vector.broadcast %gt3A : f32 to vector<400x1xf32>
    %gt3A_7 = arith.cmpf ogt, %slice3A_5, %gt3A_6 : vector<400x1xf32>
    %rsqrt3A = math.rsqrt %slice3A_5 : vector<400x1xf32>
    %jit3A = arith.constant 0.000000e+00 : f32
    %broadcast_in_dim3A = vector.broadcast %jit3A : f32 to vector<400x1xf32>
    %select_n3A = arith.select %gt3A_7, %rsqrt3A, %broadcast_in_dim3A : vector<400x1xi1>, vector<400x1xf32>
    %get3A_8 = arith.constant 0 : index
    %get3A_9 = arith.constant 0 : index
    %get3A_10 = vector.load %arg1[%get3A_8, %get3A_9] : memref<400x128xf32, #tpu.memory_space<vmem>>, vector<400x128xf32>
    %get3A_11 = arith.constant 0 : index
    %get3A_12 = arith.constant 0 : index
    %get3A_13 = vector.load %arg2[%get3A_11, %get3A_12] : memref<400x128xf32, #tpu.memory_space<vmem>>, vector<400x128xf32>
    %concatenate3A = tpu.concatenate %get3A_10, %get3A_13 in 1 : vector<400x128xf32>, vector<400x128xf32> -> vector<400x256xf32>
    %mul3A = vector.broadcast %select_n3A : vector<400x1xf32> to vector<400x256xf32>
    %mul3A_14 = arith.mulf %concatenate3A, %mul3A : vector<400x256xf32>
    %get3A_15 = arith.constant 0 : index
    %get3A_16 = arith.constant 0 : index
    %get3A_17 = vector.load %arg3[%get3A_15, %get3A_16] : memref<400x256xf32, #tpu.memory_space<vmem>>, vector<400x256xf32>
    %concatenate3A_18 = tpu.concatenate %mul3A_14, %get3A_17 in 1 : vector<400x256xf32>, vector<400x256xf32> -> vector<400x512xf32>
    %convert_element_type3A = arith.truncf %concatenate3A_18 : vector<400x512xf32> to vector<400x512xbf16>
    %get3A_19 = arith.constant 0 : index
    %get3A_20 = arith.constant 0 : index
    %get3A_21 = vector.load %arg5[%get3A_19, %get3A_20] : memref<512x512xbf16, #tpu.memory_space<vmem>>, vector<512x512xbf16>
    %dot_general3A = arith.constant dense<0.000000e+00> : vector<400x512xf32>
    %dot_general3A_22 = tpu.matmul %convert_element_type3A, %get3A_21, %dot_general3A {dimension_numbers = #tpu.dot_dimension_numbers<[1], [0], [0], [1], [0, 0, 1, 1], [], []>, transpose_lhs_hint = false} : vector<400x512xbf16>, vector<512x512xbf16>, vector<400x512xf32> -> vector<400x512xf32>
    %get3A_23 = arith.constant 0 : index
    %get3A_24 = arith.constant 0 : index
    %get3A_25 = vector.load %arg6[%get3A_23, %get3A_24] : memref<1x512xf32, #tpu.memory_space<vmem>>, vector<1x512xf32>
    %add3A_26 = vector.broadcast %get3A_25 : vector<1x512xf32> to vector<400x512xf32>
    %add3A_27 = arith.addf %dot_general3A_22, %add3A_26 : vector<400x512xf32>
    %slice3A_28 = vector.extract_strided_slice %add3A_27 {offsets = [0, 0], sizes = [400, 256], strides = [1, 1]} : vector<400x512xf32> to vector<400x256xf32>
    %max3A = arith.constant 0.000000e+00 : f32
    %max3A_29 = vector.broadcast %max3A : f32 to vector<400x256xf32>
    %max3A_30 = arith.maximumf %slice3A_28, %max3A_29 : vector<400x256xf32>
    %slice3A_31 = vector.extract_strided_slice %add3A_27 {offsets = [0, 256], sizes = [400, 256], strides = [1, 1]} : vector<400x512xf32> to vector<400x256xf32>
    %max3A_32 = arith.constant 0.000000e+00 : f32
    %max3A_33 = vector.broadcast %max3A_32 : f32 to vector<400x256xf32>
    %max3A_34 = arith.maximumf %slice3A_31, %max3A_33 : vector<400x256xf32>
    %add3A_35 = arith.addf %max3A_30, %max3A_34 : vector<400x256xf32>
    %mul3A_36 = arith.constant 5.000000e-01 : f32
    %mul3A_37 = vector.broadcast %mul3A_36 : f32 to vector<400x256xf32>
    %mul3A_38 = arith.mulf %mul3A_37, %add3A_35 : vector<400x256xf32>
    %convert_element_type3A_39 = arith.truncf %mul3A_38 : vector<400x256xf32> to vector<400x256xbf16>
    %get3A_40 = arith.constant 0 : index
    %get3A_41 = arith.constant 0 : index
    %get3A_42 = vector.load %arg7[%get3A_40, %get3A_41] : memref<256x256xbf16, #tpu.memory_space<vmem>>, vector<256x256xbf16>
    %dot_general3A_43 = arith.constant dense<0.000000e+00> : vector<400x256xf32>
    %dot_general3A_44 = tpu.matmul %convert_element_type3A_39, %get3A_42, %dot_general3A_43 {dimension_numbers = #tpu.dot_dimension_numbers<[1], [0], [0], [1], [0, 0, 1, 1], [], []>, transpose_lhs_hint = false} : vector<400x256xbf16>, vector<256x256xbf16>, vector<400x256xf32> -> vector<400x256xf32>
    %get3A_45 = arith.constant 0 : index
    %get3A_46 = arith.constant 0 : index
    %get3A_47 = vector.load %arg8[%get3A_45, %get3A_46] : memref<1x256xf32, #tpu.memory_space<vmem>>, vector<1x256xf32>
    %add3A_48 = vector.broadcast %get3A_47 : vector<1x256xf32> to vector<400x256xf32>
    %add3A_49 = arith.addf %dot_general3A_44, %add3A_48 : vector<400x256xf32>
    %swap3A = arith.constant 0 : index
    %swap3A_50 = arith.constant 0 : index
    %swap3A_51 = vector.load %arg9[%swap3A, %swap3A_50] : memref<400x256xf32, #tpu.memory_space<vmem>>, vector<400x256xf32>
    tpu.vector_store %arg9[%swap3A, %swap3A_50], %add3A_49 {strides = array<i32>} : memref<400x256xf32, #tpu.memory_space<vmem>>, vector<400x256xf32>,
    return
  }
  func.func @transform_0(%arg0: i32) -> (i32, i32) {
    %c0_i32 = arith.constant 0 : i32
    %c0_i32_0 = arith.constant 0 : i32
    return %arg0, %c0_i32 : i32, i32
  }
  func.func @transform_1(%arg0: i32) -> (i32, i32) {
    %add3A = arith.constant 25 : i32
    %add3A_0 = arith.addi %arg0, %add3A : i32
    %c0_i32 = arith.constant 0 : i32
    %c0_i32_1 = arith.constant 0 : i32
    return %add3A_0, %c0_i32 : i32, i32
  }
  func.func @transform_2(%arg0: i32) -> (i32, i32) {
    %c0_i32 = arith.constant 0 : i32
    %c0_i32_0 = arith.constant 0 : i32
    return %arg0, %c0_i32 : i32, i32
  }
  func.func @transform_3(%arg0: i32) -> (i32, i32, i32) {
    %c0_i32 = arith.constant 0 : i32
    %c0_i32_0 = arith.constant 0 : i32
    %c0_i32_1 = arith.constant 0 : i32
    return %c0_i32, %arg0, %c0_i32_0 : i32, i32, i32
  }
  func.func @transform_4(%arg0: i32) -> (i32, i32) {
    %c0_i32 = arith.constant 0 : i32
    %c0_i32_0 = arith.constant 0 : i32
    %c0_i32_1 = arith.constant 0 : i32
    return %c0_i32, %c0_i32_0 : i32, i32
  }
  func.func @transform_5(%arg0: i32) -> (i32, i32) {
    %c0_i32 = arith.constant 0 : i32
    %c0_i32_0 = arith.constant 0 : i32
    %c0_i32_1 = arith.constant 0 : i32
    return %c0_i32, %c0_i32_0 : i32, i32
  }
  func.func @transform_6(%arg0: i32) -> (i32, i32) {
    %c0_i32 = arith.constant 0 : i32
    %c0_i32_0 = arith.constant 0 : i32
    %c0_i32_1 = arith.constant 0 : i32
    return %c0_i32, %c0_i32_0 : i32, i32
  }
  func.func @transform_7(%arg0: i32) -> (i32, i32) {
    %c0_i32 = arith.constant 0 : i32
    %c0_i32_0 = arith.constant 0 : i32
    %c0_i32_1 = arith.constant 0 : i32
    return %c0_i32, %c0_i32_0 : i32, i32
  }
  func.func @transform_8(%arg0: i32) -> (i32, i32) {
    %c0_i32 = arith.constant 0 : i32
    %c0_i32_0 = arith.constant 0 : i32
    return %arg0, %c0_i32 : i32, i32
  }
}

</mosaic_0001>

<sc_bundles>
// kernel: kernel.11.cloned.1.call-start
scs
__scs_entry_jumppad:
0x0: {  	(pc) =	sbr.rel $0x88, $3  }
0x1: {  	(tag) =	ssettag $0x0;
	lr =	simm.s32 $0x1  }
0x2: {  	[smem:$0x3F97] =	sst lr;
	_ =	strace $0xD0000000  }
0x3: {  	_ = 	snop  }
0x4: {  	_ = 	snop  }
0x5: {  	_ = 	snop  }
0x6: {  	_ = 	snop  }
0x7: {  	_ = 	snop  }
__scs_overlays_trampoline_lowered:
0x8: {  	[smem:$0x3FA6] =	sst s0  }
0x9: {  	[smem:$0x3FA7] =	sst s1  }
0xa: {  	[smem:$0x3FA8] =	sst s2  }
0xb: {  	[smem:$0x3FA9] =	sst s3  }
0xc: {  	[smem:$0x3FAA] =	sst s4  }
0xd: {  	[smem:$0x3FAB] =	sst s5  }
0xe: {  	[smem:$0x3FAC] =	sst s6  }
0xf: {  	[smem:$0x3FAD] =	sst s7  }
0x10: {  	[smem:$0x3FAE] =	sst s8  }
0x11: {  	[smem:$0x3FAF] =	sst s9;
	s0 =	simm.s32 @!p0 $0x0  }
0x12: {  	s1 =	sld [smem:$0x3F95];
	s0 =	simm.s32 @p0 $0x1  }
0x13: {  	[smem:$0x3FB0] =	sst s0;
	s0 =	simm.s32 @!p1 $0x0  }
0x14: {  	s2 =	sld [smem:$0x3F94];
	s0 =	simm.s32 @p1 $0x1  }
0x15: {  	[smem:$0x3FB1] =	sst s0;
	s0 =	simm.s32 @!p2 $0x0  }
0x16: {  	s3 =	sld [smem:$0x3FDB];
	s0 =	simm.s32 @p2 $0x1  }
0x17: {  	s4 =	simm.s32 $0x1BF5;
	[smem:$0x3FB3] =	sst s0  }
0x18: {  	s0 =	sld [smem:$0x3F96];
	_ =	swait.ge [sflag:s4], $0x0  }
0x19: {  	s7 =	sld [smem:$0x3F97]  }
0x1a: {  	s8 =	sadd.s32 $0xFFFFE003, lr  }
0x1b: {  	s9 =	sadd.s32 $0xFFFFFEF7, lr;
	s5 =	simm.s32 $0xFFFFFFFF;
	p2 =	slt.u32 s8, $0xFFFFF086  }
0x1c: {  	p1 =	slt.u32 s9, $0xF7A;
	s5 =	simm.s32 @!p2 $0x0  }
0x1d: {  	s5 =	simm.s32 @p1 $0x1;
	p0 =	seq.s32 s7, s2  }
0x1e: {  	s7 =	smul.u32 @!p0 $0xF7A, s2;
	p2 =	seq.s32 @!p0 s5, $0x0  }
0x1f: {  	s9 =	smul.u32 $0xF7A, s1;
	s8 =	simm.s32 @!p0 $0x1BF5;
	p2 =	por !p2, p0  }
0x20: {  	[sflag:s8] =	ssyncset.s32 @!p0 $0xFFFFF086;
	s6 =	sadd.s32 @!p0 s3, s7;
	s7 =	simm.s32 @!p0 $0x108  }
0x21: {  	s3 =	sadd.s32 s3, s9;
	s6 =	sadd.s32 @!p0 $0x88, s6;
	s7 =	simm.s32 @p2 $0x1082  }
0x22: {  	[simem:s7], [sflag:s8] =	dma.local @!p0 [hbm:s6], $0xF7A  }
0x23: {  	s9 =	sor.u32 $0xD0000000, s2;
	s6 =	simm.s32 $0x108;
	_ =	swait.ge @!p0 [sflag:s8], $0x0  }
0x24: {  	s3 =	sadd.s32 $0x88, s3;
	s6 =	simm.s32 @!p1 $0x1082;
	[sflag:s4] =	ssyncset.s32 $0xFFFFF086  }
0x25: {  	[simem:s6], [sflag:s4] =	dma.local [hbm:s3], $0xF7A  }
0x26: {  	[smem:$0x3F97] =	sst s1;
	(tag) =	ssettag s2;
	_ =	strace s9  }
0x27: {  	s1 =	sld [smem:$0x3FA7]  }
0x28: {  	s2 =	sld [smem:$0x3FA8]  }
0x29: {  	s4 =	sld [smem:$0x3FAA]  }
0x2a: {  	p0 =	seq.s32 s5, $0x0;
	s5 =	sld [smem:$0x3FAB]  }
0x2b: {  	s6 =	sld [smem:$0x3FAC]  }
0x2c: {  	s7 =	sld [smem:$0x3FAD]  }
0x2d: {  	s3 =	simm.s32 $0x108;
	s8 =	sld [smem:$0x3FAE]  }
0x2e: {  	s3 =	simm.s32 @!p0 $0x1082;
	s9 =	sld [smem:$0x3FAF]  }
0x2f: {  	lr =	sadd.s32 s0, s3;
	s0 =	sld [smem:$0x3FA6]  }
0x30: {  	s3 =	sld [smem:$0x3FA9]  }
0x31: {  	[smem:$0x3FB2] =	sst s10  }
0x32: {  	s10 =	sld [smem:$0x3FB0];
	_ =	sdelay $0x3  }
0x33: {  	p0 =	seq.s32 s10, $0x1;
	s10 =	sld [smem:$0x3FB2];
	_ =	sdelay $0x3  }
0x34: {  	[smem:$0x3FB2] =	sst s10  }
0x35: {  	s10 =	sld [smem:$0x3FB1];
	_ =	sdelay $0x3  }
0x36: {  	p1 =	seq.s32 s10, $0x1;
	s10 =	sld [smem:$0x3FB2];
	_ =	sdelay $0x3  }
0x37: {  	[smem:$0x3FB2] =	sst s10  }
0x38: {  	s10 =	sld [smem:$0x3FB3]  }
0x39: {  	_ = 	snop;
	(pc) =	sbr.ind lr, $3  }
0x3a: {  	_ = 	snop  }
0x3b: {  	_ = 	snop  }
0x3c: {  	p2 =	seq.s32 s10, $0x1;
	s10 =	sld [smem:$0x3FB2]  }
0x3d: {  	_ =	shalt  }
0x3e: {  	_ =	shalt  }
0x3f: {  	_ =	shalt  }
0x40: {  	_ =	shalt  }
0x41: {  	_ =	shalt  }
0x42: {  	_ =	shalt  }
0x43: {  	_ =	shalt  }
0x44: {  	_ =	shalt  }
0x45: {  	_ =	shalt  }
0x46: {  	_ =	shalt  }
0x47: {  	_ =	shalt  }
0x48: {  	_ =	shalt  }
0x49: {  	_ =	shalt  }
0x4a: {  	_ =	shalt  }
0x4b: {  	_ =	shalt  }
0x4c: {  	_ =	shalt  }
0x4d: {  	_ =	shalt  }
0x4e: {  	_ =	shalt  }
0x4f: {  	_ =	shalt  }
0x50: {  	_ =	shalt  }
0x51: {  	_ =	shalt  }
0x52: {  	_ =	shalt  }
0x53: {  	_ =	shalt  }
0x54: {  	_ =	shalt  }
0x55: {  	_ =	shalt  }
0x56: {  	_ =	shalt  }
0x57: {  	_ =	shalt  }
0x58: {  	_ =	shalt  }
0x59: {  	_ =	shalt  }
0x5a: {  	_ =	shalt  }
0x5b: {  	_ =	shalt  }
0x5c: {  	_ =	shalt  }
0x5d: {  	_ =	shalt  }
0x5e: {  	_ =	shalt  }
0x5f: {  	_ =	shalt  }
0x60: {  	_ =	shalt  }
0x61: {  	_ =	shalt  }
0x62: {  	_ =	shalt  }
0x63: {  	_ =	shalt  }
0x64: {  	_ =	shalt  }
0x65: {  	_ =	shalt  }
0x66: {  	_ =	shalt  }
0x67: {  	_ =	shalt  }
0x68: {  	_ =	shalt  }
0x69: {  	_ =	shalt  }
0x6a: {  	_ =	shalt  }
0x6b: {  	_ =	shalt  }
0x6c: {  	_ =	shalt  }
0x6d: {  	_ =	shalt  }
0x6e: {  	_ =	shalt  }
0x6f: {  	_ =	shalt  }
0x70: {  	_ =	shalt  }
0x71: {  	_ =	shalt  }
0x72: {  	_ =	shalt  }
0x73: {  	_ =	shalt  }
0x74: {  	_ =	shalt  }
0x75: {  	_ =	shalt  }
0x76: {  	_ =	shalt  }
0x77: {  	_ =	shalt  }
0x78: {  	_ =	shalt  }
0x79: {  	_ =	shalt  }
0x7a: {  	_ =	shalt  }
0x7b: {  	_ =	shalt  }
0x7c: {  	_ =	shalt  }
0x7d: {  	_ =	shalt  }
0x7e: {  	_ =	shalt  }
0x7f: {  	_ =	shalt  }
0x80: {  	_ =	shalt  }
0x81: {  	_ =	shalt  }
0x82: {  	_ =	shalt  }
0x83: {  	_ =	shalt  }
0x84: {  	_ =	shalt  }
0x85: {  	_ =	shalt  }
0x86: {  	_ =	shalt  }
0x87: {  	_ =	shalt  }
.Lfunc_end0:
.L_simem_size_0:
called_computation.1_lowered:
.L_overlay_start_0:
0x88: {  	s2 =	sld [smem:$0x3FD9]  }
0x89: {  	s3 =	sld [smem:$0x3FFE];
	_ =	sdelay $0x1  }
0x8a: {  	s1 =	srdreg.scid  }
0x8b: {  	s0 =	sand.u32 $0x1, s1  }
0x8c: {  	s17 =	sshll.u32 s0, $0xA;
	s2 =	sadd.s32 s3, s2  }
0x8d: {  	s2 =	sadd.s32 s2, s17  }
0x8e: {  	[smem:$0x3FBE] =	sst s2  }
0x8f: {  	_ = 	snop  }
0x90: {  	s2 =	sld [smem:$0x3FD0];
	(tm) =	ssettm $0x1  }
0x91: {  	s18 =	sld [smem:$0x3FFB];
	_ =	sdelay $0x3  }
0x92: {  	_ =	strace s18  }
0x93: {  	s3 =	sld [smem:$0x3FFC];
	_ =	sdelay $0x3  }
0x94: {  	_ =	strace s3  }
0x95: {  	s3 =	sld [smem:$0x3FFD];
	_ =	sdelay $0x3  }
0x96: {  	_ =	strace s3  }
0x97: {  	_ =	strace $0x8FFFFFFF  }
0x98: {  	s19 =	sld [smem:$0x3FDB];
	_ =	sdelay $0x1  }
0x99: {  	s4 =	simm.s32 $_scs_section_size  }
0x9a: {  	s5 =	simm.s32 $_size__tile_overlayer_lowered;
	s6 =	simm.s32 $_tile_overlayer_lowered  }
0x9b: {  	s22 =	simm.s32 $0x1BFF;
	s21 =	sshll.u32 s6, $0x1;
	s3 =	sadd.s32 s4, s19  }
0x9c: {  	s7 =	simm.s32 $0x0;
	s20 =	sshll.u32 s5, $0x1;
	s5 =	sadd.s32 s21, s3  }
0x9d: {  	[timem:s7], [sflag:s22] =	dma.local [hbm:s5], s20  }
0x9e: {  	_ =	swait.ge [sflag:s22], s20  }
0x9f: {  	s4 =	ssub.s32 $0x0, s20;
	[sflag:s22] =	ssyncset.done $0x0  }
0xa0: {  	[sflag:s22] =	ssyncadd.s32 s4;
	_ =	sdelay $0x1  }
0xa1: {  	s23 =	simm.s32 $0x1B8B  }
0xa2: {  	_ =	swait.ge [sflag:s23], $0x1  }
0xa3: {  	[sflag:s23] =	ssyncset.done $0x0  }
0xa4: {  	s25 =	simm.s32 $0x1B8E;
	s24 =	sld [smem:$0x3FFE];
	[sflag:s23] =	ssyncadd.s32 $0xFFFFFFFF  }
0xa5: {  	s26 =	simm.s32 $execute0_lowered;
	[smem:$0x3FD2] =	sst s25  }
0xa6: {  	s5 =	sshll.u32 s26, $0x1;
	_ =	strace $0x80000049;
	[dreg:$0x1] =	wrdreg $0xFFFFFFFF  }
0xa7: {  	s28 =	simm.s32 $_size_execute0_lowered;
	s3 =	sadd.s32 s3, s5;
	[dreg:$0x0] =	wrdreg $0x0  }
0xa8: {  	s5 =	sshll.u32 s28, $0x1;
	[dreg:$0x2] =	wrdreg s3  }
0xa9: {  	[dreg:$0x3] =	wrdreg s5  }
0xaa: {  	[dreg:$0x4] =	wrdreg $0xC0  }
0xab: {  	_ =	task [dreg:s7], $0x5FFFF  }
0xac: {  	[dreg:$0x1] =	wrdreg $0xFFFFFFFF  }
0xad: {  	[dreg:$0x0] =	wrdreg $0x60  }
0xae: {  	[dreg:$0x2] =	wrdreg s2  }
0xaf: {  	[dreg:$0x3] =	wrdreg s24  }
0xb0: {  	[dreg:$0x4] =	wrdreg $0xB3000  }
0xb1: {  	[dreg:$0x5] =	wrdreg $0x9  }
0xb2: {  	_ =	task.clear_ibuf [dreg:s7], $0x6FFFF;
	_ =	strace $0x90000049  }
0xb3: {  	s29 =	simm.s32 $0x9;
	_ =	strace $0x8000004B  }
0xb4: {  	_ =	swait.ge [sflag:s29], $0x1  }
0xb5: {  	[sflag:s29] =	ssyncadd.s32 $0xFFFFFFFF  }
0xb6: {  	_ =	strace $0x9000004B  }
0xb7: {  	_ =	sfence  }
0xb8: {  	s30 =	sld [smem:$0x0];
	_ =	sdelay $0x2  }
0xb9: {  	s31 =	sshll.u32 s1, $0xD;
	s1 =	sshrl.u32 s1, $0x2  }
0xba: {  	s3 =	sand.u32 $0x4000, s31;
	s1 =	sadd.s32 s1, s30  }
0xbb: {  	s0 =	sor.u32 s3, s0;
	s1 =	sshll.u32 s1, $0x11  }
0xbc: {  	s0 =	sor.u32 s1, s0  }
0xbd: {  	s0 =	sadd.s32 $0x8F2B, s0  }
0xbe: {  	[sflag:s0] =	ssyncadd.remote.s32 $0x1  }
0xbf: {  	_ =	sfence.sel $0xFFFF  }
0xc0: {  	[dreg:$0x0] =	wrdreg $0xFFFFFFFF;
	(pc) =	sbr.abs _section_cstart, $3  }
0xc1: {  	[dreg:$0x1] =	wrdreg $0xFFFFFFFF  }
0xc2: {  	_ =	task.clear_ibuf [dreg:s7], $0x2FFFF;
	_ =	strace $0x9FFFFFFF  }
0xc3: {  	(tm) =	ssettm $0x7FFFFFFF  }
tec
execute0_lowered:
.L_overlay_start_1:
0x0: {  	(tag) =	ssettag $0x1  }
0x1: {  	s1 =	rddreg [dreg:$0x0]  }
0x2: {  	s0 =	srdreg.scid;
	s2 =	rddreg [dreg:$0x1]  }
0x3: {  	s13 =	stileid.u32;
	s3 =	rddreg [dreg:$0x2];
	s4 =	simm.s32 $0x0  }
0x4: {  	s15 =	simm.s32 $0x1;
	s16 =	simm.s32 $0x2;
	s17 =	simm.s32 $0x28  }
0x5: {  	s18 =	simm.s32 $0x4F00;
	s19 =	simm.s32 $0x6300;
	s21 =	simm.s32 $0x7700  }
0x6: {  	s23 =	simm.s32 $0x8B00;
	s28 =	simm.s32 $0x3;
	s30 =	simm.s32 $0x4  }
0x7: {  	s20 =	simm.s32 $0x6;
	s22 =	simm.s32 $0x7;
	s5 =	smul.u32 $0x2710, s13  }
0x8: {  	s29 =	simm.s32 $0xA;
	s31 =	simm.s32 $0x0;
	s11 =	smul.u32 $0x4F000, s13  }
0x9: {  	s0 =	sand.u32 $0x1, s0;
	[smem:$0x7FF] =	sst s4;
	s25 =	smul.u32 $0x2780, s13  }
0xa: {  	s12 =	sadd.s32 $0x128400, s3;
	p0 =	seq.s32 s13, $0xF;
	s6 =	smul.u32 $0x27100, s0  }
0xb: {  	_ =	strace $0x8000004A;
	s9 =	ssub.s32 $0x2, s0;
	s0 =	smul.u32 $0x138800, s0  }
0xc: {  	s12 =	sshrl.u32 @p0 s12, $0x3;
	s10 =	sshrl.u32 s9, $0x1;
	s24 =	sshrl.u32 s11, $0x2  }
0xd: {  	s11 =	simm.s32 $0x2780;
	s7 =	sadd.s32 s5, s6;
	s5 =	sshrl.u32 s5, $0x3  }
0xe: {  	s10 =	ssub.s32 s9, s10;
	s14 =	sadd.s32 s24, s3;
	s0 =	sshrl.u32 s0, $0x3  }
0xf: {  	s6 =	sadd.s32 s25, s6;
	s25 =	simm.s32 $0x9F00;
	s24 =	simm.s32 $0x8  }
0x10: {  	s7 =	sshrl.u32 s7, $0x3;
	s8 =	sadd.s32 s5, s2;
	s5 =	sadd.s32 $0x7600, s2  }
0x11: {  	s10 =	smax.u32 s10, $0x1;
	s14 =	sshrl.u32 @!p0 s14, $0x3;
	s7 =	sadd.s32 s7, s2  }
0x12: {  	s2 =	sadd.s32 $0x61E00, s2;
	s26 =	sadd.s32 $0x2600, s8;
	s7 =	sadd.s32 $0x58000, s7  }
0x13: {  	[dreg:$0x5] =	wrdreg s26;
	s0 =	sadd.s32 s2, s0;
	s8 =	sadd.s32 s2, s6  }
0x14: {  	s2 =	simm.s32 $0x5;
	s9 =	sadd.s32 $0x25080, s0;
	s0 =	sshll.u32 @!p0 s13, $0x6  }
0x15: {  	s26 =	simm.s32 $0x9;
	[dreg:$0x4] =	wrdreg s7;
	s13 =	sor.u32 @!p0 $0x1C0B, s0  }
.LBB2_1:
0x16: {  	s0 =	rddreg [dreg:$0x4]  }
0x17: {  	[tilespmem:s4], [sflag:$0x1] =	stream.linear.gather [hbm4b:s0+s4], $0x2710, $0x38;
	[tilespmem:$0x1EB80] =	vst v63  }
0x18: {  	s7 =	rddreg [dreg:$0x5];
	s0 =	simm.s32 @p0 $0x1FCB  }
0x19: {  	[tilespmem:s11], [sflag:$0x2] =	stream.linear.gather [hbm4b:s7+s4], $0x2710, $0x38;
	[tilespmem:$0x1EB80] =	vst v63  }
0x1a: {  	[spmem:s12], [sflag:s0] =	dma.local @p0 [hbm:s5], $0x2080  }
0x1b: {  	s0 =	simm.s32 @p0 $0xB  }
0x1c: {  	_ =	swait.ge @p0 [sflag:s0], $0x2080  }
0x1d: {  	[sflag:s0] =	ssyncset.done @p0 $0x0  }
0x1e: {  	[sflag:s0] =	ssyncadd.s32 @p0 $0xFFFFDF80;
	s0 =	simm.s32 @!p0 $0xB  }
0x1f: {  	[spmem:s14], [sflag:s13] =	dma.local @!p0 [hbm:s5], $0x2780  }
0x20: {  	_ =	swait.ge @!p0 [sflag:s0], $0x2780  }
0x21: {  	[sflag:s0] =	ssyncset.done @!p0 $0x0  }
0x22: {  	[sflag:s0] =	ssyncadd.s32 @!p0 $0xFFFFD880  }
0x23: {  	_ =	swait.ge [sflag:s15], $0x2710  }
0x24: {  	[sflag:s15] =	ssyncset.done $0x0  }
0x25: {  	[sflag:s15] =	ssyncadd.s32 $0xFFFFD8F0  }
0x26: {  	_ =	swait.ge [sflag:s16], $0x2710  }
0x27: {  	[sflag:s16] =	ssyncset.done $0x0  }
0x28: {  	[sflag:s16] =	ssyncadd.s32 $0xFFFFD8F0  }
0x29: {  	[bflag:$0x0] =	sbarrier.arrive $0xFFFF  }
0x2a: {  	[tilespmem:s18], [sflag:$0x1] =	stream.indirect.gather [hbm4b:s1+s17], $0x80, s4, s17, $0xb8;
	[tilespmem:$0x1EB80] =	vst v63  }
0x2b: {  	_ = 	snop  }
0x2c: {  	[tilespmem:s19], [sflag:$0x2] =	stream.indirect.gather [hbm4b:s1+s17], $0x80, s17, s17, $0xb8;
	[tilespmem:$0x1EB80] =	vst v63  }
0x2d: {  	s6 =	simm.s32 $0x50  }
0x2e: {  	[tilespmem:s21], [sflag:$0x3] =	stream.indirect.gather [hbm4b:s1+s17], $0x80, s6, s17, $0xb8;
	[tilespmem:$0x1EB80] =	vst v63  }
0x2f: {  	s7 =	simm.s32 $0x78  }
0x30: {  	[tilespmem:s23], [sflag:$0x4] =	stream.indirect.gather [hbm4b:s1+s17], $0x80, s7, s17, $0xb8;
	[tilespmem:$0x1EB80] =	vst v63  }
0x31: {  	s6 =	simm.s32 $0xA0  }
0x32: {  	[tilespmem:s25], [sflag:$0x5] =	stream.indirect.gather [hbm4b:s1+s17], $0x80, s6, s17, $0xb8;
	[tilespmem:$0x1EB80] =	vst v63  }
0x33: {  	_ =	swait.ge [sflag:s15], $0x1400  }
0x34: {  	[sflag:s15] =	ssyncset.done $0x0  }
0x35: {  	[sflag:s15] =	ssyncadd.s32 $0xFFFFEC00  }
0x36: {  	[spmem:s3] =	stream.indirect.scatter.add.f32 [tilespmem:s18], [sflag:$0x6], $0x80, s11, s17, $0xb8;
	[tilespmem:$0x1EB80] =	vst v63  }
0x37: {  	_ =	swait.ge [sflag:s16], $0x1400  }
0x38: {  	[sflag:s16] =	ssyncset.done $0x0  }
0x39: {  	s7 =	simm.s32 $0x27A8;
	[sflag:s16] =	ssyncadd.s32 $0xFFFFEC00  }
0x3a: {  	[spmem:s3] =	stream.indirect.scatter.add.f32 [tilespmem:s19], [sflag:$0x7], $0x80, s7, s17, $0xb8;
	[tilespmem:$0x1EB80] =	vst v63  }
0x3b: {  	_ =	swait.ge [sflag:s28], $0x1400  }
0x3c: {  	[sflag:s28] =	ssyncset.done $0x0  }
0x3d: {  	s6 =	simm.s32 $0x27D0;
	[sflag:s28] =	ssyncadd.s32 $0xFFFFEC00  }
0x3e: {  	[spmem:s3] =	stream.indirect.scatter.add.f32 [tilespmem:s21], [sflag:$0x8], $0x80, s6, s17, $0xb8;
	[tilespmem:$0x1EB80] =	vst v63  }
0x3f: {  	_ =	swait.ge [sflag:s30], $0x1400  }
0x40: {  	[sflag:s30] =	ssyncset.done $0x0  }
0x41: {  	s7 =	simm.s32 $0x27F8;
	[sflag:s30] =	ssyncadd.s32 $0xFFFFEC00  }
0x42: {  	[spmem:s3] =	stream.indirect.scatter.add.f32 [tilespmem:s23], [sflag:$0x9], $0x80, s7, s17, $0xb8;
	[tilespmem:$0x1EB80] =	vst v63  }
0x43: {  	_ =	swait.ge [sflag:s2], $0x1400  }
0x44: {  	[sflag:s2] =	ssyncset.done $0x0  }
0x45: {  	s6 =	simm.s32 $0x2820;
	[sflag:s2] =	ssyncadd.s32 $0xFFFFEC00  }
0x46: {  	[spmem:s3] =	stream.indirect.scatter.add.f32 [tilespmem:s25], [sflag:$0xA], $0x80, s6, s17, $0xb8;
	[tilespmem:$0x1EB80] =	vst v63  }
0x47: {  	_ =	swait.ge [sflag:s20], $0x1400  }
0x48: {  	[sflag:s20] =	ssyncset.done $0x0  }
0x49: {  	s7 =	simm.s32 $0xC8;
	[sflag:s20] =	ssyncadd.s32 $0xFFFFEC00  }
0x4a: {  	[tilespmem:s18], [sflag:$0x1] =	stream.indirect.gather [hbm4b:s1+s17], $0x80, s7, s17, $0xb8;
	[tilespmem:$0x1EB80] =	vst v63  }
0x4b: {  	_ =	swait.ge [sflag:s22], $0x1400  }
0x4c: {  	[sflag:s22] =	ssyncset.done $0x0  }
0x4d: {  	s6 =	simm.s32 $0xF0;
	[sflag:s22] =	ssyncadd.s32 $0xFFFFEC00  }
0x4e: {  	[tilespmem:s19], [sflag:$0x2] =	stream.indirect.gather [hbm4b:s1+s17], $0x80, s6, s17, $0xb8;
	[tilespmem:$0x1EB80] =	vst v63  }
0x4f: {  	_ =	swait.ge [sflag:s24], $0x1400  }
0x50: {  	[sflag:s24] =	ssyncset.done $0x0  }
0x51: {  	s7 =	simm.s32 $0x118;
	[sflag:s24] =	ssyncadd.s32 $0xFFFFEC00  }
0x52: {  	[tilespmem:s21], [sflag:$0x3] =	stream.indirect.gather [hbm4b:s1+s17], $0x80, s7, s17, $0xb8;
	[tilespmem:$0x1EB80] =	vst v63  }
0x53: {  	_ =	swait.ge [sflag:s26], $0x1400  }
0x54: {  	[sflag:s26] =	ssyncset.done $0x0  }
0x55: {  	s6 =	simm.s32 $0x140;
	[sflag:s26] =	ssyncadd.s32 $0xFFFFEC00  }
0x56: {  	[tilespmem:s23], [sflag:$0x4] =	stream.indirect.gather [hbm4b:s1+s17], $0x80, s6, s17, $0xb8;
	[tilespmem:$0x1EB80] =	vst v63  }
0x57: {  	_ =	swait.ge [sflag:s29], $0x1400  }
0x58: {  	[sflag:s29] =	ssyncset.done $0x0  }
0x59: {  	s7 =	simm.s32 $0x168;
	[sflag:s29] =	ssyncadd.s32 $0xFFFFEC00  }
0x5a: {  	[tilespmem:s25], [sflag:$0x5] =	stream.indirect.gather [hbm4b:s1+s17], $0x80, s7, s17, $0xb8;
	[tilespmem:$0x1EB80] =	vst v63  }
0x5b: {  	_ =	swait.ge [sflag:s15], $0x1400  }
0x5c: {  	[sflag:s15] =	ssyncset.done $0x0  }
0x5d: {  	s6 =	simm.s32 $0x2848;
	[sflag:s15] =	ssyncadd.s32 $0xFFFFEC00  }
0x5e: {  	[spmem:s3] =	stream.indirect.scatter.add.f32 [tilespmem:s18], [sflag:$0x6], $0x80, s6, s17, $0xb8;
	[tilespmem:$0x1EB80] =	vst v63  }
0x5f: {  	_ =	swait.ge [sflag:s16], $0x1400  }
0x60: {  	[sflag:s16] =	ssyncset.done $0x0  }
0x61: {  	s7 =	simm.s32 $0x2870;
	[sflag:s16] =	ssyncadd.s32 $0xFFFFEC00  }
0x62: {  	[spmem:s3] =	stream.indirect.scatter.add.f32 [tilespmem:s19], [sflag:$0x7], $0x80, s7, s17, $0xb8;
	[tilespmem:$0x1EB80] =	vst v63  }
0x63: {  	_ =	swait.ge [sflag:s28], $0x1400  }
0x64: {  	[sflag:s28] =	ssyncset.done $0x0  }
0x65: {  	s6 =	simm.s32 $0x2898;
	[sflag:s28] =	ssyncadd.s32 $0xFFFFEC00  }
0x66: {  	[spmem:s3] =	stream.indirect.scatter.add.f32 [tilespmem:s21], [sflag:$0x8], $0x80, s6, s17, $0xb8;
	[tilespmem:$0x1EB80] =	vst v63  }
0x67: {  	_ =	swait.ge [sflag:s30], $0x1400  }
0x68: {  	[sflag:s30] =	ssyncset.done $0x0  }
0x69: {  	s7 =	simm.s32 $0x28C0;
	[sflag:s30] =	ssyncadd.s32 $0xFFFFEC00  }
0x6a: {  	[spmem:s3] =	stream.indirect.scatter.add.f32 [tilespmem:s23], [sflag:$0x9], $0x80, s7, s17, $0xb8;
	[tilespmem:$0x1EB80] =	vst v63  }
0x6b: {  	_ =	swait.ge [sflag:s2], $0x1400  }
0x6c: {  	[sflag:s2] =	ssyncset.done $0x0  }
0x6d: {  	s0 =	simm.s32 $0x320;
	s6 =	simm.s32 $0x28E8;
	[sflag:s2] =	ssyncadd.s32 $0xFFFFEC00  }
.LBB2_2:
0x6e: {  	[spmem:s3] =	stream.indirect.scatter.add.f32 [tilespmem:s25], [sflag:$0xA], $0x80, s6, s17, $0xb8;
	[tilespmem:$0x1EB80] =	vst v63  }
0x6f: {  	s6 =	smov.u32 s0  }
0x70: {  	p1 =	sne.s32 s0, $0x9600;
	s0 =	sadd.s32 $0x320, s0;
	_ =	swait.ge [sflag:s20], $0x1400  }
0x71: {  	s6 =	sshra.s32 s6, $0x2;
	[sflag:s20] =	ssyncset.done $0x0  }
0x72: {  	s7 =	sadd.s32 $0xC8, s6;
	[sflag:s20] =	ssyncadd.s32 $0xFFFFEC00  }
0x73: {  	[tilespmem:s18], [sflag:$0x1] =	stream.indirect.gather [hbm4b:s1+s17], $0x80, s7, s17, $0xb8;
	[tilespmem:$0x1EB80] =	vst v63  }
0x74: {  	_ =	swait.ge [sflag:s22], $0x1400  }
0x75: {  	[sflag:s22] =	ssyncset.done $0x0  }
0x76: {  	s7 =	sadd.s32 $0xF0, s6;
	[sflag:s22] =	ssyncadd.s32 $0xFFFFEC00  }
0x77: {  	[tilespmem:s19], [sflag:$0x2] =	stream.indirect.gather [hbm4b:s1+s17], $0x80, s7, s17, $0xb8;
	[tilespmem:$0x1EB80] =	vst v63  }
0x78: {  	_ =	swait.ge [sflag:s24], $0x1400  }
0x79: {  	[sflag:s24] =	ssyncset.done $0x0  }
0x7a: {  	s7 =	sadd.s32 $0x118, s6;
	[sflag:s24] =	ssyncadd.s32 $0xFFFFEC00  }
0x7b: {  	[tilespmem:s21], [sflag:$0x3] =	stream.indirect.gather [hbm4b:s1+s17], $0x80, s7, s17, $0xb8;
	[tilespmem:$0x1EB80] =	vst v63  }
0x7c: {  	_ =	swait.ge [sflag:s26], $0x1400  }
0x7d: {  	[sflag:s26] =	ssyncset.done $0x0  }
0x7e: {  	s7 =	sadd.s32 $0x140, s6;
	[sflag:s26] =	ssyncadd.s32 $0xFFFFEC00  }
0x7f: {  	[tilespmem:s23], [sflag:$0x4] =	stream.indirect.gather [hbm4b:s1+s17], $0x80, s7, s17, $0xb8;
	[tilespmem:$0x1EB80] =	vst v63  }
0x80: {  	_ =	swait.ge [sflag:s29], $0x1400  }
0x81: {  	[sflag:s29] =	ssyncset.done $0x0  }
0x82: {  	s7 =	sadd.s32 $0x168, s6;
	[sflag:s29] =	ssyncadd.s32 $0xFFFFEC00  }
0x83: {  	[tilespmem:s25], [sflag:$0x5] =	stream.indirect.gather [hbm4b:s1+s17], $0x80, s7, s17, $0xb8;
	[tilespmem:$0x1EB80] =	vst v63  }
0x84: {  	_ =	swait.ge [sflag:s15], $0x1400  }
0x85: {  	[sflag:s15] =	ssyncset.done $0x0  }
0x86: {  	s7 =	sadd.s32 $0x2848, s6;
	[sflag:s15] =	ssyncadd.s32 $0xFFFFEC00  }
0x87: {  	[spmem:s3] =	stream.indirect.scatter.add.f32 [tilespmem:s18], [sflag:$0x6], $0x80, s7, s17, $0xb8;
	[tilespmem:$0x1EB80] =	vst v63  }
0x88: {  	_ =	swait.ge [sflag:s16], $0x1400  }
0x89: {  	[sflag:s16] =	ssyncset.done $0x0  }
0x8a: {  	s7 =	sadd.s32 $0x2870, s6;
	[sflag:s16] =	ssyncadd.s32 $0xFFFFEC00  }
0x8b: {  	[spmem:s3] =	stream.indirect.scatter.add.f32 [tilespmem:s19], [sflag:$0x7], $0x80, s7, s17, $0xb8;
	[tilespmem:$0x1EB80] =	vst v63  }
0x8c: {  	_ =	swait.ge [sflag:s28], $0x1400  }
0x8d: {  	[sflag:s28] =	ssyncset.done $0x0  }
0x8e: {  	s7 =	sadd.s32 $0x2898, s6;
	[sflag:s28] =	ssyncadd.s32 $0xFFFFEC00  }
0x8f: {  	[spmem:s3] =	stream.indirect.scatter.add.f32 [tilespmem:s21], [sflag:$0x8], $0x80, s7, s17, $0xb8;
	[tilespmem:$0x1EB80] =	vst v63  }
0x90: {  	_ =	swait.ge [sflag:s30], $0x1400  }
0x91: {  	[sflag:s30] =	ssyncset.done $0x0  }
.Ltmp0:
0x92: {  	s7 =	sadd.s32 $0x28C0, s6;
	[sflag:s30] =	ssyncadd.s32 $0xFFFFEC00;
	(pc) =	sbr.rel @p1 .LBB2_2-.Ltmp0, $4  }
0x93: {  	[spmem:s3] =	stream.indirect.scatter.add.f32 [tilespmem:s23], [sflag:$0x9], $0x80, s7, s17, $0xb8;
	[tilespmem:$0x1EB80] =	vst v63  }
0x94: {  	_ =	swait.ge [sflag:s2], $0x1400  }
0x95: {  	[sflag:s2] =	ssyncset.done $0x0  }
0x96: {  	s6 =	sadd.s32 $0x28E8, s6;
	[sflag:s2] =	ssyncadd.s32 $0xFFFFEC00  }
0x97: {  	[spmem:s3] =	stream.indirect.scatter.add.f32 [tilespmem:s25], [sflag:$0xA], $0x80, s6, s17, $0xb8;
	[tilespmem:$0x1EB80] =	vst v63  }
0x98: {  	_ =	swait.ge [sflag:s20], $0x1400  }
0x99: {  	[sflag:s20] =	ssyncset.done $0x0  }
0x9a: {  	[sflag:s20] =	ssyncadd.s32 $0xFFFFEC00  }
0x9b: {  	_ =	swait.ge [sflag:s22], $0x1400  }
0x9c: {  	[sflag:s22] =	ssyncset.done $0x0  }
0x9d: {  	[sflag:s22] =	ssyncadd.s32 $0xFFFFEC00  }
0x9e: {  	_ =	swait.ge [sflag:s24], $0x1400  }
0x9f: {  	[sflag:s24] =	ssyncset.done $0x0  }
0xa0: {  	[sflag:s24] =	ssyncadd.s32 $0xFFFFEC00  }
0xa1: {  	_ =	swait.ge [sflag:s26], $0x1400  }
0xa2: {  	[sflag:s26] =	ssyncset.done $0x0  }
0xa3: {  	[sflag:s26] =	ssyncadd.s32 $0xFFFFEC00  }
0xa4: {  	_ =	swait.ge [sflag:s29], $0x1400  }
0xa5: {  	[sflag:s29] =	ssyncset.done $0x0  }
0xa6: {  	[sflag:s29] =	ssyncadd.s32 $0xFFFFEC00  }
0xa7: {  	s0 =	simm.s32 @p0 $0x1FCB;
	[bflag:$0x0] =	sbarrier.arrive $0xFFFF  }
0xa8: {  	[hbm:s9], [sflag:s0] =	dma.local @p0 [spmem:s12], $0x2080  }
0xa9: {  	s0 =	simm.s32 @p0 $0xB  }
0xaa: {  	s31 =	sadd.s32 $0x1, s31;
	_ =	swait.ge @p0 [sflag:s0], $0x2080  }
0xab: {  	p1 =	sne.s32 s31, s10;
	[sflag:s0] =	ssyncset.done @p0 $0x0  }
.Ltmp1:
0xac: {  	[sflag:s0] =	ssyncadd.s32 @p0 $0xFFFFDF80;
	s0 =	simm.s32 @!p0 $0xB;
	(pc) =	sbr.rel @p1 .LBB2_1-.Ltmp1, $4  }
0xad: {  	[hbm:s8], [sflag:s13] =	dma.local @!p0 [spmem:s14], $0x2780  }
0xae: {  	_ =	swait.ge @!p0 [sflag:s0], $0x2780  }
0xaf: {  	[sflag:s0] =	ssyncset.done @!p0 $0x0  }
0xb0: {  	[sflag:s0] =	ssyncadd.s32 @!p0 $0xFFFFD880  }
0xb1: {  	_ =	sfence.sel $0x180000  }
0xb2: {  	[bflag:$0x0] =	sbarrier.arrive $0xFFFF  }
0xb3: {  	_ =	strace $0x9000004A  }
0xb4: {  	s0 =	stileid.u32;
	[bflag:$0x2] =	sbarrier.arrive $0xFFFF  }
0xb5: {  	p0 =	sne.s32 s0, $0x0;
	s0 =	rddreg [dreg:$0x3]  }
0xb6: {  	s0 =	sadd.s32 @!p0 $0x100000, s0  }
0xb7: {  	[sflag:s0] =	ssyncadd.tile.s32 @!p0 $0x1;
	_ =	shalt  }
.Lfunc_end2:
_tile_overlayer_lowered:
.L_overlay_start_2:
0xb8: {  	(tag) =	ssettag $0x2  }
0xb9: {  	s0 =	rddreg [dreg:$0x0];
	s2 =	stileid.u32  }
0xba: {  	s1 =	rddreg [dreg:$0x1];
	p0 =	sne.s32 s2, $0x0  }
0xbb: {  	s3 =	rddreg [dreg:$0x2];
	[bflag:$0x3] =	sbarrier.arrive $0xFFFF;
	s2 =	simm.s32 @!p0 $0x1C0B  }
0xbc: {  	[timem:s3], [sflag:s2] =	dma.local @!p0 [hbm:s0], s1  }
0xbd: {  	s0 =	simm.s32 @!p0 $0xB  }
0xbe: {  	_ =	swait.ge @!p0 [sflag:s0], s1  }
0xbf: {  	s1 =	ssub.s32 @!p0 $0x0, s1;
	[sflag:s0] =	ssyncset.done @!p0 $0x0  }
0xc0: {  	[sflag:s0] =	ssyncadd.s32 @!p0 s1  }
0xc1: {  	[bflag:$0x3] =	sbarrier.arrive $0xFFFF  }
0xc2: {  	_ =	shalt  }

// kernel: kernel.14.cloned.1.call-start
scs
__scs_entry_jumppad:
0x0: {  	(pc) =	sbr.rel $0x88, $3  }
0x1: {  	(tag) =	ssettag $0x0;
	lr =	simm.s32 $0x1  }
0x2: {  	[smem:$0x3F97] =	sst lr;
	_ =	strace $0xD0000000  }
0x3: {  	_ = 	snop  }
0x4: {  	_ = 	snop  }
0x5: {  	_ = 	snop  }
0x6: {  	_ = 	snop  }
0x7: {  	_ = 	snop  }
__scs_overlays_trampoline_lowered:
0x8: {  	[smem:$0x3FA6] =	sst s0  }
0x9: {  	[smem:$0x3FA7] =	sst s1  }
0xa: {  	[smem:$0x3FA8] =	sst s2  }
0xb: {  	[smem:$0x3FA9] =	sst s3  }
0xc: {  	[smem:$0x3FAA] =	sst s4  }
0xd: {  	[smem:$0x3FAB] =	sst s5  }
0xe: {  	[smem:$0x3FAC] =	sst s6  }
0xf: {  	[smem:$0x3FAD] =	sst s7  }
0x10: {  	[smem:$0x3FAE] =	sst s8  }
0x11: {  	[smem:$0x3FAF] =	sst s9;
	s0 =	simm.s32 @!p0 $0x0  }
0x12: {  	s1 =	sld [smem:$0x3F95];
	s0 =	simm.s32 @p0 $0x1  }
0x13: {  	[smem:$0x3FB0] =	sst s0;
	s0 =	simm.s32 @!p1 $0x0  }
0x14: {  	s2 =	sld [smem:$0x3F94];
	s0 =	simm.s32 @p1 $0x1  }
0x15: {  	[smem:$0x3FB1] =	sst s0;
	s0 =	simm.s32 @!p2 $0x0  }
0x16: {  	s3 =	sld [smem:$0x3FDB];
	s0 =	simm.s32 @p2 $0x1  }
0x17: {  	s4 =	simm.s32 $0x1BF5;
	[smem:$0x3FB3] =	sst s0  }
0x18: {  	s0 =	sld [smem:$0x3F96];
	_ =	swait.ge [sflag:s4], $0x0  }
0x19: {  	s7 =	sld [smem:$0x3F97]  }
0x1a: {  	s8 =	sadd.s32 $0xFFFFE003, lr  }
0x1b: {  	s9 =	sadd.s32 $0xFFFFFEF7, lr;
	s5 =	simm.s32 $0xFFFFFFFF;
	p2 =	slt.u32 s8, $0xFFFFF086  }
0x1c: {  	p1 =	slt.u32 s9, $0xF7A;
	s5 =	simm.s32 @!p2 $0x0  }
0x1d: {  	s5 =	simm.s32 @p1 $0x1;
	p0 =	seq.s32 s7, s2  }
0x1e: {  	s7 =	smul.u32 @!p0 $0xF7A, s2;
	p2 =	seq.s32 @!p0 s5, $0x0  }
0x1f: {  	s9 =	smul.u32 $0xF7A, s1;
	s8 =	simm.s32 @!p0 $0x1BF5;
	p2 =	por !p2, p0  }
0x20: {  	[sflag:s8] =	ssyncset.s32 @!p0 $0xFFFFF086;
	s6 =	sadd.s32 @!p0 s3, s7;
	s7 =	simm.s32 @!p0 $0x108  }
0x21: {  	s3 =	sadd.s32 s3, s9;
	s6 =	sadd.s32 @!p0 $0x88, s6;
	s7 =	simm.s32 @p2 $0x1082  }
0x22: {  	[simem:s7], [sflag:s8] =	dma.local @!p0 [hbm:s6], $0xF7A  }
0x23: {  	s9 =	sor.u32 $0xD0000000, s2;
	s6 =	simm.s32 $0x108;
	_ =	swait.ge @!p0 [sflag:s8], $0x0  }
0x24: {  	s3 =	sadd.s32 $0x88, s3;
	s6 =	simm.s32 @!p1 $0x1082;
	[sflag:s4] =	ssyncset.s32 $0xFFFFF086  }
0x25: {  	[simem:s6], [sflag:s4] =	dma.local [hbm:s3], $0xF7A  }
0x26: {  	[smem:$0x3F97] =	sst s1;
	(tag) =	ssettag s2;
	_ =	strace s9  }
0x27: {  	s1 =	sld [smem:$0x3FA7]  }
0x28: {  	s2 =	sld [smem:$0x3FA8]  }
0x29: {  	s4 =	sld [smem:$0x3FAA]  }
0x2a: {  	p0 =	seq.s32 s5, $0x0;
	s5 =	sld [smem:$0x3FAB]  }
0x2b: {  	s6 =	sld [smem:$0x3FAC]  }
0x2c: {  	s7 =	sld [smem:$0x3FAD]  }
0x2d: {  	s3 =	simm.s32 $0x108;
	s8 =	sld [smem:$0x3FAE]  }
0x2e: {  	s3 =	simm.s32 @!p0 $0x1082;
	s9 =	sld [smem:$0x3FAF]  }
0x2f: {  	lr =	sadd.s32 s0, s3;
	s0 =	sld [smem:$0x3FA6]  }
0x30: {  	s3 =	sld [smem:$0x3FA9]  }
0x31: {  	[smem:$0x3FB2] =	sst s10  }
0x32: {  	s10 =	sld [smem:$0x3FB0];
	_ =	sdelay $0x3  }
0x33: {  	p0 =	seq.s32 s10, $0x1;
	s10 =	sld [smem:$0x3FB2];
	_ =	sdelay $0x3  }
0x34: {  	[smem:$0x3FB2] =	sst s10  }
0x35: {  	s10 =	sld [smem:$0x3FB1];
	_ =	sdelay $0x3  }
0x36: {  	p1 =	seq.s32 s10, $0x1;
	s10 =	sld [smem:$0x3FB2];
	_ =	sdelay $0x3  }
0x37: {  	[smem:$0x3FB2] =	sst s10  }
0x38: {  	s10 =	sld [smem:$0x3FB3]  }
0x39: {  	_ = 	snop;
	(pc) =	sbr.ind lr, $3  }
0x3a: {  	_ = 	snop  }
0x3b: {  	_ = 	snop  }
0x3c: {  	p2 =	seq.s32 s10, $0x1;
	s10 =	sld [smem:$0x3FB2]  }
0x3d: {  	_ =	shalt  }
0x3e: {  	_ =	shalt  }
0x3f: {  	_ =	shalt  }
0x40: {  	_ =	shalt  }
0x41: {  	_ =	shalt  }
0x42: {  	_ =	shalt  }
0x43: {  	_ =	shalt  }
0x44: {  	_ =	shalt  }
0x45: {  	_ =	shalt  }
0x46: {  	_ =	shalt  }
0x47: {  	_ =	shalt  }
0x48: {  	_ =	shalt  }
0x49: {  	_ =	shalt  }
0x4a: {  	_ =	shalt  }
0x4b: {  	_ =	shalt  }
0x4c: {  	_ =	shalt  }
0x4d: {  	_ =	shalt  }
0x4e: {  	_ =	shalt  }
0x4f: {  	_ =	shalt  }
0x50: {  	_ =	shalt  }
0x51: {  	_ =	shalt  }
0x52: {  	_ =	shalt  }
0x53: {  	_ =	shalt  }
0x54: {  	_ =	shalt  }
0x55: {  	_ =	shalt  }
0x56: {  	_ =	shalt  }
0x57: {  	_ =	shalt  }
0x58: {  	_ =	shalt  }
0x59: {  	_ =	shalt  }
0x5a: {  	_ =	shalt  }
0x5b: {  	_ =	shalt  }
0x5c: {  	_ =	shalt  }
0x5d: {  	_ =	shalt  }
0x5e: {  	_ =	shalt  }
0x5f: {  	_ =	shalt  }
0x60: {  	_ =	shalt  }
0x61: {  	_ =	shalt  }
0x62: {  	_ =	shalt  }
0x63: {  	_ =	shalt  }
0x64: {  	_ =	shalt  }
0x65: {  	_ =	shalt  }
0x66: {  	_ =	shalt  }
0x67: {  	_ =	shalt  }
0x68: {  	_ =	shalt  }
0x69: {  	_ =	shalt  }
0x6a: {  	_ =	shalt  }
0x6b: {  	_ =	shalt  }
0x6c: {  	_ =	shalt  }
0x6d: {  	_ =	shalt  }
0x6e: {  	_ =	shalt  }
0x6f: {  	_ =	shalt  }
0x70: {  	_ =	shalt  }
0x71: {  	_ =	shalt  }
0x72: {  	_ =	shalt  }
0x73: {  	_ =	shalt  }
0x74: {  	_ =	shalt  }
0x75: {  	_ =	shalt  }
0x76: {  	_ =	shalt  }
0x77: {  	_ =	shalt  }
0x78: {  	_ =	shalt  }
0x79: {  	_ =	shalt  }
0x7a: {  	_ =	shalt  }
0x7b: {  	_ =	shalt  }
0x7c: {  	_ =	shalt  }
0x7d: {  	_ =	shalt  }
0x7e: {  	_ =	shalt  }
0x7f: {  	_ =	shalt  }
0x80: {  	_ =	shalt  }
0x81: {  	_ =	shalt  }
0x82: {  	_ =	shalt  }
0x83: {  	_ =	shalt  }
0x84: {  	_ =	shalt  }
0x85: {  	_ =	shalt  }
0x86: {  	_ =	shalt  }
0x87: {  	_ =	shalt  }
.Lfunc_end0:
.L_simem_size_0:
called_computation.2_lowered:
.L_overlay_start_0:
0x88: {  	s2 =	sld [smem:$0x3FD9]  }
0x89: {  	s3 =	sld [smem:$0x3FFE];
	_ =	sdelay $0x1  }
0x8a: {  	s1 =	srdreg.scid  }
0x8b: {  	s0 =	sand.u32 $0x1, s1  }
0x8c: {  	s17 =	sshll.u32 s0, $0xA;
	s2 =	sadd.s32 s3, s2  }
0x8d: {  	s2 =	sadd.s32 s2, s17  }
0x8e: {  	[smem:$0x3FBE] =	sst s2  }
0x8f: {  	_ = 	snop  }
0x90: {  	s2 =	sld [smem:$0x3FD0];
	(tm) =	ssettm $0x1  }
0x91: {  	s18 =	sld [smem:$0x3FFB];
	_ =	sdelay $0x3  }
0x92: {  	_ =	strace s18  }
0x93: {  	s3 =	sld [smem:$0x3FFC];
	_ =	sdelay $0x3  }
0x94: {  	_ =	strace s3  }
0x95: {  	s3 =	sld [smem:$0x3FFD];
	_ =	sdelay $0x3  }
0x96: {  	_ =	strace s3  }
0x97: {  	_ =	strace $0x8FFFFFFF  }
0x98: {  	s19 =	sld [smem:$0x3FDB];
	_ =	sdelay $0x1  }
0x99: {  	s4 =	simm.s32 $_scs_section_size  }
0x9a: {  	s5 =	simm.s32 $_size__tile_overlayer_lowered;
	s6 =	simm.s32 $_tile_overlayer_lowered  }
0x9b: {  	s22 =	simm.s32 $0x1BFF;
	s21 =	sshll.u32 s6, $0x1;
	s3 =	sadd.s32 s4, s19  }
0x9c: {  	s7 =	simm.s32 $0x0;
	s20 =	sshll.u32 s5, $0x1;
	s5 =	sadd.s32 s21, s3  }
0x9d: {  	[timem:s7], [sflag:s22] =	dma.local [hbm:s5], s20  }
0x9e: {  	_ =	swait.ge [sflag:s22], s20  }
0x9f: {  	s4 =	ssub.s32 $0x0, s20;
	[sflag:s22] =	ssyncset.done $0x0  }
0xa0: {  	[sflag:s22] =	ssyncadd.s32 s4;
	_ =	sdelay $0x1  }
0xa1: {  	s23 =	simm.s32 $0x1B8B  }
0xa2: {  	_ =	swait.ge [sflag:s23], $0x1  }
0xa3: {  	[sflag:s23] =	ssyncset.done $0x0  }
0xa4: {  	s25 =	simm.s32 $0x1B8E;
	s24 =	sld [smem:$0x3FFE];
	[sflag:s23] =	ssyncadd.s32 $0xFFFFFFFF  }
0xa5: {  	s26 =	simm.s32 $execute0_lowered;
	[smem:$0x3FD2] =	sst s25  }
0xa6: {  	s5 =	sshll.u32 s26, $0x1;
	_ =	strace $0x8000004C;
	[dreg:$0x1] =	wrdreg $0xFFFFFFFF  }
0xa7: {  	s28 =	simm.s32 $_size_execute0_lowered;
	s3 =	sadd.s32 s3, s5;
	[dreg:$0x0] =	wrdreg $0x0  }
0xa8: {  	s5 =	sshll.u32 s28, $0x1;
	[dreg:$0x2] =	wrdreg s3  }
0xa9: {  	[dreg:$0x3] =	wrdreg s5  }
0xaa: {  	[dreg:$0x4] =	wrdreg $0xC0  }
0xab: {  	_ =	task [dreg:s7], $0x5FFFF  }
0xac: {  	[dreg:$0x1] =	wrdreg $0xFFFFFFFF  }
0xad: {  	[dreg:$0x0] =	wrdreg $0x60  }
0xae: {  	[dreg:$0x2] =	wrdreg s2  }
0xaf: {  	[dreg:$0x3] =	wrdreg s24  }
0xb0: {  	[dreg:$0x4] =	wrdreg $0xB3000  }
0xb1: {  	[dreg:$0x5] =	wrdreg $0x9  }
0xb2: {  	_ =	task.clear_ibuf [dreg:s7], $0x6FFFF;
	_ =	strace $0x9000004C  }
0xb3: {  	s29 =	simm.s32 $0x9;
	_ =	strace $0x8000004E  }
0xb4: {  	_ =	swait.ge [sflag:s29], $0x1  }
0xb5: {  	[sflag:s29] =	ssyncadd.s32 $0xFFFFFFFF  }
0xb6: {  	_ =	strace $0x9000004E  }
0xb7: {  	_ =	sfence  }
0xb8: {  	s30 =	sld [smem:$0x0];
	_ =	sdelay $0x2  }
0xb9: {  	s31 =	sshll.u32 s1, $0xD;
	s1 =	sshrl.u32 s1, $0x2  }
0xba: {  	s3 =	sand.u32 $0x4000, s31;
	s1 =	sadd.s32 s1, s30  }
0xbb: {  	s0 =	sor.u32 s3, s0;
	s1 =	sshll.u32 s1, $0x11  }
0xbc: {  	s0 =	sor.u32 s1, s0  }
0xbd: {  	s0 =	sadd.s32 $0x8F2B, s0  }
0xbe: {  	[sflag:s0] =	ssyncadd.remote.s32 $0x1  }
0xbf: {  	_ =	sfence.sel $0xFFFF  }
0xc0: {  	[dreg:$0x0] =	wrdreg $0xFFFFFFFF;
	(pc) =	sbr.abs _section_cstart, $3  }
0xc1: {  	[dreg:$0x1] =	wrdreg $0xFFFFFFFF  }
0xc2: {  	_ =	task.clear_ibuf [dreg:s7], $0x2FFFF;
	_ =	strace $0x9FFFFFFF  }
0xc3: {  	(tm) =	ssettm $0x7FFFFFFF  }
tec
execute0_lowered:
.L_overlay_start_1:
0x0: {  	(tag) =	ssettag $0x1  }
0x1: {  	s1 =	rddreg [dreg:$0x0]  }
0x2: {  	s0 =	srdreg.scid;
	s2 =	rddreg [dreg:$0x1]  }
0x3: {  	s13 =	stileid.u32;
	s3 =	rddreg [dreg:$0x2];
	s4 =	simm.s32 $0x0  }
0x4: {  	s15 =	simm.s32 $0x1;
	s16 =	simm.s32 $0x2;
	s17 =	simm.s32 $0x28  }
0x5: {  	s18 =	simm.s32 $0x4F00;
	s19 =	simm.s32 $0x6300;
	s21 =	simm.s32 $0x7700  }
0x6: {  	s23 =	simm.s32 $0x8B00;
	s28 =	simm.s32 $0x3;
	s30 =	simm.s32 $0x4  }
0x7: {  	s20 =	simm.s32 $0x6;
	s22 =	simm.s32 $0x7;
	s5 =	smul.u32 $0x2710, s13  }
0x8: {  	s29 =	simm.s32 $0xA;
	s31 =	simm.s32 $0x0;
	s11 =	smul.u32 $0x4F000, s13  }
0x9: {  	s0 =	sand.u32 $0x1, s0;
	[smem:$0x7FF] =	sst s4;
	s25 =	smul.u32 $0x2780, s13  }
0xa: {  	s12 =	sadd.s32 $0x128400, s3;
	p0 =	seq.s32 s13, $0xF;
	s6 =	smul.u32 $0x27100, s0  }
0xb: {  	_ =	strace $0x8000004D;
	s9 =	ssub.s32 $0x2, s0;
	s0 =	smul.u32 $0x138800, s0  }
0xc: {  	s12 =	sshrl.u32 @p0 s12, $0x3;
	s10 =	sshrl.u32 s9, $0x1;
	s24 =	sshrl.u32 s11, $0x2  }
0xd: {  	s11 =	simm.s32 $0x2780;
	s7 =	sadd.s32 s5, s6;
	s5 =	sshrl.u32 s5, $0x3  }
0xe: {  	s10 =	ssub.s32 s9, s10;
	s14 =	sadd.s32 s24, s3;
	s0 =	sshrl.u32 s0, $0x3  }
0xf: {  	s6 =	sadd.s32 s25, s6;
	s25 =	simm.s32 $0x9F00;
	s24 =	simm.s32 $0x8  }
0x10: {  	s7 =	sshrl.u32 s7, $0x3;
	s8 =	sadd.s32 s5, s2;
	s5 =	sadd.s32 $0x7600, s2  }
0x11: {  	s10 =	smax.u32 s10, $0x1;
	s14 =	sshrl.u32 @!p0 s14, $0x3;
	s7 =	sadd.s32 s7, s2  }
0x12: {  	s2 =	sadd.s32 $0x61E00, s2;
	s26 =	sadd.s32 $0x2600, s8;
	s7 =	sadd.s32 $0x58000, s7  }
0x13: {  	[dreg:$0x5] =	wrdreg s26;
	s0 =	sadd.s32 s2, s0;
	s8 =	sadd.s32 s2, s6  }
0x14: {  	s2 =	simm.s32 $0x5;
	s9 =	sadd.s32 $0x25080, s0;
	s0 =	sshll.u32 @!p0 s13, $0x6  }
0x15: {  	s26 =	simm.s32 $0x9;
	[dreg:$0x4] =	wrdreg s7;
	s13 =	sor.u32 @!p0 $0x1C0B, s0  }
.LBB2_1:
0x16: {  	s0 =	rddreg [dreg:$0x4]  }
0x17: {  	[tilespmem:s4], [sflag:$0x1] =	stream.linear.gather [hbm4b:s0+s4], $0x2710, $0x38;
	[tilespmem:$0x1EB80] =	vst v63  }
0x18: {  	s7 =	rddreg [dreg:$0x5];
	s0 =	simm.s32 @p0 $0x1FCB  }
0x19: {  	[tilespmem:s11], [sflag:$0x2] =	stream.linear.gather [hbm4b:s7+s4], $0x2710, $0x38;
	[tilespmem:$0x1EB80] =	vst v63  }
0x1a: {  	[spmem:s12], [sflag:s0] =	dma.local @p0 [hbm:s5], $0x2080  }
0x1b: {  	s0 =	simm.s32 @p0 $0xB  }
0x1c: {  	_ =	swait.ge @p0 [sflag:s0], $0x2080  }
0x1d: {  	[sflag:s0] =	ssyncset.done @p0 $0x0  }
0x1e: {  	[sflag:s0] =	ssyncadd.s32 @p0 $0xFFFFDF80;
	s0 =	simm.s32 @!p0 $0xB  }
0x1f: {  	[spmem:s14], [sflag:s13] =	dma.local @!p0 [hbm:s5], $0x2780  }
0x20: {  	_ =	swait.ge @!p0 [sflag:s0], $0x2780  }
0x21: {  	[sflag:s0] =	ssyncset.done @!p0 $0x0  }
0x22: {  	[sflag:s0] =	ssyncadd.s32 @!p0 $0xFFFFD880  }
0x23: {  	_ =	swait.ge [sflag:s15], $0x2710  }
0x24: {  	[sflag:s15] =	ssyncset.done $0x0  }
0x25: {  	[sflag:s15] =	ssyncadd.s32 $0xFFFFD8F0  }
0x26: {  	_ =	swait.ge [sflag:s16], $0x2710  }
0x27: {  	[sflag:s16] =	ssyncset.done $0x0  }
0x28: {  	[sflag:s16] =	ssyncadd.s32 $0xFFFFD8F0  }
0x29: {  	[bflag:$0x0] =	sbarrier.arrive $0xFFFF  }
0x2a: {  	[tilespmem:s18], [sflag:$0x1] =	stream.indirect.gather [hbm4b:s1+s17], $0x80, s4, s17, $0xb8;
	[tilespmem:$0x1EB80] =	vst v63  }
0x2b: {  	_ = 	snop  }
0x2c: {  	[tilespmem:s19], [sflag:$0x2] =	stream.indirect.gather [hbm4b:s1+s17], $0x80, s17, s17, $0xb8;
	[tilespmem:$0x1EB80] =	vst v63  }
0x2d: {  	s6 =	simm.s32 $0x50  }
0x2e: {  	[tilespmem:s21], [sflag:$0x3] =	stream.indirect.gather [hbm4b:s1+s17], $0x80, s6, s17, $0xb8;
	[tilespmem:$0x1EB80] =	vst v63  }
0x2f: {  	s7 =	simm.s32 $0x78  }
0x30: {  	[tilespmem:s23], [sflag:$0x4] =	stream.indirect.gather [hbm4b:s1+s17], $0x80, s7, s17, $0xb8;
	[tilespmem:$0x1EB80] =	vst v63  }
0x31: {  	s6 =	simm.s32 $0xA0  }
0x32: {  	[tilespmem:s25], [sflag:$0x5] =	stream.indirect.gather [hbm4b:s1+s17], $0x80, s6, s17, $0xb8;
	[tilespmem:$0x1EB80] =	vst v63  }
0x33: {  	_ =	swait.ge [sflag:s15], $0x1400  }
0x34: {  	[sflag:s15] =	ssyncset.done $0x0  }
0x35: {  	[sflag:s15] =	ssyncadd.s32 $0xFFFFEC00  }
0x36: {  	[spmem:s3] =	stream.indirect.scatter.add.f32 [tilespmem:s18], [sflag:$0x6], $0x80, s11, s17, $0xb8;
	[tilespmem:$0x1EB80] =	vst v63  }
0x37: {  	_ =	swait.ge [sflag:s16], $0x1400  }
0x38: {  	[sflag:s16] =	ssyncset.done $0x0  }
0x39: {  	s7 =	simm.s32 $0x27A8;
	[sflag:s16] =	ssyncadd.s32 $0xFFFFEC00  }
0x3a: {  	[spmem:s3] =	stream.indirect.scatter.add.f32 [tilespmem:s19], [sflag:$0x7], $0x80, s7, s17, $0xb8;
	[tilespmem:$0x1EB80] =	vst v63  }
0x3b: {  	_ =	swait.ge [sflag:s28], $0x1400  }
0x3c: {  	[sflag:s28] =	ssyncset.done $0x0  }
0x3d: {  	s6 =	simm.s32 $0x27D0;
	[sflag:s28] =	ssyncadd.s32 $0xFFFFEC00  }
0x3e: {  	[spmem:s3] =	stream.indirect.scatter.add.f32 [tilespmem:s21], [sflag:$0x8], $0x80, s6, s17, $0xb8;
	[tilespmem:$0x1EB80] =	vst v63  }
0x3f: {  	_ =	swait.ge [sflag:s30], $0x1400  }
0x40: {  	[sflag:s30] =	ssyncset.done $0x0  }
0x41: {  	s7 =	simm.s32 $0x27F8;
	[sflag:s30] =	ssyncadd.s32 $0xFFFFEC00  }
0x42: {  	[spmem:s3] =	stream.indirect.scatter.add.f32 [tilespmem:s23], [sflag:$0x9], $0x80, s7, s17, $0xb8;
	[tilespmem:$0x1EB80] =	vst v63  }
0x43: {  	_ =	swait.ge [sflag:s2], $0x1400  }
0x44: {  	[sflag:s2] =	ssyncset.done $0x0  }
0x45: {  	s6 =	simm.s32 $0x2820;
	[sflag:s2] =	ssyncadd.s32 $0xFFFFEC00  }
0x46: {  	[spmem:s3] =	stream.indirect.scatter.add.f32 [tilespmem:s25], [sflag:$0xA], $0x80, s6, s17, $0xb8;
	[tilespmem:$0x1EB80] =	vst v63  }
0x47: {  	_ =	swait.ge [sflag:s20], $0x1400  }
0x48: {  	[sflag:s20] =	ssyncset.done $0x0  }
0x49: {  	s7 =	simm.s32 $0xC8;
	[sflag:s20] =	ssyncadd.s32 $0xFFFFEC00  }
0x4a: {  	[tilespmem:s18], [sflag:$0x1] =	stream.indirect.gather [hbm4b:s1+s17], $0x80, s7, s17, $0xb8;
	[tilespmem:$0x1EB80] =	vst v63  }
0x4b: {  	_ =	swait.ge [sflag:s22], $0x1400  }
0x4c: {  	[sflag:s22] =	ssyncset.done $0x0  }
0x4d: {  	s6 =	simm.s32 $0xF0;
	[sflag:s22] =	ssyncadd.s32 $0xFFFFEC00  }
0x4e: {  	[tilespmem:s19], [sflag:$0x2] =	stream.indirect.gather [hbm4b:s1+s17], $0x80, s6, s17, $0xb8;
	[tilespmem:$0x1EB80] =	vst v63  }
0x4f: {  	_ =	swait.ge [sflag:s24], $0x1400  }
0x50: {  	[sflag:s24] =	ssyncset.done $0x0  }
0x51: {  	s7 =	simm.s32 $0x118;
	[sflag:s24] =	ssyncadd.s32 $0xFFFFEC00  }
0x52: {  	[tilespmem:s21], [sflag:$0x3] =	stream.indirect.gather [hbm4b:s1+s17], $0x80, s7, s17, $0xb8;
	[tilespmem:$0x1EB80] =	vst v63  }
0x53: {  	_ =	swait.ge [sflag:s26], $0x1400  }
0x54: {  	[sflag:s26] =	ssyncset.done $0x0  }
0x55: {  	s6 =	simm.s32 $0x140;
	[sflag:s26] =	ssyncadd.s32 $0xFFFFEC00  }
0x56: {  	[tilespmem:s23], [sflag:$0x4] =	stream.indirect.gather [hbm4b:s1+s17], $0x80, s6, s17, $0xb8;
	[tilespmem:$0x1EB80] =	vst v63  }
0x57: {  	_ =	swait.ge [sflag:s29], $0x1400  }
0x58: {  	[sflag:s29] =	ssyncset.done $0x0  }
0x59: {  	s7 =	simm.s32 $0x168;
	[sflag:s29] =	ssyncadd.s32 $0xFFFFEC00  }
0x5a: {  	[tilespmem:s25], [sflag:$0x5] =	stream.indirect.gather [hbm4b:s1+s17], $0x80, s7, s17, $0xb8;
	[tilespmem:$0x1EB80] =	vst v63  }
0x5b: {  	_ =	swait.ge [sflag:s15], $0x1400  }
0x5c: {  	[sflag:s15] =	ssyncset.done $0x0  }
0x5d: {  	s6 =	simm.s32 $0x2848;
	[sflag:s15] =	ssyncadd.s32 $0xFFFFEC00  }
0x5e: {  	[spmem:s3] =	stream.indirect.scatter.add.f32 [tilespmem:s18], [sflag:$0x6], $0x80, s6, s17, $0xb8;
	[tilespmem:$0x1EB80] =	vst v63  }
0x5f: {  	_ =	swait.ge [sflag:s16], $0x1400  }
0x60: {  	[sflag:s16] =	ssyncset.done $0x0  }
0x61: {  	s7 =	simm.s32 $0x2870;
	[sflag:s16] =	ssyncadd.s32 $0xFFFFEC00  }
0x62: {  	[spmem:s3] =	stream.indirect.scatter.add.f32 [tilespmem:s19], [sflag:$0x7], $0x80, s7, s17, $0xb8;
	[tilespmem:$0x1EB80] =	vst v63  }
0x63: {  	_ =	swait.ge [sflag:s28], $0x1400  }
0x64: {  	[sflag:s28] =	ssyncset.done $0x0  }
0x65: {  	s6 =	simm.s32 $0x2898;
	[sflag:s28] =	ssyncadd.s32 $0xFFFFEC00  }
0x66: {  	[spmem:s3] =	stream.indirect.scatter.add.f32 [tilespmem:s21], [sflag:$0x8], $0x80, s6, s17, $0xb8;
	[tilespmem:$0x1EB80] =	vst v63  }
0x67: {  	_ =	swait.ge [sflag:s30], $0x1400  }
0x68: {  	[sflag:s30] =	ssyncset.done $0x0  }
0x69: {  	s7 =	simm.s32 $0x28C0;
	[sflag:s30] =	ssyncadd.s32 $0xFFFFEC00  }
0x6a: {  	[spmem:s3] =	stream.indirect.scatter.add.f32 [tilespmem:s23], [sflag:$0x9], $0x80, s7, s17, $0xb8;
	[tilespmem:$0x1EB80] =	vst v63  }
0x6b: {  	_ =	swait.ge [sflag:s2], $0x1400  }
0x6c: {  	[sflag:s2] =	ssyncset.done $0x0  }
0x6d: {  	s0 =	simm.s32 $0x320;
	s6 =	simm.s32 $0x28E8;
	[sflag:s2] =	ssyncadd.s32 $0xFFFFEC00  }
.LBB2_2:
0x6e: {  	[spmem:s3] =	stream.indirect.scatter.add.f32 [tilespmem:s25], [sflag:$0xA], $0x80, s6, s17, $0xb8;
	[tilespmem:$0x1EB80] =	vst v63  }
0x6f: {  	s6 =	smov.u32 s0  }
0x70: {  	p1 =	sne.s32 s0, $0x9600;
	s0 =	sadd.s32 $0x320, s0;
	_ =	swait.ge [sflag:s20], $0x1400  }
0x71: {  	s6 =	sshra.s32 s6, $0x2;
	[sflag:s20] =	ssyncset.done $0x0  }
0x72: {  	s7 =	sadd.s32 $0xC8, s6;
	[sflag:s20] =	ssyncadd.s32 $0xFFFFEC00  }
0x73: {  	[tilespmem:s18], [sflag:$0x1] =	stream.indirect.gather [hbm4b:s1+s17], $0x80, s7, s17, $0xb8;
	[tilespmem:$0x1EB80] =	vst v63  }
0x74: {  	_ =	swait.ge [sflag:s22], $0x1400  }
0x75: {  	[sflag:s22] =	ssyncset.done $0x0  }
0x76: {  	s7 =	sadd.s32 $0xF0, s6;
	[sflag:s22] =	ssyncadd.s32 $0xFFFFEC00  }
0x77: {  	[tilespmem:s19], [sflag:$0x2] =	stream.indirect.gather [hbm4b:s1+s17], $0x80, s7, s17, $0xb8;
	[tilespmem:$0x1EB80] =	vst v63  }
0x78: {  	_ =	swait.ge [sflag:s24], $0x1400  }
0x79: {  	[sflag:s24] =	ssyncset.done $0x0  }
0x7a: {  	s7 =	sadd.s32 $0x118, s6;
	[sflag:s24] =	ssyncadd.s32 $0xFFFFEC00  }
0x7b: {  	[tilespmem:s21], [sflag:$0x3] =	stream.indirect.gather [hbm4b:s1+s17], $0x80, s7, s17, $0xb8;
	[tilespmem:$0x1EB80] =	vst v63  }
0x7c: {  	_ =	swait.ge [sflag:s26], $0x1400  }
0x7d: {  	[sflag:s26] =	ssyncset.done $0x0  }
0x7e: {  	s7 =	sadd.s32 $0x140, s6;
	[sflag:s26] =	ssyncadd.s32 $0xFFFFEC00  }
0x7f: {  	[tilespmem:s23], [sflag:$0x4] =	stream.indirect.gather [hbm4b:s1+s17], $0x80, s7, s17, $0xb8;
	[tilespmem:$0x1EB80] =	vst v63  }
0x80: {  	_ =	swait.ge [sflag:s29], $0x1400  }
0x81: {  	[sflag:s29] =	ssyncset.done $0x0  }
0x82: {  	s7 =	sadd.s32 $0x168, s6;
	[sflag:s29] =	ssyncadd.s32 $0xFFFFEC00  }
0x83: {  	[tilespmem:s25], [sflag:$0x5] =	stream.indirect.gather [hbm4b:s1+s17], $0x80, s7, s17, $0xb8;
	[tilespmem:$0x1EB80] =	vst v63  }
0x84: {  	_ =	swait.ge [sflag:s15], $0x1400  }
0x85: {  	[sflag:s15] =	ssyncset.done $0x0  }
0x86: {  	s7 =	sadd.s32 $0x2848, s6;
	[sflag:s15] =	ssyncadd.s32 $0xFFFFEC00  }
0x87: {  	[spmem:s3] =	stream.indirect.scatter.add.f32 [tilespmem:s18], [sflag:$0x6], $0x80, s7, s17, $0xb8;
	[tilespmem:$0x1EB80] =	vst v63  }
0x88: {  	_ =	swait.ge [sflag:s16], $0x1400  }
0x89: {  	[sflag:s16] =	ssyncset.done $0x0  }
0x8a: {  	s7 =	sadd.s32 $0x2870, s6;
	[sflag:s16] =	ssyncadd.s32 $0xFFFFEC00  }
0x8b: {  	[spmem:s3] =	stream.indirect.scatter.add.f32 [tilespmem:s19], [sflag:$0x7], $0x80, s7, s17, $0xb8;
	[tilespmem:$0x1EB80] =	vst v63  }
0x8c: {  	_ =	swait.ge [sflag:s28], $0x1400  }
0x8d: {  	[sflag:s28] =	ssyncset.done $0x0  }
0x8e: {  	s7 =	sadd.s32 $0x2898, s6;
	[sflag:s28] =	ssyncadd.s32 $0xFFFFEC00  }
0x8f: {  	[spmem:s3] =	stream.indirect.scatter.add.f32 [tilespmem:s21], [sflag:$0x8], $0x80, s7, s17, $0xb8;
	[tilespmem:$0x1EB80] =	vst v63  }
0x90: {  	_ =	swait.ge [sflag:s30], $0x1400  }
0x91: {  	[sflag:s30] =	ssyncset.done $0x0  }
.Ltmp0:
0x92: {  	s7 =	sadd.s32 $0x28C0, s6;
	[sflag:s30] =	ssyncadd.s32 $0xFFFFEC00;
	(pc) =	sbr.rel @p1 .LBB2_2-.Ltmp0, $4  }
0x93: {  	[spmem:s3] =	stream.indirect.scatter.add.f32 [tilespmem:s23], [sflag:$0x9], $0x80, s7, s17, $0xb8;
	[tilespmem:$0x1EB80] =	vst v63  }
0x94: {  	_ =	swait.ge [sflag:s2], $0x1400  }
0x95: {  	[sflag:s2] =	ssyncset.done $0x0  }
0x96: {  	s6 =	sadd.s32 $0x28E8, s6;
	[sflag:s2] =	ssyncadd.s32 $0xFFFFEC00  }
0x97: {  	[spmem:s3] =	stream.indirect.scatter.add.f32 [tilespmem:s25], [sflag:$0xA], $0x80, s6, s17, $0xb8;
	[tilespmem:$0x1EB80] =	vst v63  }
0x98: {  	_ =	swait.ge [sflag:s20], $0x1400  }
0x99: {  	[sflag:s20] =	ssyncset.done $0x0  }
0x9a: {  	[sflag:s20] =	ssyncadd.s32 $0xFFFFEC00  }
0x9b: {  	_ =	swait.ge [sflag:s22], $0x1400  }
0x9c: {  	[sflag:s22] =	ssyncset.done $0x0  }
0x9d: {  	[sflag:s22] =	ssyncadd.s32 $0xFFFFEC00  }
0x9e: {  	_ =	swait.ge [sflag:s24], $0x1400  }
0x9f: {  	[sflag:s24] =	ssyncset.done $0x0  }
0xa0: {  	[sflag:s24] =	ssyncadd.s32 $0xFFFFEC00  }
0xa1: {  	_ =	swait.ge [sflag:s26], $0x1400  }
0xa2: {  	[sflag:s26] =	ssyncset.done $0x0  }
0xa3: {  	[sflag:s26] =	ssyncadd.s32 $0xFFFFEC00  }
0xa4: {  	_ =	swait.ge [sflag:s29], $0x1400  }
0xa5: {  	[sflag:s29] =	ssyncset.done $0x0  }
0xa6: {  	[sflag:s29] =	ssyncadd.s32 $0xFFFFEC00  }
0xa7: {  	s0 =	simm.s32 @p0 $0x1FCB;
	[bflag:$0x0] =	sbarrier.arrive $0xFFFF  }
0xa8: {  	[hbm:s9], [sflag:s0] =	dma.local @p0 [spmem:s12], $0x2080  }
0xa9: {  	s0 =	simm.s32 @p0 $0xB  }
0xaa: {  	s31 =	sadd.s32 $0x1, s31;
	_ =	swait.ge @p0 [sflag:s0], $0x2080  }
0xab: {  	p1 =	sne.s32 s31, s10;
	[sflag:s0] =	ssyncset.done @p0 $0x0  }
.Ltmp1:
0xac: {  	[sflag:s0] =	ssyncadd.s32 @p0 $0xFFFFDF80;
	s0 =	simm.s32 @!p0 $0xB;
	(pc) =	sbr.rel @p1 .LBB2_1-.Ltmp1, $4  }
0xad: {  	[hbm:s8], [sflag:s13] =	dma.local @!p0 [spmem:s14], $0x2780  }
0xae: {  	_ =	swait.ge @!p0 [sflag:s0], $0x2780  }
0xaf: {  	[sflag:s0] =	ssyncset.done @!p0 $0x0  }
0xb0: {  	[sflag:s0] =	ssyncadd.s32 @!p0 $0xFFFFD880  }
0xb1: {  	_ =	sfence.sel $0x180000  }
0xb2: {  	[bflag:$0x0] =	sbarrier.arrive $0xFFFF  }
0xb3: {  	_ =	strace $0x9000004D  }
0xb4: {  	s0 =	stileid.u32;
	[bflag:$0x2] =	sbarrier.arrive $0xFFFF  }
0xb5: {  	p0 =	sne.s32 s0, $0x0;
	s0 =	rddreg [dreg:$0x3]  }
0xb6: {  	s0 =	sadd.s32 @!p0 $0x100000, s0  }
0xb7: {  	[sflag:s0] =	ssyncadd.tile.s32 @!p0 $0x1;
	_ =	shalt  }
.Lfunc_end2:
_tile_overlayer_lowered:
.L_overlay_start_2:
0xb8: {  	(tag) =	ssettag $0x2  }
0xb9: {  	s0 =	rddreg [dreg:$0x0];
	s2 =	stileid.u32  }
0xba: {  	s1 =	rddreg [dreg:$0x1];
	p0 =	sne.s32 s2, $0x0  }
0xbb: {  	s3 =	rddreg [dreg:$0x2];
	[bflag:$0x3] =	sbarrier.arrive $0xFFFF;
	s2 =	simm.s32 @!p0 $0x1C0B  }
0xbc: {  	[timem:s3], [sflag:s2] =	dma.local @!p0 [hbm:s0], s1  }
0xbd: {  	s0 =	simm.s32 @!p0 $0xB  }
0xbe: {  	_ =	swait.ge @!p0 [sflag:s0], s1  }
0xbf: {  	s1 =	ssub.s32 @!p0 $0x0, s1;
	[sflag:s0] =	ssyncset.done @!p0 $0x0  }
0xc0: {  	[sflag:s0] =	ssyncadd.s32 @!p0 s1  }
0xc1: {  	[bflag:$0x3] =	sbarrier.arrive $0xFFFF  }
0xc2: {  	_ =	shalt  }

// kernel: kernel.8.cloned.1.call-start
scs
__scs_entry_jumppad:
0x0: {  	(pc) =	sbr.rel $0x88, $3  }
0x1: {  	(tag) =	ssettag $0x0;
	lr =	simm.s32 $0x1  }
0x2: {  	[smem:$0x3F97] =	sst lr;
	_ =	strace $0xD0000000  }
0x3: {  	_ = 	snop  }
0x4: {  	_ = 	snop  }
0x5: {  	_ = 	snop  }
0x6: {  	_ = 	snop  }
0x7: {  	_ = 	snop  }
__scs_overlays_trampoline_lowered:
0x8: {  	[smem:$0x3FA6] =	sst s0  }
0x9: {  	[smem:$0x3FA7] =	sst s1  }
0xa: {  	[smem:$0x3FA8] =	sst s2  }
0xb: {  	[smem:$0x3FA9] =	sst s3  }
0xc: {  	[smem:$0x3FAA] =	sst s4  }
0xd: {  	[smem:$0x3FAB] =	sst s5  }
0xe: {  	[smem:$0x3FAC] =	sst s6  }
0xf: {  	[smem:$0x3FAD] =	sst s7  }
0x10: {  	[smem:$0x3FAE] =	sst s8  }
0x11: {  	[smem:$0x3FAF] =	sst s9;
	s0 =	simm.s32 @!p0 $0x0  }
0x12: {  	s1 =	sld [smem:$0x3F95];
	s0 =	simm.s32 @p0 $0x1  }
0x13: {  	[smem:$0x3FB0] =	sst s0;
	s0 =	simm.s32 @!p1 $0x0  }
0x14: {  	s2 =	sld [smem:$0x3F94];
	s0 =	simm.s32 @p1 $0x1  }
0x15: {  	[smem:$0x3FB1] =	sst s0;
	s0 =	simm.s32 @!p2 $0x0  }
0x16: {  	s3 =	sld [smem:$0x3FDB];
	s0 =	simm.s32 @p2 $0x1  }
0x17: {  	s4 =	simm.s32 $0x1BF5;
	[smem:$0x3FB3] =	sst s0  }
0x18: {  	s0 =	sld [smem:$0x3F96];
	_ =	swait.ge [sflag:s4], $0x0  }
0x19: {  	s7 =	sld [smem:$0x3F97]  }
0x1a: {  	s8 =	sadd.s32 $0xFFFFE003, lr  }
0x1b: {  	s9 =	sadd.s32 $0xFFFFFEF7, lr;
	s5 =	simm.s32 $0xFFFFFFFF;
	p2 =	slt.u32 s8, $0xFFFFF086  }
0x1c: {  	p1 =	slt.u32 s9, $0xF7A;
	s5 =	simm.s32 @!p2 $0x0  }
0x1d: {  	s5 =	simm.s32 @p1 $0x1;
	p0 =	seq.s32 s7, s2  }
0x1e: {  	s7 =	smul.u32 @!p0 $0xF7A, s2;
	p2 =	seq.s32 @!p0 s5, $0x0  }
0x1f: {  	s9 =	smul.u32 $0xF7A, s1;
	s8 =	simm.s32 @!p0 $0x1BF5;
	p2 =	por !p2, p0  }
0x20: {  	[sflag:s8] =	ssyncset.s32 @!p0 $0xFFFFF086;
	s6 =	sadd.s32 @!p0 s3, s7;
	s7 =	simm.s32 @!p0 $0x108  }
0x21: {  	s3 =	sadd.s32 s3, s9;
	s6 =	sadd.s32 @!p0 $0x88, s6;
	s7 =	simm.s32 @p2 $0x1082  }
0x22: {  	[simem:s7], [sflag:s8] =	dma.local @!p0 [hbm:s6], $0xF7A  }
0x23: {  	s9 =	sor.u32 $0xD0000000, s2;
	s6 =	simm.s32 $0x108;
	_ =	swait.ge @!p0 [sflag:s8], $0x0  }
0x24: {  	s3 =	sadd.s32 $0x88, s3;
	s6 =	simm.s32 @!p1 $0x1082;
	[sflag:s4] =	ssyncset.s32 $0xFFFFF086  }
0x25: {  	[simem:s6], [sflag:s4] =	dma.local [hbm:s3], $0xF7A  }
0x26: {  	[smem:$0x3F97] =	sst s1;
	(tag) =	ssettag s2;
	_ =	strace s9  }
0x27: {  	s1 =	sld [smem:$0x3FA7]  }
0x28: {  	s2 =	sld [smem:$0x3FA8]  }
0x29: {  	s4 =	sld [smem:$0x3FAA]  }
0x2a: {  	p0 =	seq.s32 s5, $0x0;
	s5 =	sld [smem:$0x3FAB]  }
0x2b: {  	s6 =	sld [smem:$0x3FAC]  }
0x2c: {  	s7 =	sld [smem:$0x3FAD]  }
0x2d: {  	s3 =	simm.s32 $0x108;
	s8 =	sld [smem:$0x3FAE]  }
0x2e: {  	s3 =	simm.s32 @!p0 $0x1082;
	s9 =	sld [smem:$0x3FAF]  }
0x2f: {  	lr =	sadd.s32 s0, s3;
	s0 =	sld [smem:$0x3FA6]  }
0x30: {  	s3 =	sld [smem:$0x3FA9]  }
0x31: {  	[smem:$0x3FB2] =	sst s10  }
0x32: {  	s10 =	sld [smem:$0x3FB0];
	_ =	sdelay $0x3  }
0x33: {  	p0 =	seq.s32 s10, $0x1;
	s10 =	sld [smem:$0x3FB2];
	_ =	sdelay $0x3  }
0x34: {  	[smem:$0x3FB2] =	sst s10  }
0x35: {  	s10 =	sld [smem:$0x3FB1];
	_ =	sdelay $0x3  }
0x36: {  	p1 =	seq.s32 s10, $0x1;
	s10 =	sld [smem:$0x3FB2];
	_ =	sdelay $0x3  }
0x37: {  	[smem:$0x3FB2] =	sst s10  }
0x38: {  	s10 =	sld [smem:$0x3FB3]  }
0x39: {  	_ = 	snop;
	(pc) =	sbr.ind lr, $3  }
0x3a: {  	_ = 	snop  }
0x3b: {  	_ = 	snop  }
0x3c: {  	p2 =	seq.s32 s10, $0x1;
	s10 =	sld [smem:$0x3FB2]  }
0x3d: {  	_ =	shalt  }
0x3e: {  	_ =	shalt  }
0x3f: {  	_ =	shalt  }
0x40: {  	_ =	shalt  }
0x41: {  	_ =	shalt  }
0x42: {  	_ =	shalt  }
0x43: {  	_ =	shalt  }
0x44: {  	_ =	shalt  }
0x45: {  	_ =	shalt  }
0x46: {  	_ =	shalt  }
0x47: {  	_ =	shalt  }
0x48: {  	_ =	shalt  }
0x49: {  	_ =	shalt  }
0x4a: {  	_ =	shalt  }
0x4b: {  	_ =	shalt  }
0x4c: {  	_ =	shalt  }
0x4d: {  	_ =	shalt  }
0x4e: {  	_ =	shalt  }
0x4f: {  	_ =	shalt  }
0x50: {  	_ =	shalt  }
0x51: {  	_ =	shalt  }
0x52: {  	_ =	shalt  }
0x53: {  	_ =	shalt  }
0x54: {  	_ =	shalt  }
0x55: {  	_ =	shalt  }
0x56: {  	_ =	shalt  }
0x57: {  	_ =	shalt  }
0x58: {  	_ =	shalt  }
0x59: {  	_ =	shalt  }
0x5a: {  	_ =	shalt  }
0x5b: {  	_ =	shalt  }
0x5c: {  	_ =	shalt  }
0x5d: {  	_ =	shalt  }
0x5e: {  	_ =	shalt  }
0x5f: {  	_ =	shalt  }
0x60: {  	_ =	shalt  }
0x61: {  	_ =	shalt  }
0x62: {  	_ =	shalt  }
0x63: {  	_ =	shalt  }
0x64: {  	_ =	shalt  }
0x65: {  	_ =	shalt  }
0x66: {  	_ =	shalt  }
0x67: {  	_ =	shalt  }
0x68: {  	_ =	shalt  }
0x69: {  	_ =	shalt  }
0x6a: {  	_ =	shalt  }
0x6b: {  	_ =	shalt  }
0x6c: {  	_ =	shalt  }
0x6d: {  	_ =	shalt  }
0x6e: {  	_ =	shalt  }
0x6f: {  	_ =	shalt  }
0x70: {  	_ =	shalt  }
0x71: {  	_ =	shalt  }
0x72: {  	_ =	shalt  }
0x73: {  	_ =	shalt  }
0x74: {  	_ =	shalt  }
0x75: {  	_ =	shalt  }
0x76: {  	_ =	shalt  }
0x77: {  	_ =	shalt  }
0x78: {  	_ =	shalt  }
0x79: {  	_ =	shalt  }
0x7a: {  	_ =	shalt  }
0x7b: {  	_ =	shalt  }
0x7c: {  	_ =	shalt  }
0x7d: {  	_ =	shalt  }
0x7e: {  	_ =	shalt  }
0x7f: {  	_ =	shalt  }
0x80: {  	_ =	shalt  }
0x81: {  	_ =	shalt  }
0x82: {  	_ =	shalt  }
0x83: {  	_ =	shalt  }
0x84: {  	_ =	shalt  }
0x85: {  	_ =	shalt  }
0x86: {  	_ =	shalt  }
0x87: {  	_ =	shalt  }
.Lfunc_end0:
.L_simem_size_0:
called_computation_lowered:
.L_overlay_start_0:
0x88: {  	s2 =	sld [smem:$0x3FD9]  }
0x89: {  	s3 =	sld [smem:$0x3FFE];
	_ =	sdelay $0x1  }
0x8a: {  	s1 =	srdreg.scid  }
0x8b: {  	s0 =	sand.u32 $0x1, s1  }
0x8c: {  	s17 =	sshll.u32 s0, $0xA;
	s2 =	sadd.s32 s3, s2  }
0x8d: {  	s2 =	sadd.s32 s2, s17  }
0x8e: {  	[smem:$0x3FBE] =	sst s2  }
0x8f: {  	_ = 	snop  }
0x90: {  	s2 =	sld [smem:$0x3FD0];
	(tm) =	ssettm $0x1  }
0x91: {  	s18 =	sld [smem:$0x3FFB];
	_ =	sdelay $0x3  }
0x92: {  	_ =	strace s18  }
0x93: {  	s3 =	sld [smem:$0x3FFC];
	_ =	sdelay $0x3  }
0x94: {  	_ =	strace s3  }
0x95: {  	s3 =	sld [smem:$0x3FFD];
	_ =	sdelay $0x3  }
0x96: {  	_ =	strace s3  }
0x97: {  	_ =	strace $0x8FFFFFFF  }
0x98: {  	s19 =	sld [smem:$0x3FDB];
	_ =	sdelay $0x1  }
0x99: {  	s4 =	simm.s32 $_scs_section_size  }
0x9a: {  	s5 =	simm.s32 $_size__tile_overlayer_lowered;
	s6 =	simm.s32 $_tile_overlayer_lowered  }
0x9b: {  	s22 =	simm.s32 $0x1BFF;
	s21 =	sshll.u32 s6, $0x1;
	s3 =	sadd.s32 s4, s19  }
0x9c: {  	s7 =	simm.s32 $0x0;
	s20 =	sshll.u32 s5, $0x1;
	s5 =	sadd.s32 s21, s3  }
0x9d: {  	[timem:s7], [sflag:s22] =	dma.local [hbm:s5], s20  }
0x9e: {  	_ =	swait.ge [sflag:s22], s20  }
0x9f: {  	s4 =	ssub.s32 $0x0, s20;
	[sflag:s22] =	ssyncset.done $0x0  }
0xa0: {  	[sflag:s22] =	ssyncadd.s32 s4;
	_ =	sdelay $0x1  }
0xa1: {  	s23 =	simm.s32 $0x1B8B  }
0xa2: {  	_ =	swait.ge [sflag:s23], $0x1  }
0xa3: {  	[sflag:s23] =	ssyncset.done $0x0  }
0xa4: {  	s25 =	simm.s32 $0x1B8E;
	s24 =	sld [smem:$0x3FFE];
	[sflag:s23] =	ssyncadd.s32 $0xFFFFFFFF  }
0xa5: {  	s26 =	simm.s32 $execute0_lowered;
	[smem:$0x3FD2] =	sst s25  }
0xa6: {  	s5 =	sshll.u32 s26, $0x1;
	_ =	strace $0x80000046;
	[dreg:$0x1] =	wrdreg $0xFFFFFFFF  }
0xa7: {  	s28 =	simm.s32 $_size_execute0_lowered;
	s3 =	sadd.s32 s3, s5;
	[dreg:$0x0] =	wrdreg $0x0  }
0xa8: {  	s5 =	sshll.u32 s28, $0x1;
	[dreg:$0x2] =	wrdreg s3  }
0xa9: {  	[dreg:$0x3] =	wrdreg s5  }
0xaa: {  	[dreg:$0x4] =	wrdreg $0xC0  }
0xab: {  	_ =	task [dreg:s7], $0x5FFFF  }
0xac: {  	[dreg:$0x1] =	wrdreg $0xFFFFFFFF  }
0xad: {  	[dreg:$0x0] =	wrdreg $0x60  }
0xae: {  	[dreg:$0x2] =	wrdreg s24  }
0xaf: {  	[dreg:$0x3] =	wrdreg s2  }
0xb0: {  	[dreg:$0x4] =	wrdreg $0x28000  }
0xb1: {  	[dreg:$0x5] =	wrdreg $0x9  }
0xb2: {  	_ =	task.clear_ibuf [dreg:s7], $0x6FFFF;
	_ =	strace $0x90000046  }
0xb3: {  	s29 =	simm.s32 $0x9;
	_ =	strace $0x80000048  }
0xb4: {  	_ =	swait.ge [sflag:s29], $0x1  }
0xb5: {  	[sflag:s29] =	ssyncadd.s32 $0xFFFFFFFF  }
0xb6: {  	_ =	strace $0x90000048  }
0xb7: {  	_ =	sfence  }
0xb8: {  	s30 =	sld [smem:$0x0];
	_ =	sdelay $0x2  }
0xb9: {  	s31 =	sshll.u32 s1, $0xD;
	s1 =	sshrl.u32 s1, $0x2  }
0xba: {  	s3 =	sand.u32 $0x4000, s31;
	s1 =	sadd.s32 s1, s30  }
0xbb: {  	s0 =	sor.u32 s3, s0;
	s1 =	sshll.u32 s1, $0x11  }
0xbc: {  	s0 =	sor.u32 s1, s0  }
0xbd: {  	s0 =	sadd.s32 $0x8F2B, s0  }
0xbe: {  	[sflag:s0] =	ssyncadd.remote.s32 $0x1  }
0xbf: {  	_ =	sfence.sel $0xFFFF  }
0xc0: {  	[dreg:$0x0] =	wrdreg $0xFFFFFFFF;
	(pc) =	sbr.abs _section_cstart, $3  }
0xc1: {  	[dreg:$0x1] =	wrdreg $0xFFFFFFFF  }
0xc2: {  	_ =	task.clear_ibuf [dreg:s7], $0x2FFFF;
	_ =	strace $0x9FFFFFFF  }
0xc3: {  	(tm) =	ssettm $0x7FFFFFFF  }
tec
execute0_lowered:
.L_overlay_start_1:
0x0: {  	(tag) =	ssettag $0x1  }
0x1: {  	s6 =	rddreg [dreg:$0x0]  }
0x2: {  	s0 =	srdreg.scid;
	s2 =	rddreg [dreg:$0x1]  }
0x3: {  	s3 =	rddreg [dreg:$0x2];
	s1 =	stileid.u32  }
0x4: {  	s4 =	simm.s32 $0x0;
	s15 =	simm.s32 $0x3;
	s16 =	simm.s32 $0x28  }
0x5: {  	s17 =	simm.s32 $0x50;
	s18 =	simm.s32 $0x78;
	s19 =	simm.s32 $0xA0  }
0x6: {  	s20 =	simm.s32 $0x1;
	s5 =	sand.u32 $0x1, s0;
	s0 =	rddreg [dreg:$0x3]  }
0x7: {  	s21 =	simm.s32 $0x0;
	[smem:$0x7FF] =	sst s4;
	s8 =	smul.u32 $0x4F000, s1  }
0x8: {  	s12 =	smul.u32 $0x13C00, s1;
	s13 =	sadd.s32 $0x9E00, s6;
	p0 =	seq.s32 s1, $0xF  }
0x9: {  	s7 =	sshll.u32 s5, $0x4;
	_ =	strace $0x80000047;
	s9 =	ssub.s32 $0x2, s5  }
0xa: {  	s10 =	smul.u32 $0x138800, s5;
	s5 =	sadd.s32 $0x7600, s6;
	s7 =	sor.u32 s1, s7  }
0xb: {  	s11 =	sshrl.u32 s9, $0x1;
	s8 =	sshrl.u32 s8, $0x2;
	s7 =	smul.u32 $0x271, s7  }
0xc: {  	s9 =	ssub.s32 s9, s11;
	s14 =	sadd.s32 s8, s3;
	s30 =	sadd.s32 s12, s10  }
0xd: {  	s11 =	sadd.s32 $0x128400, s3;
	s31 =	sshrl.u32 s10, $0x3;
	s12 =	sshll.u32 @!p0 s1, $0x6  }
0xe: {  	s10 =	simm.s32 $0x1400;
	s8 =	sadd.s32 s13, s31;
	s9 =	smax.u32 s9, $0x1  }
0xf: {  	s11 =	sshrl.u32 @p0 s11, $0x3;
	s12 =	sor.u32 @!p0 $0x1C04, s12;
	s7 =	sadd.s32 s7, s6  }
0x10: {  	s8 =	sadd.s32 $0x25080, s8;
	s6 =	sadd.s32 $0x2600, s7;
	s7 =	sshrl.u32 s30, $0x3  }
0x11: {  	s7 =	sadd.s32 s13, s7;
	s13 =	sshrl.u32 @!p0 s14, $0x3;
	s14 =	simm.s32 $0x2  }
.LBB2_1:
0x12: {  	[tilespmem:s10], [sflag:$0x2] =	stream.linear.gather [hbm4b:s2+s4], $0x1400, $0x38;
	[tilespmem:$0x16080] =	vst v63  }
0x13: {  	s22 =	simm.s32 @p0 $0x1FC4  }
0x14: {  	[tilespmem:s4], [sflag:$0x3] =	stream.linear.gather [hbm4b:s6+s4], $0x1388, $0x38;
	[tilespmem:$0x16080] =	vst v63  }
0x15: {  	[spmem:s11], [sflag:s22] =	dma.local @p0 [hbm:s5], $0x2080  }
0x16: {  	s22 =	simm.s32 @p0 $0x4  }
0x17: {  	_ =	swait.ge @p0 [sflag:s22], $0x2080  }
0x18: {  	[sflag:s22] =	ssyncset.done @p0 $0x0  }
0x19: {  	[sflag:s22] =	ssyncadd.s32 @p0 $0xFFFFDF80;
	s22 =	simm.s32 @!p0 $0x4  }
0x1a: {  	[spmem:s13], [sflag:s12] =	dma.local @!p0 [hbm:s5], $0x2780  }
0x1b: {  	_ =	swait.ge @!p0 [sflag:s22], $0x2780  }
0x1c: {  	[sflag:s22] =	ssyncset.done @!p0 $0x0  }
0x1d: {  	[sflag:s22] =	ssyncadd.s32 @!p0 $0xFFFFD880  }
0x1e: {  	_ =	swait.ge [sflag:s14], $0x1400  }
0x1f: {  	[sflag:s14] =	ssyncset.done $0x0  }
0x20: {  	[sflag:s14] =	ssyncadd.s32 $0xFFFFEC00  }
0x21: {  	_ =	swait.ge [sflag:s15], $0x1388  }
0x22: {  	[sflag:s15] =	ssyncset.done $0x0  }
0x23: {  	[sflag:s15] =	ssyncadd.s32 $0xFFFFEC78  }
0x24: {  	[bflag:$0x0] =	sbarrier.arrive $0xFFFF  }
0x25: {  	[spmem:s3] =	stream.indirect.scatter.add.f32 [tilespmem:s10], [sflag:$0x1], $0x80, s4, s16, $0xb8;
	[tilespmem:$0x16080] =	vst v63  }
0x26: {  	_ = 	snop  }
0x27: {  	[spmem:s3] =	stream.indirect.scatter.add.f32 [tilespmem:s10], [sflag:$0x1], $0x80, s16, s16, $0xb8;
	[tilespmem:$0x16080] =	vst v63  }
0x28: {  	_ = 	snop  }
0x29: {  	[spmem:s3] =	stream.indirect.scatter.add.f32 [tilespmem:s10], [sflag:$0x1], $0x80, s17, s16, $0xb8;
	[tilespmem:$0x16080] =	vst v63  }
0x2a: {  	_ = 	snop  }
0x2b: {  	[spmem:s3] =	stream.indirect.scatter.add.f32 [tilespmem:s10], [sflag:$0x1], $0x80, s18, s16, $0xb8;
	[tilespmem:$0x16080] =	vst v63  }
0x2c: {  	_ = 	snop  }
0x2d: {  	[spmem:s3] =	stream.indirect.scatter.add.f32 [tilespmem:s10], [sflag:$0x1], $0x80, s19, s16, $0xb8;
	[tilespmem:$0x16080] =	vst v63  }
0x2e: {  	_ =	swait.ge [sflag:s20], $0x1400  }
0x2f: {  	[sflag:s20] =	ssyncset.done $0x0  }
0x30: {  	s28 =	simm.s32 $0xC8;
	[sflag:s20] =	ssyncadd.s32 $0xFFFFEC00  }
0x31: {  	[spmem:s3] =	stream.indirect.scatter.add.f32 [tilespmem:s10], [sflag:$0x1], $0x80, s28, s16, $0xb8;
	[tilespmem:$0x16080] =	vst v63  }
0x32: {  	_ =	swait.ge [sflag:s20], $0x1400  }
0x33: {  	[sflag:s20] =	ssyncset.done $0x0  }
0x34: {  	s29 =	simm.s32 $0xF0;
	[sflag:s20] =	ssyncadd.s32 $0xFFFFEC00  }
0x35: {  	[spmem:s3] =	stream.indirect.scatter.add.f32 [tilespmem:s10], [sflag:$0x1], $0x80, s29, s16, $0xb8;
	[tilespmem:$0x16080] =	vst v63  }
0x36: {  	_ =	swait.ge [sflag:s20], $0x1400  }
0x37: {  	[sflag:s20] =	ssyncset.done $0x0  }
0x38: {  	s30 =	simm.s32 $0x118;
	[sflag:s20] =	ssyncadd.s32 $0xFFFFEC00  }
0x39: {  	[spmem:s3] =	stream.indirect.scatter.add.f32 [tilespmem:s10], [sflag:$0x1], $0x80, s30, s16, $0xb8;
	[tilespmem:$0x16080] =	vst v63  }
0x3a: {  	_ =	swait.ge [sflag:s20], $0x1400  }
0x3b: {  	[sflag:s20] =	ssyncset.done $0x0  }
0x3c: {  	s31 =	simm.s32 $0x140;
	[sflag:s20] =	ssyncadd.s32 $0xFFFFEC00  }
0x3d: {  	[spmem:s3] =	stream.indirect.scatter.add.f32 [tilespmem:s10], [sflag:$0x1], $0x80, s31, s16, $0xb8;
	[tilespmem:$0x16080] =	vst v63  }
0x3e: {  	_ =	swait.ge [sflag:s20], $0x1400  }
0x3f: {  	[sflag:s20] =	ssyncset.done $0x0  }
0x40: {  	s23 =	simm.s32 $0x168;
	s22 =	simm.s32 $0xFFFFB820;
	[sflag:s20] =	ssyncadd.s32 $0xFFFFEC00  }
.LBB2_2:
0x41: {  	[spmem:s3] =	stream.indirect.scatter.add.f32 [tilespmem:s10], [sflag:$0x1], $0x80, s23, s16, $0xb8;
	[tilespmem:$0x16080] =	vst v63  }
0x42: {  	s23 =	smov.u32 s22  }
0x43: {  	p1 =	sne.s32 s22, $0xFFFFFCE0;
	s22 =	sadd.s32 $0x320, s22;
	_ =	swait.ge [sflag:s20], $0x1400  }
0x44: {  	s23 =	sshra.s32 s23, $0x2;
	[sflag:s20] =	ssyncset.done $0x0  }
0x45: {  	s24 =	sadd.s32 $0x1388, s23;
	[sflag:s20] =	ssyncadd.s32 $0xFFFFEC00  }
0x46: {  	[spmem:s3] =	stream.indirect.scatter.add.f32 [tilespmem:s10], [sflag:$0x1], $0x80, s24, s16, $0xb8;
	[tilespmem:$0x16080] =	vst v63  }
0x47: {  	_ =	swait.ge [sflag:s20], $0x1400  }
0x48: {  	[sflag:s20] =	ssyncset.done $0x0  }
0x49: {  	s24 =	sadd.s32 $0x13B0, s23;
	[sflag:s20] =	ssyncadd.s32 $0xFFFFEC00  }
0x4a: {  	[spmem:s3] =	stream.indirect.scatter.add.f32 [tilespmem:s10], [sflag:$0x1], $0x80, s24, s16, $0xb8;
	[tilespmem:$0x16080] =	vst v63  }
0x4b: {  	_ =	swait.ge [sflag:s20], $0x1400  }
0x4c: {  	[sflag:s20] =	ssyncset.done $0x0  }
0x4d: {  	s24 =	sadd.s32 $0x13D8, s23;
	[sflag:s20] =	ssyncadd.s32 $0xFFFFEC00  }
0x4e: {  	[spmem:s3] =	stream.indirect.scatter.add.f32 [tilespmem:s10], [sflag:$0x1], $0x80, s24, s16, $0xb8;
	[tilespmem:$0x16080] =	vst v63  }
0x4f: {  	_ =	swait.ge [sflag:s20], $0x1400  }
0x50: {  	[sflag:s20] =	ssyncset.done $0x0  }
.Ltmp0:
0x51: {  	s24 =	sadd.s32 $0x1400, s23;
	[sflag:s20] =	ssyncadd.s32 $0xFFFFEC00;
	(pc) =	sbr.rel @p1 .LBB2_2-.Ltmp0, $4  }
0x52: {  	[spmem:s3] =	stream.indirect.scatter.add.f32 [tilespmem:s10], [sflag:$0x1], $0x80, s24, s16, $0xb8;
	[tilespmem:$0x16080] =	vst v63  }
0x53: {  	_ =	swait.ge [sflag:s20], $0x1400  }
0x54: {  	[sflag:s20] =	ssyncset.done $0x0  }
0x55: {  	s23 =	sadd.s32 $0x1428, s23;
	[sflag:s20] =	ssyncadd.s32 $0xFFFFEC00  }
0x56: {  	[spmem:s3] =	stream.indirect.scatter.add.f32 [tilespmem:s10], [sflag:$0x1], $0x80, s23, s16, $0xb8;
	[tilespmem:$0x16080] =	vst v63  }
0x57: {  	_ =	swait.ge [sflag:s20], $0x1400  }
0x58: {  	[sflag:s20] =	ssyncset.done $0x0  }
0x59: {  	[sflag:s20] =	ssyncadd.s32 $0xFFFFEC00  }
0x5a: {  	_ =	swait.ge [sflag:s20], $0x1400  }
0x5b: {  	[sflag:s20] =	ssyncset.done $0x0  }
0x5c: {  	[sflag:s20] =	ssyncadd.s32 $0xFFFFEC00  }
0x5d: {  	_ =	swait.ge [sflag:s20], $0x1400  }
0x5e: {  	[sflag:s20] =	ssyncset.done $0x0  }
0x5f: {  	[sflag:s20] =	ssyncadd.s32 $0xFFFFEC00  }
0x60: {  	_ =	swait.ge [sflag:s20], $0x1400  }
0x61: {  	[sflag:s20] =	ssyncset.done $0x0  }
0x62: {  	[sflag:s20] =	ssyncadd.s32 $0xFFFFEC00  }
0x63: {  	_ =	swait.ge [sflag:s20], $0x1400  }
0x64: {  	[sflag:s20] =	ssyncset.done $0x0  }
0x65: {  	[sflag:s20] =	ssyncadd.s32 $0xFFFFEC00  }
0x66: {  	s22 =	simm.s32 @p0 $0x1FC4;
	[bflag:$0x0] =	sbarrier.arrive $0xFFFF  }
0x67: {  	[hbm:s8], [sflag:s22] =	dma.local @p0 [spmem:s11], $0x2080  }
0x68: {  	s22 =	simm.s32 @p0 $0x4  }
0x69: {  	s21 =	sadd.s32 $0x1, s21;
	_ =	swait.ge @p0 [sflag:s22], $0x2080  }
0x6a: {  	p1 =	sne.s32 s21, s9;
	[sflag:s22] =	ssyncset.done @p0 $0x0  }
.Ltmp1:
0x6b: {  	[sflag:s22] =	ssyncadd.s32 @p0 $0xFFFFDF80;
	s22 =	simm.s32 @!p0 $0x4;
	(pc) =	sbr.rel @p1 .LBB2_1-.Ltmp1, $4  }
0x6c: {  	[hbm:s7], [sflag:s12] =	dma.local @!p0 [spmem:s13], $0x2780  }
0x6d: {  	_ =	swait.ge @!p0 [sflag:s22], $0x2780  }
0x6e: {  	[sflag:s22] =	ssyncset.done @!p0 $0x0  }
0x6f: {  	[sflag:s22] =	ssyncadd.s32 @!p0 $0xFFFFD880  }
0x70: {  	_ =	sfence.sel $0x180000  }
0x71: {  	[bflag:$0x0] =	sbarrier.arrive $0xFFFF  }
0x72: {  	p0 =	sne.s32 s1, $0x0;
	_ =	strace $0x90000047  }
0x73: {  	s0 =	sadd.s32 @!p0 $0x100000, s0;
	[bflag:$0x2] =	sbarrier.arrive $0xFFFF  }
0x74: {  	[sflag:s0] =	ssyncadd.tile.s32 @!p0 $0x1;
	_ =	shalt  }
.Lfunc_end2:
_tile_overlayer_lowered:
.L_overlay_start_2:
0x75: {  	(tag) =	ssettag $0x2  }
0x76: {  	s0 =	rddreg [dreg:$0x0];
	s2 =	stileid.u32  }
0x77: {  	s1 =	rddreg [dreg:$0x1];
	p0 =	sne.s32 s2, $0x0  }
0x78: {  	s3 =	rddreg [dreg:$0x2];
	[bflag:$0x3] =	sbarrier.arrive $0xFFFF;
	s2 =	simm.s32 @!p0 $0x1C04  }
0x79: {  	[timem:s3], [sflag:s2] =	dma.local @!p0 [hbm:s0], s1  }
0x7a: {  	s0 =	simm.s32 @!p0 $0x4  }
0x7b: {  	_ =	swait.ge @!p0 [sflag:s0], s1  }
0x7c: {  	s1 =	ssub.s32 @!p0 $0x0, s1;
	[sflag:s0] =	ssyncset.done @!p0 $0x0  }
0x7d: {  	[sflag:s0] =	ssyncadd.s32 @!p0 s1  }
0x7e: {  	[bflag:$0x3] =	sbarrier.arrive $0xFFFF  }
0x7f: {  	_ =	shalt  }

</sc_bundles>
